<compile_context>
chip_gen: v7x
topology: tpu7x:2x2x1
jax: 0.10.2.dev20260603
libtpu: 0.0.44.dev20260713+nightly
codegen_flags: <defaults>
</compile_context>

<pallas_src>
import jax
import jax.numpy as jnp
from jax import lax
from jax.experimental import pallas as pl
from jax.experimental.pallas import tpu as pltpu
from jax.experimental.pallas import tpu_sc as plsc

B = 16384
EMB = 32
NROW = 1000000
NW = 32
BPW = B // NW
GRP = 4
NGRP = BPW // GRP
NSEM = 12


def _sc_kernel(user_ids_h, pos_ids_h, neg_ids_h, user_t_h, movie_t_h,
               out_pos_h, out_neg_h,
               uidx_v, pidx_v, nidx_v,
               w_b0, w_b1, op_v, on_v, *sems_flat):
    wid = lax.axis_index("s") * 2 + lax.axis_index("c")

    pltpu.sync_copy(user_ids_h.at[pl.ds(wid * BPW, BPW)],
                    uidx_v.at[pl.ds(0, BPW)])
    pltpu.sync_copy(pos_ids_h.at[pl.ds(wid * BPW, BPW)],
                    pidx_v.at[pl.ds(0, BPW)])
    pltpu.sync_copy(neg_ids_h.at[pl.ds(wid * BPW, BPW)],
                    nidx_v.at[pl.ds(0, BPW)])

    bufs = (w_b0, w_b1)
    sems = (sems_flat[:NSEM], sems_flat[NSEM:])
    tabs = (user_t_h, movie_t_h, movie_t_h)
    idxs = (uidx_v, pidx_v, nidx_v)

    def fire_group(g, par):
        buf = bufs[par]
        psems = sems[par]
        vecs = [idxs[t][pl.ds(g * GRP, 16)] for t in range(3)]
        for t in range(3):
            for k in range(GRP):
                rid = vecs[t][k]
                col0 = pl.multiple_of((rid // 128) * 128, 128)
                j = t * GRP + k
                pltpu.async_copy(
                    tabs[t].at[pl.ds(0, EMB), pl.ds(col0, 128)],
                    buf.at[j],
                    psems[j % NSEM])

    def wait_group(par):
        buf = bufs[par]
        psems = sems[par]
        for j in range(3 * GRP):
            pltpu.make_async_copy(
                tabs[0].at[pl.ds(0, EMB), pl.ds(0, 128)],
                buf.at[j],
                psems[j % NSEM],
            ).wait()

    lo = lax.iota(jnp.int32, 16)
    hi = lo + 16

    def extract(buf, slot, cid):
        col = jnp.full((16,), cid, jnp.int32)
        slot_v = jnp.full((16,), slot, jnp.int32)
        a = plsc.load_gather(buf, [slot_v, lo, col])
        b = plsc.load_gather(buf, [slot_v, hi, col])
        return a, b

    def compute_group(g, par, accp, accn):
        buf = bufs[par]
        vecs = [idxs[t][pl.ds(g * GRP, 16)] for t in range(3)]
        for k in range(GRP):
            ua, ub = extract(buf, 0 * GRP + k, lax.rem(vecs[0][k], 128))
            pa, pb = extract(buf, 1 * GRP + k, lax.rem(vecs[1][k], 128))
            na, nb = extract(buf, 2 * GRP + k, lax.rem(vecs[2][k], 128))
            lane = lax.rem(g, 4) * GRP + k
            accp = jnp.where(lo == lane, jnp.sum(ua * pa + ub * pb), accp)
            accn = jnp.where(lo == lane, jnp.sum(ua * na + ub * nb), accn)
        is_last = lax.rem(g, 4) == 3

        @pl.when(is_last)
        def _():
            base = (g // 4) * 16
            op_v[pl.ds(base, 16)] = accp
            on_v[pl.ds(base, 16)] = accn

        keep = jnp.where(is_last, 0.0, 1.0)
        return accp * keep, accn * keep

    fire_group(0, 0)
    zeros = jnp.zeros((16,), jnp.float32)

    def pair(i, carry):
        accp, accn = carry
        g0 = i * 2
        fire_group(g0 + 1, 1)
        wait_group(0)
        accp, accn = compute_group(g0, 0, accp, accn)

        @pl.when(i + 1 < NGRP // 2)
        def _():
            fire_group(g0 + 2, 0)

        wait_group(1)
        accp, accn = compute_group(g0 + 1, 1, accp, accn)
        return accp, accn

    lax.fori_loop(0, NGRP // 2, pair, (zeros, zeros))

    out = pl.ds(wid * BPW, BPW)
    pltpu.sync_copy(op_v, out_pos_h.at[out])
    pltpu.sync_copy(on_v, out_neg_h.at[out])


@jax.jit
def kernel(user_ids, pos_ids, neg_ids, user_emb, movie_emb):
    uids = user_ids.astype(jnp.int32)
    pids = pos_ids.astype(jnp.int32)
    nids = neg_ids.astype(jnp.int32)

    mesh = plsc.VectorSubcoreMesh(
        core_axis_name="c", subcore_axis_name="s", num_cores=2, num_subcores=16
    )
    buf = pltpu.VMEM((3 * GRP, EMB, 128), jnp.float32)
    run = pl.kernel(
        _sc_kernel,
        out_type=(
            jax.ShapeDtypeStruct((B,), jnp.float32),
            jax.ShapeDtypeStruct((B,), jnp.float32),
        ),
        mesh=mesh,
        scratch_types=[
            pltpu.VMEM((BPW + 16,), jnp.int32),
            pltpu.VMEM((BPW + 16,), jnp.int32),
            pltpu.VMEM((BPW + 16,), jnp.int32),
            buf, buf,
            pltpu.VMEM((BPW,), jnp.float32),
            pltpu.VMEM((BPW,), jnp.float32),
        ] + [pltpu.SemaphoreType.DMA] * (2 * NSEM),
        compiler_params=pltpu.CompilerParams(needs_layout_passes=False),
    )
    return run(uids, pids, nids, user_emb.T, movie_emb.T)

# --- scband reference (transcript-rebuilt; emitter-appended) ---
"""Pipeline reference for scband-matrix-factorization-61701500174717 (READ-ONLY COPY).

The authoritative reference and input builder live on the scoring server;
editing this copy changes nothing except your own understanding.
"""

import jax, jax.numpy as jnp
import numpy as np

NUM_USERS = 1000000
NUM_MOVIES = 1000000
EMB = 32
B = 16384

def setup_inputs(seed: int = 0) -> dict:
    key = jax.random.key(seed)
    k1, k2, k3, k4, k5 = jax.random.split(key, 5)
    user_ids = jax.random.randint(k1, (B,), 0, NUM_USERS, dtype=jnp.int64 if jax.config.jax_enable_x64 else jnp.int32)
    pos_ids = jax.random.randint(k2, (B,), 0, NUM_MOVIES, dtype=jnp.int64 if jax.config.jax_enable_x64 else jnp.int32)
    neg_ids = jax.random.randint(k3, (B,), 0, NUM_MOVIES, dtype=jnp.int64 if jax.config.jax_enable_x64 else jnp.int32)
    user_emb = jax.random.normal(k4, (NUM_USERS, EMB), dtype=jnp.float32) * 0.01
    movie_emb = jax.random.normal(k5, (NUM_MOVIES, EMB), dtype=jnp.float32) * 0.01
    return {"user_ids": user_ids, "pos_ids": pos_ids, "neg_ids": neg_ids, "user_emb": user_emb, "movie_emb": movie_emb}

def reference(user_ids, pos_ids, neg_ids, user_emb, movie_emb):
    u = jnp.take(user_emb, user_ids, axis=0)
    pi = jnp.take(movie_emb, pos_ids, axis=0)
    ni = jnp.take(movie_emb, neg_ids, axis=0)
    pos_scores = (u * pi).sum(axis=1)
    neg_scores = (u * ni).sum(axis=1)
    return (pos_scores, neg_scores)

if __name__ == "__main__":
    import jax
    _d = setup_inputs()
    print(jax.jit(kernel)(*tuple(_d.values())))

</pallas_src>

<mosaic_0001>
#map = affine_map<(d0, d1) -> (0)>
#map1 = affine_map<(d0, d1) -> (0, 0)>
module attributes {stable_mosaic.version = 14 : i64} {
  func.func @_sc_kernel(%arg0: i32, %arg1: i32, %arg2: memref<16384xi32, #tpu.memory_space<hbm>>, %arg3: memref<16384xi32, #tpu.memory_space<hbm>>, %arg4: memref<16384xi32, #tpu.memory_space<hbm>>, %arg5: memref<32x1000000xf32, #tpu.memory_space<hbm>>, %arg6: memref<32x1000000xf32, #tpu.memory_space<hbm>>, %arg7: memref<16384xf32, #tpu.memory_space<hbm>>, %arg8: memref<16384xf32, #tpu.memory_space<hbm>>, %arg9: memref<528xi32, #tpu.memory_space<vmem>>, %arg10: memref<528xi32, #tpu.memory_space<vmem>>, %arg11: memref<528xi32, #tpu.memory_space<vmem>>, %arg12: memref<12x32x128xf32, #tpu.memory_space<vmem>>, %arg13: memref<12x32x128xf32, #tpu.memory_space<vmem>>, %arg14: memref<512xf32, #tpu.memory_space<vmem>>, %arg15: memref<512xf32, #tpu.memory_space<vmem>>, %arg16: memref<!tpu.dma_semaphore, #tpu.memory_space<semaphore_mem>>, %arg17: memref<!tpu.dma_semaphore, #tpu.memory_space<semaphore_mem>>, %arg18: memref<!tpu.dma_semaphore, #tpu.memory_space<semaphore_mem>>, %arg19: memref<!tpu.dma_semaphore, #tpu.memory_space<semaphore_mem>>, %arg20: memref<!tpu.dma_semaphore, #tpu.memory_space<semaphore_mem>>, %arg21: memref<!tpu.dma_semaphore, #tpu.memory_space<semaphore_mem>>, %arg22: memref<!tpu.dma_semaphore, #tpu.memory_space<semaphore_mem>>, %arg23: memref<!tpu.dma_semaphore, #tpu.memory_space<semaphore_mem>>, %arg24: memref<!tpu.dma_semaphore, #tpu.memory_space<semaphore_mem>>, %arg25: memref<!tpu.dma_semaphore, #tpu.memory_space<semaphore_mem>>, %arg26: memref<!tpu.dma_semaphore, #tpu.memory_space<semaphore_mem>>, %arg27: memref<!tpu.dma_semaphore, #tpu.memory_space<semaphore_mem>>, %arg28: memref<!tpu.dma_semaphore, #tpu.memory_space<semaphore_mem>>, %arg29: memref<!tpu.dma_semaphore, #tpu.memory_space<semaphore_mem>>, %arg30: memref<!tpu.dma_semaphore, #tpu.memory_space<semaphore_mem>>, %arg31: memref<!tpu.dma_semaphore, #tpu.memory_space<semaphore_mem>>, %arg32: memref<!tpu.dma_semaphore, #tpu.memory_space<semaphore_mem>>, %arg33: memref<!tpu.dma_semaphore, #tpu.memory_space<semaphore_mem>>, %arg34: memref<!tpu.dma_semaphore, #tpu.memory_space<semaphore_mem>>, %arg35: memref<!tpu.dma_semaphore, #tpu.memory_space<semaphore_mem>>, %arg36: memref<!tpu.dma_semaphore, #tpu.memory_space<semaphore_mem>>, %arg37: memref<!tpu.dma_semaphore, #tpu.memory_space<semaphore_mem>>, %arg38: memref<!tpu.dma_semaphore, #tpu.memory_space<semaphore_mem>>, %arg39: memref<!tpu.dma_semaphore, #tpu.memory_space<semaphore_mem>>) attributes {dimension_semantics = [#tpu.dimension_semantics<core_parallel>, #tpu.dimension_semantics<subcore_parallel>], iteration_bounds = array<i64: 2, 16>, scalar_prefetch = 0 : i64, scratch_operands = 31 : i64, tpu.core_type = #tpu.core_type<sc_vector_subcore>, window_params = [{transform_indices = #map}, {transform_indices = #map}, {transform_indices = #map}, {transform_indices = #map1}, {transform_indices = #map1}, {transform_indices = #map}, {transform_indices = #map}]} {
    %mul3A = arith.constant 2 : i32
    %mul3A_0 = arith.muli %arg1, %mul3A : i32
    %add3A = arith.addi %mul3A_0, %arg0 : i32
    %mul3A_1 = arith.constant 512 : i32
    %mul3A_2 = arith.muli %add3A, %mul3A_1 : i32
    "tpu.region"() ({
      %run_scoped3A = tpu.sem_alloc : memref<!tpu.dma_semaphore, #tpu.memory_space<semaphore_mem>>
      %dma_start3A_515 = arith.constant 0 : i32
      %dma_start3A_516 = tpu.memref_slice %arg9[%dma_start3A_515] : memref<528xi32, #tpu.memory_space<vmem>> -> memref<512xi32, #tpu.memory_space<vmem>>
      %dma_start3A_517 = tpu.memref_slice %arg2[%mul3A_2] : memref<16384xi32, #tpu.memory_space<hbm>> -> memref<512xi32, #tpu.memory_space<hbm>>
      %dma_start3A_518 = arith.constant 0 : i32
      %dma_start3A_519 = tpu.memref_slice %arg9[%dma_start3A_518] : memref<528xi32, #tpu.memory_space<vmem>> -> memref<512xi32, #tpu.memory_space<vmem>>
      %dma_start3A_520 = tpu.memref_slice %arg2[%mul3A_2] : memref<16384xi32, #tpu.memory_space<hbm>> -> memref<512xi32, #tpu.memory_space<hbm>>
      tpu.enqueue_dma source(%dma_start3A_520 : memref<512xi32, #tpu.memory_space<hbm>>) target(%dma_start3A_519 : memref<512xi32, #tpu.memory_space<vmem>>) target_semaphore(%run_scoped3A : memref<!tpu.dma_semaphore, #tpu.memory_space<semaphore_mem>>)
      %dma_wait3A = arith.constant 0 : i32
      %dma_wait3A_521 = tpu.memref_slice %arg9[%dma_wait3A] : memref<528xi32, #tpu.memory_space<vmem>> -> memref<512xi32, #tpu.memory_space<vmem>>
      %dma_wait3A_522 = tpu.memref_slice %arg2[%mul3A_2] : memref<16384xi32, #tpu.memory_space<hbm>> -> memref<512xi32, #tpu.memory_space<hbm>>
      %dma_wait3A_523 = arith.constant 0 : i32
      %dma_wait3A_524 = tpu.memref_slice %arg9[%dma_wait3A_523] : memref<528xi32, #tpu.memory_space<vmem>> -> memref<512xi32, #tpu.memory_space<vmem>>
      %dma_wait3A_525 = tpu.memref_slice %arg2[%mul3A_2] : memref<16384xi32, #tpu.memory_space<hbm>> -> memref<512xi32, #tpu.memory_space<hbm>>
      tpu.wait_dma2 semaphore(%run_scoped3A : memref<!tpu.dma_semaphore, #tpu.memory_space<semaphore_mem>>) src(%dma_wait3A_525 : memref<512xi32, #tpu.memory_space<hbm>>) dst(%dma_wait3A_524 : memref<512xi32, #tpu.memory_space<vmem>>)
      tpu.yield
    }) : () -> ()
    %mul3A_3 = arith.constant 512 : i32
    %mul3A_4 = arith.muli %add3A, %mul3A_3 : i32
    "tpu.region"() ({
      %run_scoped3A = tpu.sem_alloc : memref<!tpu.dma_semaphore, #tpu.memory_space<semaphore_mem>>
      %dma_start3A_515 = arith.constant 0 : i32
      %dma_start3A_516 = tpu.memref_slice %arg10[%dma_start3A_515] : memref<528xi32, #tpu.memory_space<vmem>> -> memref<512xi32, #tpu.memory_space<vmem>>
      %dma_start3A_517 = tpu.memref_slice %arg3[%mul3A_4] : memref<16384xi32, #tpu.memory_space<hbm>> -> memref<512xi32, #tpu.memory_space<hbm>>
      %dma_start3A_518 = arith.constant 0 : i32
      %dma_start3A_519 = tpu.memref_slice %arg10[%dma_start3A_518] : memref<528xi32, #tpu.memory_space<vmem>> -> memref<512xi32, #tpu.memory_space<vmem>>
      %dma_start3A_520 = tpu.memref_slice %arg3[%mul3A_4] : memref<16384xi32, #tpu.memory_space<hbm>> -> memref<512xi32, #tpu.memory_space<hbm>>
      tpu.enqueue_dma source(%dma_start3A_520 : memref<512xi32, #tpu.memory_space<hbm>>) target(%dma_start3A_519 : memref<512xi32, #tpu.memory_space<vmem>>) target_semaphore(%run_scoped3A : memref<!tpu.dma_semaphore, #tpu.memory_space<semaphore_mem>>)
      %dma_wait3A = arith.constant 0 : i32
      %dma_wait3A_521 = tpu.memref_slice %arg10[%dma_wait3A] : memref<528xi32, #tpu.memory_space<vmem>> -> memref<512xi32, #tpu.memory_space<vmem>>
      %dma_wait3A_522 = tpu.memref_slice %arg3[%mul3A_4] : memref<16384xi32, #tpu.memory_space<hbm>> -> memref<512xi32, #tpu.memory_space<hbm>>
      %dma_wait3A_523 = arith.constant 0 : i32
      %dma_wait3A_524 = tpu.memref_slice %arg10[%dma_wait3A_523] : memref<528xi32, #tpu.memory_space<vmem>> -> memref<512xi32, #tpu.memory_space<vmem>>
      %dma_wait3A_525 = tpu.memref_slice %arg3[%mul3A_4] : memref<16384xi32, #tpu.memory_space<hbm>> -> memref<512xi32, #tpu.memory_space<hbm>>
      tpu.wait_dma2 semaphore(%run_scoped3A : memref<!tpu.dma_semaphore, #tpu.memory_space<semaphore_mem>>) src(%dma_wait3A_525 : memref<512xi32, #tpu.memory_space<hbm>>) dst(%dma_wait3A_524 : memref<512xi32, #tpu.memory_space<vmem>>)
      tpu.yield
    }) : () -> ()
    %mul3A_5 = arith.constant 512 : i32
    %mul3A_6 = arith.muli %add3A, %mul3A_5 : i32
    "tpu.region"() ({
      %run_scoped3A = tpu.sem_alloc : memref<!tpu.dma_semaphore, #tpu.memory_space<semaphore_mem>>
      %dma_start3A_515 = arith.constant 0 : i32
      %dma_start3A_516 = tpu.memref_slice %arg11[%dma_start3A_515] : memref<528xi32, #tpu.memory_space<vmem>> -> memref<512xi32, #tpu.memory_space<vmem>>
      %dma_start3A_517 = tpu.memref_slice %arg4[%mul3A_6] : memref<16384xi32, #tpu.memory_space<hbm>> -> memref<512xi32, #tpu.memory_space<hbm>>
      %dma_start3A_518 = arith.constant 0 : i32
      %dma_start3A_519 = tpu.memref_slice %arg11[%dma_start3A_518] : memref<528xi32, #tpu.memory_space<vmem>> -> memref<512xi32, #tpu.memory_space<vmem>>
      %dma_start3A_520 = tpu.memref_slice %arg4[%mul3A_6] : memref<16384xi32, #tpu.memory_space<hbm>> -> memref<512xi32, #tpu.memory_space<hbm>>
      tpu.enqueue_dma source(%dma_start3A_520 : memref<512xi32, #tpu.memory_space<hbm>>) target(%dma_start3A_519 : memref<512xi32, #tpu.memory_space<vmem>>) target_semaphore(%run_scoped3A : memref<!tpu.dma_semaphore, #tpu.memory_space<semaphore_mem>>)
      %dma_wait3A = arith.constant 0 : i32
      %dma_wait3A_521 = tpu.memref_slice %arg11[%dma_wait3A] : memref<528xi32, #tpu.memory_space<vmem>> -> memref<512xi32, #tpu.memory_space<vmem>>
      %dma_wait3A_522 = tpu.memref_slice %arg4[%mul3A_6] : memref<16384xi32, #tpu.memory_space<hbm>> -> memref<512xi32, #tpu.memory_space<hbm>>
      %dma_wait3A_523 = arith.constant 0 : i32
      %dma_wait3A_524 = tpu.memref_slice %arg11[%dma_wait3A_523] : memref<528xi32, #tpu.memory_space<vmem>> -> memref<512xi32, #tpu.memory_space<vmem>>
      %dma_wait3A_525 = tpu.memref_slice %arg4[%mul3A_6] : memref<16384xi32, #tpu.memory_space<hbm>> -> memref<512xi32, #tpu.memory_space<hbm>>
      tpu.wait_dma2 semaphore(%run_scoped3A : memref<!tpu.dma_semaphore, #tpu.memory_space<semaphore_mem>>) src(%dma_wait3A_525 : memref<512xi32, #tpu.memory_space<hbm>>) dst(%dma_wait3A_524 : memref<512xi32, #tpu.memory_space<vmem>>)
      tpu.yield
    }) : () -> ()
    %iota3A = tpu.iota {dimensions = array<i32: 0>} : vector<16xi32>
    %add3A_7 = arith.constant 16 : i32
    %add3A_8 = vector.broadcast %add3A_7 : i32 to vector<16xi32>
    %add3A_9 = arith.addi %iota3A, %add3A_8 : vector<16xi32>
    %get3A = arith.constant 0 : index
    %get3A_10 = tpu.vector_load %arg9[%get3A] {strides = array<i32>} : memref<528xi32, #tpu.memory_space<vmem>>, vector<16xi32>,
    %get3A_11 = arith.constant 0 : index
    %get3A_12 = tpu.vector_load %arg10[%get3A_11] {strides = array<i32>} : memref<528xi32, #tpu.memory_space<vmem>>, vector<16xi32>,
    %get3A_13 = arith.constant 0 : index
    %get3A_14 = tpu.vector_load %arg11[%get3A_13] {strides = array<i32>} : memref<528xi32, #tpu.memory_space<vmem>>, vector<16xi32>,
    %slice3A = vector.extract_strided_slice %get3A_10 {offsets = [0], sizes = [1], strides = [1]} : vector<16xi32> to vector<1xi32>
    %squeeze3A = vector.extract %slice3A[0] : i32 from vector<1xi32>
    %jit3A = arith.constant 128 : i32
    %div3A = arith.divsi %squeeze3A, %jit3A : i32
    %sign3A = arith.constant 0 : i32
    %sign3A_15 = arith.cmpi sgt, %squeeze3A, %sign3A : i32
    %sign3A_16 = arith.extui %sign3A_15 : i1 to i32
    %sign3A_17 = arith.constant 0 : i32
    %sign3A_18 = arith.cmpi slt, %squeeze3A, %sign3A_17 : i32
    %sign3A_19 = arith.extui %sign3A_18 : i1 to i32
    %sign3A_20 = arith.subi %sign3A_16, %sign3A_19 : i32
    %sign3A_21 = arith.constant 0 : i32
    %sign3A_22 = arith.cmpi sgt, %jit3A, %sign3A_21 : i32
    %sign3A_23 = arith.extui %sign3A_22 : i1 to i32
    %sign3A_24 = arith.constant 0 : i32
    %sign3A_25 = arith.cmpi slt, %jit3A, %sign3A_24 : i32
    %sign3A_26 = arith.extui %sign3A_25 : i1 to i32
    %sign3A_27 = arith.subi %sign3A_23, %sign3A_26 : i32
    %ne3A = arith.cmpi ne, %sign3A_20, %sign3A_27 : i32
    %rem3A = arith.remsi %squeeze3A, %jit3A : i32
    %ne3A_28 = arith.constant 0 : i32
    %ne3A_29 = arith.cmpi ne, %rem3A, %ne3A_28 : i32
    %and3A = arith.andi %ne3A, %ne3A_29 : i1
    %sub3A = arith.constant 1 : i32
    %sub3A_30 = arith.subi %div3A, %sub3A : i32
    %select_n3A = arith.select %and3A, %sub3A_30, %div3A : i32
    %mul3A_31 = arith.constant 128 : i32
    %mul3A_32 = arith.muli %select_n3A, %mul3A_31 : i32
    %multiple_of3A = tpu.assume_multiple %mul3A_32, 128 : i32
    %dma_start3A = arith.constant 0 : i32
    %dma_start3A_33 = arith.constant 0 : i32
    %dma_start3A_34 = arith.constant 0 : i32
    %dma_start3A_35 = tpu.memref_slice %arg12[%dma_start3A, %dma_start3A_33, %dma_start3A_34] : memref<12x32x128xf32, #tpu.memory_space<vmem>> -> memref<1x32x128xf32, #tpu.memory_space<vmem>>
    %dma_start3A_36 = tpu.memref_squeeze %dma_start3A_35 : memref<1x32x128xf32, #tpu.memory_space<vmem>> -> memref<32x128xf32, #tpu.memory_space<vmem>>
    %dma_start3A_37 = arith.constant 0 : i32
    %dma_start3A_38 = tpu.memref_slice %arg5[%dma_start3A_37, %multiple_of3A] : memref<32x1000000xf32, #tpu.memory_space<hbm>> -> memref<32x128xf32, #tpu.memory_space<hbm>>
    %dma_start3A_39 = arith.constant 0 : i32
    %dma_start3A_40 = arith.constant 0 : i32
    %dma_start3A_41 = tpu.memref_slice %arg12[%dma_start3A, %dma_start3A_39, %dma_start3A_40] : memref<12x32x128xf32, #tpu.memory_space<vmem>> -> memref<1x32x128xf32, #tpu.memory_space<vmem>>
    %dma_start3A_42 = tpu.memref_squeeze %dma_start3A_41 : memref<1x32x128xf32, #tpu.memory_space<vmem>> -> memref<32x128xf32, #tpu.memory_space<vmem>>
    %dma_start3A_43 = arith.constant 0 : i32
    %dma_start3A_44 = tpu.memref_slice %arg5[%dma_start3A_43, %multiple_of3A] : memref<32x1000000xf32, #tpu.memory_space<hbm>> -> memref<32x128xf32, #tpu.memory_space<hbm>>
    tpu.enqueue_dma source(%dma_start3A_44 : memref<32x128xf32, #tpu.memory_space<hbm>>) target(%dma_start3A_42 : memref<32x128xf32, #tpu.memory_space<vmem>>) target_semaphore(%arg16 : memref<!tpu.dma_semaphore, #tpu.memory_space<semaphore_mem>>)
    %slice3A_45 = vector.extract_strided_slice %get3A_10 {offsets = [1], sizes = [1], strides = [1]} : vector<16xi32> to vector<1xi32>
    %squeeze3A_46 = vector.extract %slice3A_45[0] : i32 from vector<1xi32>
    %jit3A_47 = arith.constant 128 : i32
    %div3A_48 = arith.divsi %squeeze3A_46, %jit3A_47 : i32
    %sign3A_49 = arith.constant 0 : i32
    %sign3A_50 = arith.cmpi sgt, %squeeze3A_46, %sign3A_49 : i32
    %sign3A_51 = arith.extui %sign3A_50 : i1 to i32
    %sign3A_52 = arith.constant 0 : i32
    %sign3A_53 = arith.cmpi slt, %squeeze3A_46, %sign3A_52 : i32
    %sign3A_54 = arith.extui %sign3A_53 : i1 to i32
    %sign3A_55 = arith.subi %sign3A_51, %sign3A_54 : i32
    %sign3A_56 = arith.constant 0 : i32
    %sign3A_57 = arith.cmpi sgt, %jit3A_47, %sign3A_56 : i32
    %sign3A_58 = arith.extui %sign3A_57 : i1 to i32
    %sign3A_59 = arith.constant 0 : i32
    %sign3A_60 = arith.cmpi slt, %jit3A_47, %sign3A_59 : i32
    %sign3A_61 = arith.extui %sign3A_60 : i1 to i32
    %sign3A_62 = arith.subi %sign3A_58, %sign3A_61 : i32
    %ne3A_63 = arith.cmpi ne, %sign3A_55, %sign3A_62 : i32
    %rem3A_64 = arith.remsi %squeeze3A_46, %jit3A_47 : i32
    %ne3A_65 = arith.constant 0 : i32
    %ne3A_66 = arith.cmpi ne, %rem3A_64, %ne3A_65 : i32
    %and3A_67 = arith.andi %ne3A_63, %ne3A_66 : i1
    %sub3A_68 = arith.constant 1 : i32
    %sub3A_69 = arith.subi %div3A_48, %sub3A_68 : i32
    %select_n3A_70 = arith.select %and3A_67, %sub3A_69, %div3A_48 : i32
    %mul3A_71 = arith.constant 128 : i32
    %mul3A_72 = arith.muli %select_n3A_70, %mul3A_71 : i32
    %multiple_of3A_73 = tpu.assume_multiple %mul3A_72, 128 : i32
    %dma_start3A_74 = arith.constant 1 : i32
    %dma_start3A_75 = arith.constant 0 : i32
    %dma_start3A_76 = arith.constant 0 : i32
    %dma_start3A_77 = tpu.memref_slice %arg12[%dma_start3A_74, %dma_start3A_75, %dma_start3A_76] : memref<12x32x128xf32, #tpu.memory_space<vmem>> -> memref<1x32x128xf32, #tpu.memory_space<vmem>>
    %dma_start3A_78 = tpu.memref_squeeze %dma_start3A_77 : memref<1x32x128xf32, #tpu.memory_space<vmem>> -> memref<32x128xf32, #tpu.memory_space<vmem>>
    %dma_start3A_79 = arith.constant 0 : i32
    %dma_start3A_80 = tpu.memref_slice %arg5[%dma_start3A_79, %multiple_of3A_73] : memref<32x1000000xf32, #tpu.memory_space<hbm>> -> memref<32x128xf32, #tpu.memory_space<hbm>>
    %dma_start3A_81 = arith.constant 0 : i32
    %dma_start3A_82 = arith.constant 0 : i32
    %dma_start3A_83 = tpu.memref_slice %arg12[%dma_start3A_74, %dma_start3A_81, %dma_start3A_82] : memref<12x32x128xf32, #tpu.memory_space<vmem>> -> memref<1x32x128xf32, #tpu.memory_space<vmem>>
    %dma_start3A_84 = tpu.memref_squeeze %dma_start3A_83 : memref<1x32x128xf32, #tpu.memory_space<vmem>> -> memref<32x128xf32, #tpu.memory_space<vmem>>
    %dma_start3A_85 = arith.constant 0 : i32
    %dma_start3A_86 = tpu.memref_slice %arg5[%dma_start3A_85, %multiple_of3A_73] : memref<32x1000000xf32, #tpu.memory_space<hbm>> -> memref<32x128xf32, #tpu.memory_space<hbm>>
    tpu.enqueue_dma source(%dma_start3A_86 : memref<32x128xf32, #tpu.memory_space<hbm>>) target(%dma_start3A_84 : memref<32x128xf32, #tpu.memory_space<vmem>>) target_semaphore(%arg17 : memref<!tpu.dma_semaphore, #tpu.memory_space<semaphore_mem>>)
    %slice3A_87 = vector.extract_strided_slice %get3A_10 {offsets = [2], sizes = [1], strides = [1]} : vector<16xi32> to vector<1xi32>
    %squeeze3A_88 = vector.extract %slice3A_87[0] : i32 from vector<1xi32>
    %jit3A_89 = arith.constant 128 : i32
    %div3A_90 = arith.divsi %squeeze3A_88, %jit3A_89 : i32
    %sign3A_91 = arith.constant 0 : i32
    %sign3A_92 = arith.cmpi sgt, %squeeze3A_88, %sign3A_91 : i32
    %sign3A_93 = arith.extui %sign3A_92 : i1 to i32
    %sign3A_94 = arith.constant 0 : i32
    %sign3A_95 = arith.cmpi slt, %squeeze3A_88, %sign3A_94 : i32
    %sign3A_96 = arith.extui %sign3A_95 : i1 to i32
    %sign3A_97 = arith.subi %sign3A_93, %sign3A_96 : i32
    %sign3A_98 = arith.constant 0 : i32
    %sign3A_99 = arith.cmpi sgt, %jit3A_89, %sign3A_98 : i32
    %sign3A_100 = arith.extui %sign3A_99 : i1 to i32
    %sign3A_101 = arith.constant 0 : i32
    %sign3A_102 = arith.cmpi slt, %jit3A_89, %sign3A_101 : i32
    %sign3A_103 = arith.extui %sign3A_102 : i1 to i32
    %sign3A_104 = arith.subi %sign3A_100, %sign3A_103 : i32
    %ne3A_105 = arith.cmpi ne, %sign3A_97, %sign3A_104 : i32
    %rem3A_106 = arith.remsi %squeeze3A_88, %jit3A_89 : i32
    %ne3A_107 = arith.constant 0 : i32
    %ne3A_108 = arith.cmpi ne, %rem3A_106, %ne3A_107 : i32
    %and3A_109 = arith.andi %ne3A_105, %ne3A_108 : i1
    %sub3A_110 = arith.constant 1 : i32
    %sub3A_111 = arith.subi %div3A_90, %sub3A_110 : i32
    %select_n3A_112 = arith.select %and3A_109, %sub3A_111, %div3A_90 : i32
    %mul3A_113 = arith.constant 128 : i32
    %mul3A_114 = arith.muli %select_n3A_112, %mul3A_113 : i32
    %multiple_of3A_115 = tpu.assume_multiple %mul3A_114, 128 : i32
    %dma_start3A_116 = arith.constant 2 : i32
    %dma_start3A_117 = arith.constant 0 : i32
    %dma_start3A_118 = arith.constant 0 : i32
    %dma_start3A_119 = tpu.memref_slice %arg12[%dma_start3A_116, %dma_start3A_117, %dma_start3A_118] : memref<12x32x128xf32, #tpu.memory_space<vmem>> -> memref<1x32x128xf32, #tpu.memory_space<vmem>>
    %dma_start3A_120 = tpu.memref_squeeze %dma_start3A_119 : memref<1x32x128xf32, #tpu.memory_space<vmem>> -> memref<32x128xf32, #tpu.memory_space<vmem>>
    %dma_start3A_121 = arith.constant 0 : i32
    %dma_start3A_122 = tpu.memref_slice %arg5[%dma_start3A_121, %multiple_of3A_115] : memref<32x1000000xf32, #tpu.memory_space<hbm>> -> memref<32x128xf32, #tpu.memory_space<hbm>>
    %dma_start3A_123 = arith.constant 0 : i32
    %dma_start3A_124 = arith.constant 0 : i32
    %dma_start3A_125 = tpu.memref_slice %arg12[%dma_start3A_116, %dma_start3A_123, %dma_start3A_124] : memref<12x32x128xf32, #tpu.memory_space<vmem>> -> memref<1x32x128xf32, #tpu.memory_space<vmem>>
    %dma_start3A_126 = tpu.memref_squeeze %dma_start3A_125 : memref<1x32x128xf32, #tpu.memory_space<vmem>> -> memref<32x128xf32, #tpu.memory_space<vmem>>
    %dma_start3A_127 = arith.constant 0 : i32
    %dma_start3A_128 = tpu.memref_slice %arg5[%dma_start3A_127, %multiple_of3A_115] : memref<32x1000000xf32, #tpu.memory_space<hbm>> -> memref<32x128xf32, #tpu.memory_space<hbm>>
    tpu.enqueue_dma source(%dma_start3A_128 : memref<32x128xf32, #tpu.memory_space<hbm>>) target(%dma_start3A_126 : memref<32x128xf32, #tpu.memory_space<vmem>>) target_semaphore(%arg18 : memref<!tpu.dma_semaphore, #tpu.memory_space<semaphore_mem>>)
    %slice3A_129 = vector.extract_strided_slice %get3A_10 {offsets = [3], sizes = [1], strides = [1]} : vector<16xi32> to vector<1xi32>
    %squeeze3A_130 = vector.extract %slice3A_129[0] : i32 from vector<1xi32>
    %jit3A_131 = arith.constant 128 : i32
    %div3A_132 = arith.divsi %squeeze3A_130, %jit3A_131 : i32
    %sign3A_133 = arith.constant 0 : i32
    %sign3A_134 = arith.cmpi sgt, %squeeze3A_130, %sign3A_133 : i32
    %sign3A_135 = arith.extui %sign3A_134 : i1 to i32
    %sign3A_136 = arith.constant 0 : i32
    %sign3A_137 = arith.cmpi slt, %squeeze3A_130, %sign3A_136 : i32
    %sign3A_138 = arith.extui %sign3A_137 : i1 to i32
    %sign3A_139 = arith.subi %sign3A_135, %sign3A_138 : i32
    %sign3A_140 = arith.constant 0 : i32
    %sign3A_141 = arith.cmpi sgt, %jit3A_131, %sign3A_140 : i32
    %sign3A_142 = arith.extui %sign3A_141 : i1 to i32
    %sign3A_143 = arith.constant 0 : i32
    %sign3A_144 = arith.cmpi slt, %jit3A_131, %sign3A_143 : i32
    %sign3A_145 = arith.extui %sign3A_144 : i1 to i32
    %sign3A_146 = arith.subi %sign3A_142, %sign3A_145 : i32
    %ne3A_147 = arith.cmpi ne, %sign3A_139, %sign3A_146 : i32
    %rem3A_148 = arith.remsi %squeeze3A_130, %jit3A_131 : i32
    %ne3A_149 = arith.constant 0 : i32
    %ne3A_150 = arith.cmpi ne, %rem3A_148, %ne3A_149 : i32
    %and3A_151 = arith.andi %ne3A_147, %ne3A_150 : i1
    %sub3A_152 = arith.constant 1 : i32
    %sub3A_153 = arith.subi %div3A_132, %sub3A_152 : i32
    %select_n3A_154 = arith.select %and3A_151, %sub3A_153, %div3A_132 : i32
    %mul3A_155 = arith.constant 128 : i32
    %mul3A_156 = arith.muli %select_n3A_154, %mul3A_155 : i32
    %multiple_of3A_157 = tpu.assume_multiple %mul3A_156, 128 : i32
    %dma_start3A_158 = arith.constant 3 : i32
    %dma_start3A_159 = arith.constant 0 : i32
    %dma_start3A_160 = arith.constant 0 : i32
    %dma_start3A_161 = tpu.memref_slice %arg12[%dma_start3A_158, %dma_start3A_159, %dma_start3A_160] : memref<12x32x128xf32, #tpu.memory_space<vmem>> -> memref<1x32x128xf32, #tpu.memory_space<vmem>>
    %dma_start3A_162 = tpu.memref_squeeze %dma_start3A_161 : memref<1x32x128xf32, #tpu.memory_space<vmem>> -> memref<32x128xf32, #tpu.memory_space<vmem>>
    %dma_start3A_163 = arith.constant 0 : i32
    %dma_start3A_164 = tpu.memref_slice %arg5[%dma_start3A_163, %multiple_of3A_157] : memref<32x1000000xf32, #tpu.memory_space<hbm>> -> memref<32x128xf32, #tpu.memory_space<hbm>>
    %dma_start3A_165 = arith.constant 0 : i32
    %dma_start3A_166 = arith.constant 0 : i32
    %dma_start3A_167 = tpu.memref_slice %arg12[%dma_start3A_158, %dma_start3A_165, %dma_start3A_166] : memref<12x32x128xf32, #tpu.memory_space<vmem>> -> memref<1x32x128xf32, #tpu.memory_space<vmem>>
    %dma_start3A_168 = tpu.memref_squeeze %dma_start3A_167 : memref<1x32x128xf32, #tpu.memory_space<vmem>> -> memref<32x128xf32, #tpu.memory_space<vmem>>
    %dma_start3A_169 = arith.constant 0 : i32
    %dma_start3A_170 = tpu.memref_slice %arg5[%dma_start3A_169, %multiple_of3A_157] : memref<32x1000000xf32, #tpu.memory_space<hbm>> -> memref<32x128xf32, #tpu.memory_space<hbm>>
    tpu.enqueue_dma source(%dma_start3A_170 : memref<32x128xf32, #tpu.memory_space<hbm>>) target(%dma_start3A_168 : memref<32x128xf32, #tpu.memory_space<vmem>>) target_semaphore(%arg19 : memref<!tpu.dma_semaphore, #tpu.memory_space<semaphore_mem>>)
    %slice3A_171 = vector.extract_strided_slice %get3A_12 {offsets = [0], sizes = [1], strides = [1]} : vector<16xi32> to vector<1xi32>
    %squeeze3A_172 = vector.extract %slice3A_171[0] : i32 from vector<1xi32>
    %jit3A_173 = arith.constant 128 : i32
    %div3A_174 = arith.divsi %squeeze3A_172, %jit3A_173 : i32
    %sign3A_175 = arith.constant 0 : i32
    %sign3A_176 = arith.cmpi sgt, %squeeze3A_172, %sign3A_175 : i32
    %sign3A_177 = arith.extui %sign3A_176 : i1 to i32
    %sign3A_178 = arith.constant 0 : i32
    %sign3A_179 = arith.cmpi slt, %squeeze3A_172, %sign3A_178 : i32
    %sign3A_180 = arith.extui %sign3A_179 : i1 to i32
    %sign3A_181 = arith.subi %sign3A_177, %sign3A_180 : i32
    %sign3A_182 = arith.constant 0 : i32
    %sign3A_183 = arith.cmpi sgt, %jit3A_173, %sign3A_182 : i32
    %sign3A_184 = arith.extui %sign3A_183 : i1 to i32
    %sign3A_185 = arith.constant 0 : i32
    %sign3A_186 = arith.cmpi slt, %jit3A_173, %sign3A_185 : i32
    %sign3A_187 = arith.extui %sign3A_186 : i1 to i32
    %sign3A_188 = arith.subi %sign3A_184, %sign3A_187 : i32
    %ne3A_189 = arith.cmpi ne, %sign3A_181, %sign3A_188 : i32
    %rem3A_190 = arith.remsi %squeeze3A_172, %jit3A_173 : i32
    %ne3A_191 = arith.constant 0 : i32
    %ne3A_192 = arith.cmpi ne, %rem3A_190, %ne3A_191 : i32
    %and3A_193 = arith.andi %ne3A_189, %ne3A_192 : i1
    %sub3A_194 = arith.constant 1 : i32
    %sub3A_195 = arith.subi %div3A_174, %sub3A_194 : i32
    %select_n3A_196 = arith.select %and3A_193, %sub3A_195, %div3A_174 : i32
    %mul3A_197 = arith.constant 128 : i32
    %mul3A_198 = arith.muli %select_n3A_196, %mul3A_197 : i32
    %multiple_of3A_199 = tpu.assume_multiple %mul3A_198, 128 : i32
    %dma_start3A_200 = arith.constant 4 : i32
    %dma_start3A_201 = arith.constant 0 : i32
    %dma_start3A_202 = arith.constant 0 : i32
    %dma_start3A_203 = tpu.memref_slice %arg12[%dma_start3A_200, %dma_start3A_201, %dma_start3A_202] : memref<12x32x128xf32, #tpu.memory_space<vmem>> -> memref<1x32x128xf32, #tpu.memory_space<vmem>>
    %dma_start3A_204 = tpu.memref_squeeze %dma_start3A_203 : memref<1x32x128xf32, #tpu.memory_space<vmem>> -> memref<32x128xf32, #tpu.memory_space<vmem>>
    %dma_start3A_205 = arith.constant 0 : i32
    %dma_start3A_206 = tpu.memref_slice %arg6[%dma_start3A_205, %multiple_of3A_199] : memref<32x1000000xf32, #tpu.memory_space<hbm>> -> memref<32x128xf32, #tpu.memory_space<hbm>>
    %dma_start3A_207 = arith.constant 0 : i32
    %dma_start3A_208 = arith.constant 0 : i32
    %dma_start3A_209 = tpu.memref_slice %arg12[%dma_start3A_200, %dma_start3A_207, %dma_start3A_208] : memref<12x32x128xf32, #tpu.memory_space<vmem>> -> memref<1x32x128xf32, #tpu.memory_space<vmem>>
    %dma_start3A_210 = tpu.memref_squeeze %dma_start3A_209 : memref<1x32x128xf32, #tpu.memory_space<vmem>> -> memref<32x128xf32, #tpu.memory_space<vmem>>
    %dma_start3A_211 = arith.constant 0 : i32
    %dma_start3A_212 = tpu.memref_slice %arg6[%dma_start3A_211, %multiple_of3A_199] : memref<32x1000000xf32, #tpu.memory_space<hbm>> -> memref<32x128xf32, #tpu.memory_space<hbm>>
    tpu.enqueue_dma source(%dma_start3A_212 : memref<32x128xf32, #tpu.memory_space<hbm>>) target(%dma_start3A_210 : memref<32x128xf32, #tpu.memory_space<vmem>>) target_semaphore(%arg20 : memref<!tpu.dma_semaphore, #tpu.memory_space<semaphore_mem>>)
    %slice3A_213 = vector.extract_strided_slice %get3A_12 {offsets = [1], sizes = [1], strides = [1]} : vector<16xi32> to vector<1xi32>
    %squeeze3A_214 = vector.extract %slice3A_213[0] : i32 from vector<1xi32>
    %jit3A_215 = arith.constant 128 : i32
    %div3A_216 = arith.divsi %squeeze3A_214, %jit3A_215 : i32
    %sign3A_217 = arith.constant 0 : i32
    %sign3A_218 = arith.cmpi sgt, %squeeze3A_214, %sign3A_217 : i32
    %sign3A_219 = arith.extui %sign3A_218 : i1 to i32
    %sign3A_220 = arith.constant 0 : i32
    %sign3A_221 = arith.cmpi slt, %squeeze3A_214, %sign3A_220 : i32
    %sign3A_222 = arith.extui %sign3A_221 : i1 to i32
    %sign3A_223 = arith.subi %sign3A_219, %sign3A_222 : i32
    %sign3A_224 = arith.constant 0 : i32
    %sign3A_225 = arith.cmpi sgt, %jit3A_215, %sign3A_224 : i32
    %sign3A_226 = arith.extui %sign3A_225 : i1 to i32
    %sign3A_227 = arith.constant 0 : i32
    %sign3A_228 = arith.cmpi slt, %jit3A_215, %sign3A_227 : i32
    %sign3A_229 = arith.extui %sign3A_228 : i1 to i32
    %sign3A_230 = arith.subi %sign3A_226, %sign3A_229 : i32
    %ne3A_231 = arith.cmpi ne, %sign3A_223, %sign3A_230 : i32
    %rem3A_232 = arith.remsi %squeeze3A_214, %jit3A_215 : i32
    %ne3A_233 = arith.constant 0 : i32
    %ne3A_234 = arith.cmpi ne, %rem3A_232, %ne3A_233 : i32
    %and3A_235 = arith.andi %ne3A_231, %ne3A_234 : i1
    %sub3A_236 = arith.constant 1 : i32
    %sub3A_237 = arith.subi %div3A_216, %sub3A_236 : i32
    %select_n3A_238 = arith.select %and3A_235, %sub3A_237, %div3A_216 : i32
    %mul3A_239 = arith.constant 128 : i32
    %mul3A_240 = arith.muli %select_n3A_238, %mul3A_239 : i32
    %multiple_of3A_241 = tpu.assume_multiple %mul3A_240, 128 : i32
    %dma_start3A_242 = arith.constant 5 : i32
    %dma_start3A_243 = arith.constant 0 : i32
    %dma_start3A_244 = arith.constant 0 : i32
    %dma_start3A_245 = tpu.memref_slice %arg12[%dma_start3A_242, %dma_start3A_243, %dma_start3A_244] : memref<12x32x128xf32, #tpu.memory_space<vmem>> -> memref<1x32x128xf32, #tpu.memory_space<vmem>>
    %dma_start3A_246 = tpu.memref_squeeze %dma_start3A_245 : memref<1x32x128xf32, #tpu.memory_space<vmem>> -> memref<32x128xf32, #tpu.memory_space<vmem>>
    %dma_start3A_247 = arith.constant 0 : i32
    %dma_start3A_248 = tpu.memref_slice %arg6[%dma_start3A_247, %multiple_of3A_241] : memref<32x1000000xf32, #tpu.memory_space<hbm>> -> memref<32x128xf32, #tpu.memory_space<hbm>>
    %dma_start3A_249 = arith.constant 0 : i32
    %dma_start3A_250 = arith.constant 0 : i32
    %dma_start3A_251 = tpu.memref_slice %arg12[%dma_start3A_242, %dma_start3A_249, %dma_start3A_250] : memref<12x32x128xf32, #tpu.memory_space<vmem>> -> memref<1x32x128xf32, #tpu.memory_space<vmem>>
    %dma_start3A_252 = tpu.memref_squeeze %dma_start3A_251 : memref<1x32x128xf32, #tpu.memory_space<vmem>> -> memref<32x128xf32, #tpu.memory_space<vmem>>
    %dma_start3A_253 = arith.constant 0 : i32
    %dma_start3A_254 = tpu.memref_slice %arg6[%dma_start3A_253, %multiple_of3A_241] : memref<32x1000000xf32, #tpu.memory_space<hbm>> -> memref<32x128xf32, #tpu.memory_space<hbm>>
    tpu.enqueue_dma source(%dma_start3A_254 : memref<32x128xf32, #tpu.memory_space<hbm>>) target(%dma_start3A_252 : memref<32x128xf32, #tpu.memory_space<vmem>>) target_semaphore(%arg21 : memref<!tpu.dma_semaphore, #tpu.memory_space<semaphore_mem>>)
    %slice3A_255 = vector.extract_strided_slice %get3A_12 {offsets = [2], sizes = [1], strides = [1]} : vector<16xi32> to vector<1xi32>
    %squeeze3A_256 = vector.extract %slice3A_255[0] : i32 from vector<1xi32>
    %jit3A_257 = arith.constant 128 : i32
    %div3A_258 = arith.divsi %squeeze3A_256, %jit3A_257 : i32
    %sign3A_259 = arith.constant 0 : i32
    %sign3A_260 = arith.cmpi sgt, %squeeze3A_256, %sign3A_259 : i32
    %sign3A_261 = arith.extui %sign3A_260 : i1 to i32
    %sign3A_262 = arith.constant 0 : i32
    %sign3A_263 = arith.cmpi slt, %squeeze3A_256, %sign3A_262 : i32
    %sign3A_264 = arith.extui %sign3A_263 : i1 to i32
    %sign3A_265 = arith.subi %sign3A_261, %sign3A_264 : i32
    %sign3A_266 = arith.constant 0 : i32
    %sign3A_267 = arith.cmpi sgt, %jit3A_257, %sign3A_266 : i32
    %sign3A_268 = arith.extui %sign3A_267 : i1 to i32
    %sign3A_269 = arith.constant 0 : i32
    %sign3A_270 = arith.cmpi slt, %jit3A_257, %sign3A_269 : i32
    %sign3A_271 = arith.extui %sign3A_270 : i1 to i32
    %sign3A_272 = arith.subi %sign3A_268, %sign3A_271 : i32
    %ne3A_273 = arith.cmpi ne, %sign3A_265, %sign3A_272 : i32
    %rem3A_274 = arith.remsi %squeeze3A_256, %jit3A_257 : i32
    %ne3A_275 = arith.constant 0 : i32
    %ne3A_276 = arith.cmpi ne, %rem3A_274, %ne3A_275 : i32
    %and3A_277 = arith.andi %ne3A_273, %ne3A_276 : i1
    %sub3A_278 = arith.constant 1 : i32
    %sub3A_279 = arith.subi %div3A_258, %sub3A_278 : i32
    %select_n3A_280 = arith.select %and3A_277, %sub3A_279, %div3A_258 : i32
    %mul3A_281 = arith.constant 128 : i32
    %mul3A_282 = arith.muli %select_n3A_280, %mul3A_281 : i32
    %multiple_of3A_283 = tpu.assume_multiple %mul3A_282, 128 : i32
    %dma_start3A_284 = arith.constant 6 : i32
    %dma_start3A_285 = arith.constant 0 : i32
    %dma_start3A_286 = arith.constant 0 : i32
    %dma_start3A_287 = tpu.memref_slice %arg12[%dma_start3A_284, %dma_start3A_285, %dma_start3A_286] : memref<12x32x128xf32, #tpu.memory_space<vmem>> -> memref<1x32x128xf32, #tpu.memory_space<vmem>>
    %dma_start3A_288 = tpu.memref_squeeze %dma_start3A_287 : memref<1x32x128xf32, #tpu.memory_space<vmem>> -> memref<32x128xf32, #tpu.memory_space<vmem>>
    %dma_start3A_289 = arith.constant 0 : i32
    %dma_start3A_290 = tpu.memref_slice %arg6[%dma_start3A_289, %multiple_of3A_283] : memref<32x1000000xf32, #tpu.memory_space<hbm>> -> memref<32x128xf32, #tpu.memory_space<hbm>>
    %dma_start3A_291 = arith.constant 0 : i32
    %dma_start3A_292 = arith.constant 0 : i32
    %dma_start3A_293 = tpu.memref_slice %arg12[%dma_start3A_284, %dma_start3A_291, %dma_start3A_292] : memref<12x32x128xf32, #tpu.memory_space<vmem>> -> memref<1x32x128xf32, #tpu.memory_space<vmem>>
    %dma_start3A_294 = tpu.memref_squeeze %dma_start3A_293 : memref<1x32x128xf32, #tpu.memory_space<vmem>> -> memref<32x128xf32, #tpu.memory_space<vmem>>
    %dma_start3A_295 = arith.constant 0 : i32
    %dma_start3A_296 = tpu.memref_slice %arg6[%dma_start3A_295, %multiple_of3A_283] : memref<32x1000000xf32, #tpu.memory_space<hbm>> -> memref<32x128xf32, #tpu.memory_space<hbm>>
    tpu.enqueue_dma source(%dma_start3A_296 : memref<32x128xf32, #tpu.memory_space<hbm>>) target(%dma_start3A_294 : memref<32x128xf32, #tpu.memory_space<vmem>>) target_semaphore(%arg22 : memref<!tpu.dma_semaphore, #tpu.memory_space<semaphore_mem>>)
    %slice3A_297 = vector.extract_strided_slice %get3A_12 {offsets = [3], sizes = [1], strides = [1]} : vector<16xi32> to vector<1xi32>
    %squeeze3A_298 = vector.extract %slice3A_297[0] : i32 from vector<1xi32>
    %jit3A_299 = arith.constant 128 : i32
    %div3A_300 = arith.divsi %squeeze3A_298, %jit3A_299 : i32
    %sign3A_301 = arith.constant 0 : i32
    %sign3A_302 = arith.cmpi sgt, %squeeze3A_298, %sign3A_301 : i32
    %sign3A_303 = arith.extui %sign3A_302 : i1 to i32
    %sign3A_304 = arith.constant 0 : i32
    %sign3A_305 = arith.cmpi slt, %squeeze3A_298, %sign3A_304 : i32
    %sign3A_306 = arith.extui %sign3A_305 : i1 to i32
    %sign3A_307 = arith.subi %sign3A_303, %sign3A_306 : i32
    %sign3A_308 = arith.constant 0 : i32
    %sign3A_309 = arith.cmpi sgt, %jit3A_299, %sign3A_308 : i32
    %sign3A_310 = arith.extui %sign3A_309 : i1 to i32
    %sign3A_311 = arith.constant 0 : i32
    %sign3A_312 = arith.cmpi slt, %jit3A_299, %sign3A_311 : i32
    %sign3A_313 = arith.extui %sign3A_312 : i1 to i32
    %sign3A_314 = arith.subi %sign3A_310, %sign3A_313 : i32
    %ne3A_315 = arith.cmpi ne, %sign3A_307, %sign3A_314 : i32
    %rem3A_316 = arith.remsi %squeeze3A_298, %jit3A_299 : i32
    %ne3A_317 = arith.constant 0 : i32
    %ne3A_318 = arith.cmpi ne, %rem3A_316, %ne3A_317 : i32
    %and3A_319 = arith.andi %ne3A_315, %ne3A_318 : i1
    %sub3A_320 = arith.constant 1 : i32
    %sub3A_321 = arith.subi %div3A_300, %sub3A_320 : i32
    %select_n3A_322 = arith.select %and3A_319, %sub3A_321, %div3A_300 : i32
    %mul3A_323 = arith.constant 128 : i32
    %mul3A_324 = arith.muli %select_n3A_322, %mul3A_323 : i32
    %multiple_of3A_325 = tpu.assume_multiple %mul3A_324, 128 : i32
    %dma_start3A_326 = arith.constant 7 : i32
    %dma_start3A_327 = arith.constant 0 : i32
    %dma_start3A_328 = arith.constant 0 : i32
    %dma_start3A_329 = tpu.memref_slice %arg12[%dma_start3A_326, %dma_start3A_327, %dma_start3A_328] : memref<12x32x128xf32, #tpu.memory_space<vmem>> -> memref<1x32x128xf32, #tpu.memory_space<vmem>>
    %dma_start3A_330 = tpu.memref_squeeze %dma_start3A_329 : memref<1x32x128xf32, #tpu.memory_space<vmem>> -> memref<32x128xf32, #tpu.memory_space<vmem>>
    %dma_start3A_331 = arith.constant 0 : i32
    %dma_start3A_332 = tpu.memref_slice %arg6[%dma_start3A_331, %multiple_of3A_325] : memref<32x1000000xf32, #tpu.memory_space<hbm>> -> memref<32x128xf32, #tpu.memory_space<hbm>>
    %dma_start3A_333 = arith.constant 0 : i32
    %dma_start3A_334 = arith.constant 0 : i32
    %dma_start3A_335 = tpu.memref_slice %arg12[%dma_start3A_326, %dma_start3A_333, %dma_start3A_334] : memref<12x32x128xf32, #tpu.memory_space<vmem>> -> memref<1x32x128xf32, #tpu.memory_space<vmem>>
    %dma_start3A_336 = tpu.memref_squeeze %dma_start3A_335 : memref<1x32x128xf32, #tpu.memory_space<vmem>> -> memref<32x128xf32, #tpu.memory_space<vmem>>
    %dma_start3A_337 = arith.constant 0 : i32
    %dma_start3A_338 = tpu.memref_slice %arg6[%dma_start3A_337, %multiple_of3A_325] : memref<32x1000000xf32, #tpu.memory_space<hbm>> -> memref<32x128xf32, #tpu.memory_space<hbm>>
    tpu.enqueue_dma source(%dma_start3A_338 : memref<32x128xf32, #tpu.memory_space<hbm>>) target(%dma_start3A_336 : memref<32x128xf32, #tpu.memory_space<vmem>>) target_semaphore(%arg23 : memref<!tpu.dma_semaphore, #tpu.memory_space<semaphore_mem>>)
    %slice3A_339 = vector.extract_strided_slice %get3A_14 {offsets = [0], sizes = [1], strides = [1]} : vector<16xi32> to vector<1xi32>
    %squeeze3A_340 = vector.extract %slice3A_339[0] : i32 from vector<1xi32>
    %jit3A_341 = arith.constant 128 : i32
    %div3A_342 = arith.divsi %squeeze3A_340, %jit3A_341 : i32
    %sign3A_343 = arith.constant 0 : i32
    %sign3A_344 = arith.cmpi sgt, %squeeze3A_340, %sign3A_343 : i32
    %sign3A_345 = arith.extui %sign3A_344 : i1 to i32
    %sign3A_346 = arith.constant 0 : i32
    %sign3A_347 = arith.cmpi slt, %squeeze3A_340, %sign3A_346 : i32
    %sign3A_348 = arith.extui %sign3A_347 : i1 to i32
    %sign3A_349 = arith.subi %sign3A_345, %sign3A_348 : i32
    %sign3A_350 = arith.constant 0 : i32
    %sign3A_351 = arith.cmpi sgt, %jit3A_341, %sign3A_350 : i32
    %sign3A_352 = arith.extui %sign3A_351 : i1 to i32
    %sign3A_353 = arith.constant 0 : i32
    %sign3A_354 = arith.cmpi slt, %jit3A_341, %sign3A_353 : i32
    %sign3A_355 = arith.extui %sign3A_354 : i1 to i32
    %sign3A_356 = arith.subi %sign3A_352, %sign3A_355 : i32
    %ne3A_357 = arith.cmpi ne, %sign3A_349, %sign3A_356 : i32
    %rem3A_358 = arith.remsi %squeeze3A_340, %jit3A_341 : i32
    %ne3A_359 = arith.constant 0 : i32
    %ne3A_360 = arith.cmpi ne, %rem3A_358, %ne3A_359 : i32
    %and3A_361 = arith.andi %ne3A_357, %ne3A_360 : i1
    %sub3A_362 = arith.constant 1 : i32
    %sub3A_363 = arith.subi %div3A_342, %sub3A_362 : i32
    %select_n3A_364 = arith.select %and3A_361, %sub3A_363, %div3A_342 : i32
    %mul3A_365 = arith.constant 128 : i32
    %mul3A_366 = arith.muli %select_n3A_364, %mul3A_365 : i32
    %multiple_of3A_367 = tpu.assume_multiple %mul3A_366, 128 : i32
    %dma_start3A_368 = arith.constant 8 : i32
    %dma_start3A_369 = arith.constant 0 : i32
    %dma_start3A_370 = arith.constant 0 : i32
    %dma_start3A_371 = tpu.memref_slice %arg12[%dma_start3A_368, %dma_start3A_369, %dma_start3A_370] : memref<12x32x128xf32, #tpu.memory_space<vmem>> -> memref<1x32x128xf32, #tpu.memory_space<vmem>>
    %dma_start3A_372 = tpu.memref_squeeze %dma_start3A_371 : memref<1x32x128xf32, #tpu.memory_space<vmem>> -> memref<32x128xf32, #tpu.memory_space<vmem>>
    %dma_start3A_373 = arith.constant 0 : i32
    %dma_start3A_374 = tpu.memref_slice %arg6[%dma_start3A_373, %multiple_of3A_367] : memref<32x1000000xf32, #tpu.memory_space<hbm>> -> memref<32x128xf32, #tpu.memory_space<hbm>>
    %dma_start3A_375 = arith.constant 0 : i32
    %dma_start3A_376 = arith.constant 0 : i32
    %dma_start3A_377 = tpu.memref_slice %arg12[%dma_start3A_368, %dma_start3A_375, %dma_start3A_376] : memref<12x32x128xf32, #tpu.memory_space<vmem>> -> memref<1x32x128xf32, #tpu.memory_space<vmem>>
    %dma_start3A_378 = tpu.memref_squeeze %dma_start3A_377 : memref<1x32x128xf32, #tpu.memory_space<vmem>> -> memref<32x128xf32, #tpu.memory_space<vmem>>
    %dma_start3A_379 = arith.constant 0 : i32
    %dma_start3A_380 = tpu.memref_slice %arg6[%dma_start3A_379, %multiple_of3A_367] : memref<32x1000000xf32, #tpu.memory_space<hbm>> -> memref<32x128xf32, #tpu.memory_space<hbm>>
    tpu.enqueue_dma source(%dma_start3A_380 : memref<32x128xf32, #tpu.memory_space<hbm>>) target(%dma_start3A_378 : memref<32x128xf32, #tpu.memory_space<vmem>>) target_semaphore(%arg24 : memref<!tpu.dma_semaphore, #tpu.memory_space<semaphore_mem>>)
    %slice3A_381 = vector.extract_strided_slice %get3A_14 {offsets = [1], sizes = [1], strides = [1]} : vector<16xi32> to vector<1xi32>
    %squeeze3A_382 = vector.extract %slice3A_381[0] : i32 from vector<1xi32>
    %jit3A_383 = arith.constant 128 : i32
    %div3A_384 = arith.divsi %squeeze3A_382, %jit3A_383 : i32
    %sign3A_385 = arith.constant 0 : i32
    %sign3A_386 = arith.cmpi sgt, %squeeze3A_382, %sign3A_385 : i32
    %sign3A_387 = arith.extui %sign3A_386 : i1 to i32
    %sign3A_388 = arith.constant 0 : i32
    %sign3A_389 = arith.cmpi slt, %squeeze3A_382, %sign3A_388 : i32
    %sign3A_390 = arith.extui %sign3A_389 : i1 to i32
    %sign3A_391 = arith.subi %sign3A_387, %sign3A_390 : i32
    %sign3A_392 = arith.constant 0 : i32
    %sign3A_393 = arith.cmpi sgt, %jit3A_383, %sign3A_392 : i32
    %sign3A_394 = arith.extui %sign3A_393 : i1 to i32
    %sign3A_395 = arith.constant 0 : i32
    %sign3A_396 = arith.cmpi slt, %jit3A_383, %sign3A_395 : i32
    %sign3A_397 = arith.extui %sign3A_396 : i1 to i32
    %sign3A_398 = arith.subi %sign3A_394, %sign3A_397 : i32
    %ne3A_399 = arith.cmpi ne, %sign3A_391, %sign3A_398 : i32
    %rem3A_400 = arith.remsi %squeeze3A_382, %jit3A_383 : i32
    %ne3A_401 = arith.constant 0 : i32
    %ne3A_402 = arith.cmpi ne, %rem3A_400, %ne3A_401 : i32
    %and3A_403 = arith.andi %ne3A_399, %ne3A_402 : i1
    %sub3A_404 = arith.constant 1 : i32
    %sub3A_405 = arith.subi %div3A_384, %sub3A_404 : i32
    %select_n3A_406 = arith.select %and3A_403, %sub3A_405, %div3A_384 : i32
    %mul3A_407 = arith.constant 128 : i32
    %mul3A_408 = arith.muli %select_n3A_406, %mul3A_407 : i32
    %multiple_of3A_409 = tpu.assume_multiple %mul3A_408, 128 : i32
    %dma_start3A_410 = arith.constant 9 : i32
    %dma_start3A_411 = arith.constant 0 : i32
    %dma_start3A_412 = arith.constant 0 : i32
    %dma_start3A_413 = tpu.memref_slice %arg12[%dma_start3A_410, %dma_start3A_411, %dma_start3A_412] : memref<12x32x128xf32, #tpu.memory_space<vmem>> -> memref<1x32x128xf32, #tpu.memory_space<vmem>>
    %dma_start3A_414 = tpu.memref_squeeze %dma_start3A_413 : memref<1x32x128xf32, #tpu.memory_space<vmem>> -> memref<32x128xf32, #tpu.memory_space<vmem>>
    %dma_start3A_415 = arith.constant 0 : i32
    %dma_start3A_416 = tpu.memref_slice %arg6[%dma_start3A_415, %multiple_of3A_409] : memref<32x1000000xf32, #tpu.memory_space<hbm>> -> memref<32x128xf32, #tpu.memory_space<hbm>>
    %dma_start3A_417 = arith.constant 0 : i32
    %dma_start3A_418 = arith.constant 0 : i32
    %dma_start3A_419 = tpu.memref_slice %arg12[%dma_start3A_410, %dma_start3A_417, %dma_start3A_418] : memref<12x32x128xf32, #tpu.memory_space<vmem>> -> memref<1x32x128xf32, #tpu.memory_space<vmem>>
    %dma_start3A_420 = tpu.memref_squeeze %dma_start3A_419 : memref<1x32x128xf32, #tpu.memory_space<vmem>> -> memref<32x128xf32, #tpu.memory_space<vmem>>
    %dma_start3A_421 = arith.constant 0 : i32
    %dma_start3A_422 = tpu.memref_slice %arg6[%dma_start3A_421, %multiple_of3A_409] : memref<32x1000000xf32, #tpu.memory_space<hbm>> -> memref<32x128xf32, #tpu.memory_space<hbm>>
    tpu.enqueue_dma source(%dma_start3A_422 : memref<32x128xf32, #tpu.memory_space<hbm>>) target(%dma_start3A_420 : memref<32x128xf32, #tpu.memory_space<vmem>>) target_semaphore(%arg25 : memref<!tpu.dma_semaphore, #tpu.memory_space<semaphore_mem>>)
    %slice3A_423 = vector.extract_strided_slice %get3A_14 {offsets = [2], sizes = [1], strides = [1]} : vector<16xi32> to vector<1xi32>
    %squeeze3A_424 = vector.extract %slice3A_423[0] : i32 from vector<1xi32>
    %jit3A_425 = arith.constant 128 : i32
    %div3A_426 = arith.divsi %squeeze3A_424, %jit3A_425 : i32
    %sign3A_427 = arith.constant 0 : i32
    %sign3A_428 = arith.cmpi sgt, %squeeze3A_424, %sign3A_427 : i32
    %sign3A_429 = arith.extui %sign3A_428 : i1 to i32
    %sign3A_430 = arith.constant 0 : i32
    %sign3A_431 = arith.cmpi slt, %squeeze3A_424, %sign3A_430 : i32
    %sign3A_432 = arith.extui %sign3A_431 : i1 to i32
    %sign3A_433 = arith.subi %sign3A_429, %sign3A_432 : i32
    %sign3A_434 = arith.constant 0 : i32
    %sign3A_435 = arith.cmpi sgt, %jit3A_425, %sign3A_434 : i32
    %sign3A_436 = arith.extui %sign3A_435 : i1 to i32
    %sign3A_437 = arith.constant 0 : i32
    %sign3A_438 = arith.cmpi slt, %jit3A_425, %sign3A_437 : i32
    %sign3A_439 = arith.extui %sign3A_438 : i1 to i32
    %sign3A_440 = arith.subi %sign3A_436, %sign3A_439 : i32
    %ne3A_441 = arith.cmpi ne, %sign3A_433, %sign3A_440 : i32
    %rem3A_442 = arith.remsi %squeeze3A_424, %jit3A_425 : i32
    %ne3A_443 = arith.constant 0 : i32
    %ne3A_444 = arith.cmpi ne, %rem3A_442, %ne3A_443 : i32
    %and3A_445 = arith.andi %ne3A_441, %ne3A_444 : i1
    %sub3A_446 = arith.constant 1 : i32
    %sub3A_447 = arith.subi %div3A_426, %sub3A_446 : i32
    %select_n3A_448 = arith.select %and3A_445, %sub3A_447, %div3A_426 : i32
    %mul3A_449 = arith.constant 128 : i32
    %mul3A_450 = arith.muli %select_n3A_448, %mul3A_449 : i32
    %multiple_of3A_451 = tpu.assume_multiple %mul3A_450, 128 : i32
    %dma_start3A_452 = arith.constant 10 : i32
    %dma_start3A_453 = arith.constant 0 : i32
    %dma_start3A_454 = arith.constant 0 : i32
    %dma_start3A_455 = tpu.memref_slice %arg12[%dma_start3A_452, %dma_start3A_453, %dma_start3A_454] : memref<12x32x128xf32, #tpu.memory_space<vmem>> -> memref<1x32x128xf32, #tpu.memory_space<vmem>>
    %dma_start3A_456 = tpu.memref_squeeze %dma_start3A_455 : memref<1x32x128xf32, #tpu.memory_space<vmem>> -> memref<32x128xf32, #tpu.memory_space<vmem>>
    %dma_start3A_457 = arith.constant 0 : i32
    %dma_start3A_458 = tpu.memref_slice %arg6[%dma_start3A_457, %multiple_of3A_451] : memref<32x1000000xf32, #tpu.memory_space<hbm>> -> memref<32x128xf32, #tpu.memory_space<hbm>>
    %dma_start3A_459 = arith.constant 0 : i32
    %dma_start3A_460 = arith.constant 0 : i32
    %dma_start3A_461 = tpu.memref_slice %arg12[%dma_start3A_452, %dma_start3A_459, %dma_start3A_460] : memref<12x32x128xf32, #tpu.memory_space<vmem>> -> memref<1x32x128xf32, #tpu.memory_space<vmem>>
    %dma_start3A_462 = tpu.memref_squeeze %dma_start3A_461 : memref<1x32x128xf32, #tpu.memory_space<vmem>> -> memref<32x128xf32, #tpu.memory_space<vmem>>
    %dma_start3A_463 = arith.constant 0 : i32
    %dma_start3A_464 = tpu.memref_slice %arg6[%dma_start3A_463, %multiple_of3A_451] : memref<32x1000000xf32, #tpu.memory_space<hbm>> -> memref<32x128xf32, #tpu.memory_space<hbm>>
    tpu.enqueue_dma source(%dma_start3A_464 : memref<32x128xf32, #tpu.memory_space<hbm>>) target(%dma_start3A_462 : memref<32x128xf32, #tpu.memory_space<vmem>>) target_semaphore(%arg26 : memref<!tpu.dma_semaphore, #tpu.memory_space<semaphore_mem>>)
    %slice3A_465 = vector.extract_strided_slice %get3A_14 {offsets = [3], sizes = [1], strides = [1]} : vector<16xi32> to vector<1xi32>
    %squeeze3A_466 = vector.extract %slice3A_465[0] : i32 from vector<1xi32>
    %jit3A_467 = arith.constant 128 : i32
    %div3A_468 = arith.divsi %squeeze3A_466, %jit3A_467 : i32
    %sign3A_469 = arith.constant 0 : i32
    %sign3A_470 = arith.cmpi sgt, %squeeze3A_466, %sign3A_469 : i32
    %sign3A_471 = arith.extui %sign3A_470 : i1 to i32
    %sign3A_472 = arith.constant 0 : i32
    %sign3A_473 = arith.cmpi slt, %squeeze3A_466, %sign3A_472 : i32
    %sign3A_474 = arith.extui %sign3A_473 : i1 to i32
    %sign3A_475 = arith.subi %sign3A_471, %sign3A_474 : i32
    %sign3A_476 = arith.constant 0 : i32
    %sign3A_477 = arith.cmpi sgt, %jit3A_467, %sign3A_476 : i32
    %sign3A_478 = arith.extui %sign3A_477 : i1 to i32
    %sign3A_479 = arith.constant 0 : i32
    %sign3A_480 = arith.cmpi slt, %jit3A_467, %sign3A_479 : i32
    %sign3A_481 = arith.extui %sign3A_480 : i1 to i32
    %sign3A_482 = arith.subi %sign3A_478, %sign3A_481 : i32
    %ne3A_483 = arith.cmpi ne, %sign3A_475, %sign3A_482 : i32
    %rem3A_484 = arith.remsi %squeeze3A_466, %jit3A_467 : i32
    %ne3A_485 = arith.constant 0 : i32
    %ne3A_486 = arith.cmpi ne, %rem3A_484, %ne3A_485 : i32
    %and3A_487 = arith.andi %ne3A_483, %ne3A_486 : i1
    %sub3A_488 = arith.constant 1 : i32
    %sub3A_489 = arith.subi %div3A_468, %sub3A_488 : i32
    %select_n3A_490 = arith.select %and3A_487, %sub3A_489, %div3A_468 : i32
    %mul3A_491 = arith.constant 128 : i32
    %mul3A_492 = arith.muli %select_n3A_490, %mul3A_491 : i32
    %multiple_of3A_493 = tpu.assume_multiple %mul3A_492, 128 : i32
    %dma_start3A_494 = arith.constant 11 : i32
    %dma_start3A_495 = arith.constant 0 : i32
    %dma_start3A_496 = arith.constant 0 : i32
    %dma_start3A_497 = tpu.memref_slice %arg12[%dma_start3A_494, %dma_start3A_495, %dma_start3A_496] : memref<12x32x128xf32, #tpu.memory_space<vmem>> -> memref<1x32x128xf32, #tpu.memory_space<vmem>>
    %dma_start3A_498 = tpu.memref_squeeze %dma_start3A_497 : memref<1x32x128xf32, #tpu.memory_space<vmem>> -> memref<32x128xf32, #tpu.memory_space<vmem>>
    %dma_start3A_499 = arith.constant 0 : i32
    %dma_start3A_500 = tpu.memref_slice %arg6[%dma_start3A_499, %multiple_of3A_493] : memref<32x1000000xf32, #tpu.memory_space<hbm>> -> memref<32x128xf32, #tpu.memory_space<hbm>>
    %dma_start3A_501 = arith.constant 0 : i32
    %dma_start3A_502 = arith.constant 0 : i32
    %dma_start3A_503 = tpu.memref_slice %arg12[%dma_start3A_494, %dma_start3A_501, %dma_start3A_502] : memref<12x32x128xf32, #tpu.memory_space<vmem>> -> memref<1x32x128xf32, #tpu.memory_space<vmem>>
    %dma_start3A_504 = tpu.memref_squeeze %dma_start3A_503 : memref<1x32x128xf32, #tpu.memory_space<vmem>> -> memref<32x128xf32, #tpu.memory_space<vmem>>
    %dma_start3A_505 = arith.constant 0 : i32
    %dma_start3A_506 = tpu.memref_slice %arg6[%dma_start3A_505, %multiple_of3A_493] : memref<32x1000000xf32, #tpu.memory_space<hbm>> -> memref<32x128xf32, #tpu.memory_space<hbm>>
    tpu.enqueue_dma source(%dma_start3A_506 : memref<32x128xf32, #tpu.memory_space<hbm>>) target(%dma_start3A_504 : memref<32x128xf32, #tpu.memory_space<vmem>>) target_semaphore(%arg27 : memref<!tpu.dma_semaphore, #tpu.memory_space<semaphore_mem>>)
    %broadcast_in_dim3A = arith.constant 0.000000e+00 : f32
    %broadcast_in_dim3A_507 = vector.broadcast %broadcast_in_dim3A : f32 to vector<16xf32>
    %scan3A = arith.constant 0 : i32
    %scan3A_508 = arith.constant 64 : i32
    %scan3A_509 = arith.addi %scan3A, %scan3A_508 : i32
    %scan3A_510 = arith.constant 1 : i32
    %scan3A_511:2 = scf.for %scan3A_515 = %scan3A to %scan3A_509 step %scan3A_510 iter_args(%scan3A_516 = %broadcast_in_dim3A_507, %scan3A_517 = %broadcast_in_dim3A_507) -> (vector<16xf32>, vector<16xf32>)  : i32 {
      %mul3A_518 = arith.constant 2 : i32
      %mul3A_519 = arith.muli %scan3A_515, %mul3A_518 : i32
      %add3A_520 = arith.constant 1 : i32
      %add3A_521 = arith.addi %mul3A_519, %add3A_520 : i32
      %mul3A_522 = arith.constant 4 : i32
      %mul3A_523 = arith.muli %add3A_521, %mul3A_522 : i32
      %get3A_524 = arith.index_cast %mul3A_523 : i32 to index
      %get3A_525 = tpu.vector_load %arg9[%get3A_524] {strides = array<i32>} : memref<528xi32, #tpu.memory_space<vmem>>, vector<16xi32>,
      %mul3A_526 = arith.constant 4 : i32
      %mul3A_527 = arith.muli %add3A_521, %mul3A_526 : i32
      %get3A_528 = arith.index_cast %mul3A_527 : i32 to index
      %get3A_529 = tpu.vector_load %arg10[%get3A_528] {strides = array<i32>} : memref<528xi32, #tpu.memory_space<vmem>>, vector<16xi32>,
      %mul3A_530 = arith.constant 4 : i32
      %mul3A_531 = arith.muli %add3A_521, %mul3A_530 : i32
      %get3A_532 = arith.index_cast %mul3A_531 : i32 to index
      %get3A_533 = tpu.vector_load %arg11[%get3A_532] {strides = array<i32>} : memref<528xi32, #tpu.memory_space<vmem>>, vector<16xi32>,
      %slice3A_534 = vector.extract_strided_slice %get3A_525 {offsets = [0], sizes = [1], strides = [1]} : vector<16xi32> to vector<1xi32>
      %squeeze3A_535 = vector.extract %slice3A_534[0] : i32 from vector<1xi32>
      %jit3A_536 = arith.constant 128 : i32
      %div3A_537 = arith.divsi %squeeze3A_535, %jit3A_536 : i32
      %sign3A_538 = arith.constant 0 : i32
      %sign3A_539 = arith.cmpi sgt, %squeeze3A_535, %sign3A_538 : i32
      %sign3A_540 = arith.extui %sign3A_539 : i1 to i32
      %sign3A_541 = arith.constant 0 : i32
      %sign3A_542 = arith.cmpi slt, %squeeze3A_535, %sign3A_541 : i32
      %sign3A_543 = arith.extui %sign3A_542 : i1 to i32
      %sign3A_544 = arith.subi %sign3A_540, %sign3A_543 : i32
      %sign3A_545 = arith.constant 0 : i32
      %sign3A_546 = arith.cmpi sgt, %jit3A_536, %sign3A_545 : i32
      %sign3A_547 = arith.extui %sign3A_546 : i1 to i32
      %sign3A_548 = arith.constant 0 : i32
      %sign3A_549 = arith.cmpi slt, %jit3A_536, %sign3A_548 : i32
      %sign3A_550 = arith.extui %sign3A_549 : i1 to i32
      %sign3A_551 = arith.subi %sign3A_547, %sign3A_550 : i32
      %ne3A_552 = arith.cmpi ne, %sign3A_544, %sign3A_551 : i32
      %rem3A_553 = arith.remsi %squeeze3A_535, %jit3A_536 : i32
      %ne3A_554 = arith.constant 0 : i32
      %ne3A_555 = arith.cmpi ne, %rem3A_553, %ne3A_554 : i32
      %and3A_556 = arith.andi %ne3A_552, %ne3A_555 : i1
      %sub3A_557 = arith.constant 1 : i32
      %sub3A_558 = arith.subi %div3A_537, %sub3A_557 : i32
      %select_n3A_559 = arith.select %and3A_556, %sub3A_558, %div3A_537 : i32
      %mul3A_560 = arith.constant 128 : i32
      %mul3A_561 = arith.muli %select_n3A_559, %mul3A_560 : i32
      %multiple_of3A_562 = tpu.assume_multiple %mul3A_561, 128 : i32
      %dma_start3A_563 = arith.constant 0 : i32
      %dma_start3A_564 = arith.constant 0 : i32
      %dma_start3A_565 = arith.constant 0 : i32
      %dma_start3A_566 = tpu.memref_slice %arg13[%dma_start3A_563, %dma_start3A_564, %dma_start3A_565] : memref<12x32x128xf32, #tpu.memory_space<vmem>> -> memref<1x32x128xf32, #tpu.memory_space<vmem>>
      %dma_start3A_567 = tpu.memref_squeeze %dma_start3A_566 : memref<1x32x128xf32, #tpu.memory_space<vmem>> -> memref<32x128xf32, #tpu.memory_space<vmem>>
      %dma_start3A_568 = arith.constant 0 : i32
      %dma_start3A_569 = tpu.memref_slice %arg5[%dma_start3A_568, %multiple_of3A_562] : memref<32x1000000xf32, #tpu.memory_space<hbm>> -> memref<32x128xf32, #tpu.memory_space<hbm>>
      %dma_start3A_570 = arith.constant 0 : i32
      %dma_start3A_571 = arith.constant 0 : i32
      %dma_start3A_572 = tpu.memref_slice %arg13[%dma_start3A_563, %dma_start3A_570, %dma_start3A_571] : memref<12x32x128xf32, #tpu.memory_space<vmem>> -> memref<1x32x128xf32, #tpu.memory_space<vmem>>
      %dma_start3A_573 = tpu.memref_squeeze %dma_start3A_572 : memref<1x32x128xf32, #tpu.memory_space<vmem>> -> memref<32x128xf32, #tpu.memory_space<vmem>>
      %dma_start3A_574 = arith.constant 0 : i32
      %dma_start3A_575 = tpu.memref_slice %arg5[%dma_start3A_574, %multiple_of3A_562] : memref<32x1000000xf32, #tpu.memory_space<hbm>> -> memref<32x128xf32, #tpu.memory_space<hbm>>
      tpu.enqueue_dma source(%dma_start3A_575 : memref<32x128xf32, #tpu.memory_space<hbm>>) target(%dma_start3A_573 : memref<32x128xf32, #tpu.memory_space<vmem>>) target_semaphore(%arg28 : memref<!tpu.dma_semaphore, #tpu.memory_space<semaphore_mem>>)
      %slice3A_576 = vector.extract_strided_slice %get3A_525 {offsets = [1], sizes = [1], strides = [1]} : vector<16xi32> to vector<1xi32>
      %squeeze3A_577 = vector.extract %slice3A_576[0] : i32 from vector<1xi32>
      %jit3A_578 = arith.constant 128 : i32
      %div3A_579 = arith.divsi %squeeze3A_577, %jit3A_578 : i32
      %sign3A_580 = arith.constant 0 : i32
      %sign3A_581 = arith.cmpi sgt, %squeeze3A_577, %sign3A_580 : i32
      %sign3A_582 = arith.extui %sign3A_581 : i1 to i32
      %sign3A_583 = arith.constant 0 : i32
      %sign3A_584 = arith.cmpi slt, %squeeze3A_577, %sign3A_583 : i32
      %sign3A_585 = arith.extui %sign3A_584 : i1 to i32
      %sign3A_586 = arith.subi %sign3A_582, %sign3A_585 : i32
      %sign3A_587 = arith.constant 0 : i32
      %sign3A_588 = arith.cmpi sgt, %jit3A_578, %sign3A_587 : i32
      %sign3A_589 = arith.extui %sign3A_588 : i1 to i32
      %sign3A_590 = arith.constant 0 : i32
      %sign3A_591 = arith.cmpi slt, %jit3A_578, %sign3A_590 : i32
      %sign3A_592 = arith.extui %sign3A_591 : i1 to i32
      %sign3A_593 = arith.subi %sign3A_589, %sign3A_592 : i32
      %ne3A_594 = arith.cmpi ne, %sign3A_586, %sign3A_593 : i32
      %rem3A_595 = arith.remsi %squeeze3A_577, %jit3A_578 : i32
      %ne3A_596 = arith.constant 0 : i32
      %ne3A_597 = arith.cmpi ne, %rem3A_595, %ne3A_596 : i32
      %and3A_598 = arith.andi %ne3A_594, %ne3A_597 : i1
      %sub3A_599 = arith.constant 1 : i32
      %sub3A_600 = arith.subi %div3A_579, %sub3A_599 : i32
      %select_n3A_601 = arith.select %and3A_598, %sub3A_600, %div3A_579 : i32
      %mul3A_602 = arith.constant 128 : i32
      %mul3A_603 = arith.muli %select_n3A_601, %mul3A_602 : i32
      %multiple_of3A_604 = tpu.assume_multiple %mul3A_603, 128 : i32
      %dma_start3A_605 = arith.constant 1 : i32
      %dma_start3A_606 = arith.constant 0 : i32
      %dma_start3A_607 = arith.constant 0 : i32
      %dma_start3A_608 = tpu.memref_slice %arg13[%dma_start3A_605, %dma_start3A_606, %dma_start3A_607] : memref<12x32x128xf32, #tpu.memory_space<vmem>> -> memref<1x32x128xf32, #tpu.memory_space<vmem>>
      %dma_start3A_609 = tpu.memref_squeeze %dma_start3A_608 : memref<1x32x128xf32, #tpu.memory_space<vmem>> -> memref<32x128xf32, #tpu.memory_space<vmem>>
      %dma_start3A_610 = arith.constant 0 : i32
      %dma_start3A_611 = tpu.memref_slice %arg5[%dma_start3A_610, %multiple_of3A_604] : memref<32x1000000xf32, #tpu.memory_space<hbm>> -> memref<32x128xf32, #tpu.memory_space<hbm>>
      %dma_start3A_612 = arith.constant 0 : i32
      %dma_start3A_613 = arith.constant 0 : i32
      %dma_start3A_614 = tpu.memref_slice %arg13[%dma_start3A_605, %dma_start3A_612, %dma_start3A_613] : memref<12x32x128xf32, #tpu.memory_space<vmem>> -> memref<1x32x128xf32, #tpu.memory_space<vmem>>
      %dma_start3A_615 = tpu.memref_squeeze %dma_start3A_614 : memref<1x32x128xf32, #tpu.memory_space<vmem>> -> memref<32x128xf32, #tpu.memory_space<vmem>>
      %dma_start3A_616 = arith.constant 0 : i32
      %dma_start3A_617 = tpu.memref_slice %arg5[%dma_start3A_616, %multiple_of3A_604] : memref<32x1000000xf32, #tpu.memory_space<hbm>> -> memref<32x128xf32, #tpu.memory_space<hbm>>
      tpu.enqueue_dma source(%dma_start3A_617 : memref<32x128xf32, #tpu.memory_space<hbm>>) target(%dma_start3A_615 : memref<32x128xf32, #tpu.memory_space<vmem>>) target_semaphore(%arg29 : memref<!tpu.dma_semaphore, #tpu.memory_space<semaphore_mem>>)
      %slice3A_618 = vector.extract_strided_slice %get3A_525 {offsets = [2], sizes = [1], strides = [1]} : vector<16xi32> to vector<1xi32>
      %squeeze3A_619 = vector.extract %slice3A_618[0] : i32 from vector<1xi32>
      %jit3A_620 = arith.constant 128 : i32
      %div3A_621 = arith.divsi %squeeze3A_619, %jit3A_620 : i32
      %sign3A_622 = arith.constant 0 : i32
      %sign3A_623 = arith.cmpi sgt, %squeeze3A_619, %sign3A_622 : i32
      %sign3A_624 = arith.extui %sign3A_623 : i1 to i32
      %sign3A_625 = arith.constant 0 : i32
      %sign3A_626 = arith.cmpi slt, %squeeze3A_619, %sign3A_625 : i32
      %sign3A_627 = arith.extui %sign3A_626 : i1 to i32
      %sign3A_628 = arith.subi %sign3A_624, %sign3A_627 : i32
      %sign3A_629 = arith.constant 0 : i32
      %sign3A_630 = arith.cmpi sgt, %jit3A_620, %sign3A_629 : i32
      %sign3A_631 = arith.extui %sign3A_630 : i1 to i32
      %sign3A_632 = arith.constant 0 : i32
      %sign3A_633 = arith.cmpi slt, %jit3A_620, %sign3A_632 : i32
      %sign3A_634 = arith.extui %sign3A_633 : i1 to i32
      %sign3A_635 = arith.subi %sign3A_631, %sign3A_634 : i32
      %ne3A_636 = arith.cmpi ne, %sign3A_628, %sign3A_635 : i32
      %rem3A_637 = arith.remsi %squeeze3A_619, %jit3A_620 : i32
      %ne3A_638 = arith.constant 0 : i32
      %ne3A_639 = arith.cmpi ne, %rem3A_637, %ne3A_638 : i32
      %and3A_640 = arith.andi %ne3A_636, %ne3A_639 : i1
      %sub3A_641 = arith.constant 1 : i32
      %sub3A_642 = arith.subi %div3A_621, %sub3A_641 : i32
      %select_n3A_643 = arith.select %and3A_640, %sub3A_642, %div3A_621 : i32
      %mul3A_644 = arith.constant 128 : i32
      %mul3A_645 = arith.muli %select_n3A_643, %mul3A_644 : i32
      %multiple_of3A_646 = tpu.assume_multiple %mul3A_645, 128 : i32
      %dma_start3A_647 = arith.constant 2 : i32
      %dma_start3A_648 = arith.constant 0 : i32
      %dma_start3A_649 = arith.constant 0 : i32
      %dma_start3A_650 = tpu.memref_slice %arg13[%dma_start3A_647, %dma_start3A_648, %dma_start3A_649] : memref<12x32x128xf32, #tpu.memory_space<vmem>> -> memref<1x32x128xf32, #tpu.memory_space<vmem>>
      %dma_start3A_651 = tpu.memref_squeeze %dma_start3A_650 : memref<1x32x128xf32, #tpu.memory_space<vmem>> -> memref<32x128xf32, #tpu.memory_space<vmem>>
      %dma_start3A_652 = arith.constant 0 : i32
      %dma_start3A_653 = tpu.memref_slice %arg5[%dma_start3A_652, %multiple_of3A_646] : memref<32x1000000xf32, #tpu.memory_space<hbm>> -> memref<32x128xf32, #tpu.memory_space<hbm>>
      %dma_start3A_654 = arith.constant 0 : i32
      %dma_start3A_655 = arith.constant 0 : i32
      %dma_start3A_656 = tpu.memref_slice %arg13[%dma_start3A_647, %dma_start3A_654, %dma_start3A_655] : memref<12x32x128xf32, #tpu.memory_space<vmem>> -> memref<1x32x128xf32, #tpu.memory_space<vmem>>
      %dma_start3A_657 = tpu.memref_squeeze %dma_start3A_656 : memref<1x32x128xf32, #tpu.memory_space<vmem>> -> memref<32x128xf32, #tpu.memory_space<vmem>>
      %dma_start3A_658 = arith.constant 0 : i32
      %dma_start3A_659 = tpu.memref_slice %arg5[%dma_start3A_658, %multiple_of3A_646] : memref<32x1000000xf32, #tpu.memory_space<hbm>> -> memref<32x128xf32, #tpu.memory_space<hbm>>
      tpu.enqueue_dma source(%dma_start3A_659 : memref<32x128xf32, #tpu.memory_space<hbm>>) target(%dma_start3A_657 : memref<32x128xf32, #tpu.memory_space<vmem>>) target_semaphore(%arg30 : memref<!tpu.dma_semaphore, #tpu.memory_space<semaphore_mem>>)
      %slice3A_660 = vector.extract_strided_slice %get3A_525 {offsets = [3], sizes = [1], strides = [1]} : vector<16xi32> to vector<1xi32>
      %squeeze3A_661 = vector.extract %slice3A_660[0] : i32 from vector<1xi32>
      %jit3A_662 = arith.constant 128 : i32
      %div3A_663 = arith.divsi %squeeze3A_661, %jit3A_662 : i32
      %sign3A_664 = arith.constant 0 : i32
      %sign3A_665 = arith.cmpi sgt, %squeeze3A_661, %sign3A_664 : i32
      %sign3A_666 = arith.extui %sign3A_665 : i1 to i32
      %sign3A_667 = arith.constant 0 : i32
      %sign3A_668 = arith.cmpi slt, %squeeze3A_661, %sign3A_667 : i32
      %sign3A_669 = arith.extui %sign3A_668 : i1 to i32
      %sign3A_670 = arith.subi %sign3A_666, %sign3A_669 : i32
      %sign3A_671 = arith.constant 0 : i32
      %sign3A_672 = arith.cmpi sgt, %jit3A_662, %sign3A_671 : i32
      %sign3A_673 = arith.extui %sign3A_672 : i1 to i32
      %sign3A_674 = arith.constant 0 : i32
      %sign3A_675 = arith.cmpi slt, %jit3A_662, %sign3A_674 : i32
      %sign3A_676 = arith.extui %sign3A_675 : i1 to i32
      %sign3A_677 = arith.subi %sign3A_673, %sign3A_676 : i32
      %ne3A_678 = arith.cmpi ne, %sign3A_670, %sign3A_677 : i32
      %rem3A_679 = arith.remsi %squeeze3A_661, %jit3A_662 : i32
      %ne3A_680 = arith.constant 0 : i32
      %ne3A_681 = arith.cmpi ne, %rem3A_679, %ne3A_680 : i32
      %and3A_682 = arith.andi %ne3A_678, %ne3A_681 : i1
      %sub3A_683 = arith.constant 1 : i32
      %sub3A_684 = arith.subi %div3A_663, %sub3A_683 : i32
      %select_n3A_685 = arith.select %and3A_682, %sub3A_684, %div3A_663 : i32
      %mul3A_686 = arith.constant 128 : i32
      %mul3A_687 = arith.muli %select_n3A_685, %mul3A_686 : i32
      %multiple_of3A_688 = tpu.assume_multiple %mul3A_687, 128 : i32
      %dma_start3A_689 = arith.constant 3 : i32
      %dma_start3A_690 = arith.constant 0 : i32
      %dma_start3A_691 = arith.constant 0 : i32
      %dma_start3A_692 = tpu.memref_slice %arg13[%dma_start3A_689, %dma_start3A_690, %dma_start3A_691] : memref<12x32x128xf32, #tpu.memory_space<vmem>> -> memref<1x32x128xf32, #tpu.memory_space<vmem>>
      %dma_start3A_693 = tpu.memref_squeeze %dma_start3A_692 : memref<1x32x128xf32, #tpu.memory_space<vmem>> -> memref<32x128xf32, #tpu.memory_space<vmem>>
      %dma_start3A_694 = arith.constant 0 : i32
      %dma_start3A_695 = tpu.memref_slice %arg5[%dma_start3A_694, %multiple_of3A_688] : memref<32x1000000xf32, #tpu.memory_space<hbm>> -> memref<32x128xf32, #tpu.memory_space<hbm>>
      %dma_start3A_696 = arith.constant 0 : i32
      %dma_start3A_697 = arith.constant 0 : i32
      %dma_start3A_698 = tpu.memref_slice %arg13[%dma_start3A_689, %dma_start3A_696, %dma_start3A_697] : memref<12x32x128xf32, #tpu.memory_space<vmem>> -> memref<1x32x128xf32, #tpu.memory_space<vmem>>
      %dma_start3A_699 = tpu.memref_squeeze %dma_start3A_698 : memref<1x32x128xf32, #tpu.memory_space<vmem>> -> memref<32x128xf32, #tpu.memory_space<vmem>>
      %dma_start3A_700 = arith.constant 0 : i32
      %dma_start3A_701 = tpu.memref_slice %arg5[%dma_start3A_700, %multiple_of3A_688] : memref<32x1000000xf32, #tpu.memory_space<hbm>> -> memref<32x128xf32, #tpu.memory_space<hbm>>
      tpu.enqueue_dma source(%dma_start3A_701 : memref<32x128xf32, #tpu.memory_space<hbm>>) target(%dma_start3A_699 : memref<32x128xf32, #tpu.memory_space<vmem>>) target_semaphore(%arg31 : memref<!tpu.dma_semaphore, #tpu.memory_space<semaphore_mem>>)
      %slice3A_702 = vector.extract_strided_slice %get3A_529 {offsets = [0], sizes = [1], strides = [1]} : vector<16xi32> to vector<1xi32>
      %squeeze3A_703 = vector.extract %slice3A_702[0] : i32 from vector<1xi32>
      %jit3A_704 = arith.constant 128 : i32
      %div3A_705 = arith.divsi %squeeze3A_703, %jit3A_704 : i32
      %sign3A_706 = arith.constant 0 : i32
      %sign3A_707 = arith.cmpi sgt, %squeeze3A_703, %sign3A_706 : i32
      %sign3A_708 = arith.extui %sign3A_707 : i1 to i32
      %sign3A_709 = arith.constant 0 : i32
      %sign3A_710 = arith.cmpi slt, %squeeze3A_703, %sign3A_709 : i32
      %sign3A_711 = arith.extui %sign3A_710 : i1 to i32
      %sign3A_712 = arith.subi %sign3A_708, %sign3A_711 : i32
      %sign3A_713 = arith.constant 0 : i32
      %sign3A_714 = arith.cmpi sgt, %jit3A_704, %sign3A_713 : i32
      %sign3A_715 = arith.extui %sign3A_714 : i1 to i32
      %sign3A_716 = arith.constant 0 : i32
      %sign3A_717 = arith.cmpi slt, %jit3A_704, %sign3A_716 : i32
      %sign3A_718 = arith.extui %sign3A_717 : i1 to i32
      %sign3A_719 = arith.subi %sign3A_715, %sign3A_718 : i32
      %ne3A_720 = arith.cmpi ne, %sign3A_712, %sign3A_719 : i32
      %rem3A_721 = arith.remsi %squeeze3A_703, %jit3A_704 : i32
      %ne3A_722 = arith.constant 0 : i32
      %ne3A_723 = arith.cmpi ne, %rem3A_721, %ne3A_722 : i32
      %and3A_724 = arith.andi %ne3A_720, %ne3A_723 : i1
      %sub3A_725 = arith.constant 1 : i32
      %sub3A_726 = arith.subi %div3A_705, %sub3A_725 : i32
      %select_n3A_727 = arith.select %and3A_724, %sub3A_726, %div3A_705 : i32
      %mul3A_728 = arith.constant 128 : i32
      %mul3A_729 = arith.muli %select_n3A_727, %mul3A_728 : i32
      %multiple_of3A_730 = tpu.assume_multiple %mul3A_729, 128 : i32
      %dma_start3A_731 = arith.constant 4 : i32
      %dma_start3A_732 = arith.constant 0 : i32
      %dma_start3A_733 = arith.constant 0 : i32
      %dma_start3A_734 = tpu.memref_slice %arg13[%dma_start3A_731, %dma_start3A_732, %dma_start3A_733] : memref<12x32x128xf32, #tpu.memory_space<vmem>> -> memref<1x32x128xf32, #tpu.memory_space<vmem>>
      %dma_start3A_735 = tpu.memref_squeeze %dma_start3A_734 : memref<1x32x128xf32, #tpu.memory_space<vmem>> -> memref<32x128xf32, #tpu.memory_space<vmem>>
      %dma_start3A_736 = arith.constant 0 : i32
      %dma_start3A_737 = tpu.memref_slice %arg6[%dma_start3A_736, %multiple_of3A_730] : memref<32x1000000xf32, #tpu.memory_space<hbm>> -> memref<32x128xf32, #tpu.memory_space<hbm>>
      %dma_start3A_738 = arith.constant 0 : i32
      %dma_start3A_739 = arith.constant 0 : i32
      %dma_start3A_740 = tpu.memref_slice %arg13[%dma_start3A_731, %dma_start3A_738, %dma_start3A_739] : memref<12x32x128xf32, #tpu.memory_space<vmem>> -> memref<1x32x128xf32, #tpu.memory_space<vmem>>
      %dma_start3A_741 = tpu.memref_squeeze %dma_start3A_740 : memref<1x32x128xf32, #tpu.memory_space<vmem>> -> memref<32x128xf32, #tpu.memory_space<vmem>>
      %dma_start3A_742 = arith.constant 0 : i32
      %dma_start3A_743 = tpu.memref_slice %arg6[%dma_start3A_742, %multiple_of3A_730] : memref<32x1000000xf32, #tpu.memory_space<hbm>> -> memref<32x128xf32, #tpu.memory_space<hbm>>
      tpu.enqueue_dma source(%dma_start3A_743 : memref<32x128xf32, #tpu.memory_space<hbm>>) target(%dma_start3A_741 : memref<32x128xf32, #tpu.memory_space<vmem>>) target_semaphore(%arg32 : memref<!tpu.dma_semaphore, #tpu.memory_space<semaphore_mem>>)
      %slice3A_744 = vector.extract_strided_slice %get3A_529 {offsets = [1], sizes = [1], strides = [1]} : vector<16xi32> to vector<1xi32>
      %squeeze3A_745 = vector.extract %slice3A_744[0] : i32 from vector<1xi32>
      %jit3A_746 = arith.constant 128 : i32
      %div3A_747 = arith.divsi %squeeze3A_745, %jit3A_746 : i32
      %sign3A_748 = arith.constant 0 : i32
      %sign3A_749 = arith.cmpi sgt, %squeeze3A_745, %sign3A_748 : i32
      %sign3A_750 = arith.extui %sign3A_749 : i1 to i32
      %sign3A_751 = arith.constant 0 : i32
      %sign3A_752 = arith.cmpi slt, %squeeze3A_745, %sign3A_751 : i32
      %sign3A_753 = arith.extui %sign3A_752 : i1 to i32
      %sign3A_754 = arith.subi %sign3A_750, %sign3A_753 : i32
      %sign3A_755 = arith.constant 0 : i32
      %sign3A_756 = arith.cmpi sgt, %jit3A_746, %sign3A_755 : i32
      %sign3A_757 = arith.extui %sign3A_756 : i1 to i32
      %sign3A_758 = arith.constant 0 : i32
      %sign3A_759 = arith.cmpi slt, %jit3A_746, %sign3A_758 : i32
      %sign3A_760 = arith.extui %sign3A_759 : i1 to i32
      %sign3A_761 = arith.subi %sign3A_757, %sign3A_760 : i32
      %ne3A_762 = arith.cmpi ne, %sign3A_754, %sign3A_761 : i32
      %rem3A_763 = arith.remsi %squeeze3A_745, %jit3A_746 : i32
      %ne3A_764 = arith.constant 0 : i32
      %ne3A_765 = arith.cmpi ne, %rem3A_763, %ne3A_764 : i32
      %and3A_766 = arith.andi %ne3A_762, %ne3A_765 : i1
      %sub3A_767 = arith.constant 1 : i32
      %sub3A_768 = arith.subi %div3A_747, %sub3A_767 : i32
      %select_n3A_769 = arith.select %and3A_766, %sub3A_768, %div3A_747 : i32
      %mul3A_770 = arith.constant 128 : i32
      %mul3A_771 = arith.muli %select_n3A_769, %mul3A_770 : i32
      %multiple_of3A_772 = tpu.assume_multiple %mul3A_771, 128 : i32
      %dma_start3A_773 = arith.constant 5 : i32
      %dma_start3A_774 = arith.constant 0 : i32
      %dma_start3A_775 = arith.constant 0 : i32
      %dma_start3A_776 = tpu.memref_slice %arg13[%dma_start3A_773, %dma_start3A_774, %dma_start3A_775] : memref<12x32x128xf32, #tpu.memory_space<vmem>> -> memref<1x32x128xf32, #tpu.memory_space<vmem>>
      %dma_start3A_777 = tpu.memref_squeeze %dma_start3A_776 : memref<1x32x128xf32, #tpu.memory_space<vmem>> -> memref<32x128xf32, #tpu.memory_space<vmem>>
      %dma_start3A_778 = arith.constant 0 : i32
      %dma_start3A_779 = tpu.memref_slice %arg6[%dma_start3A_778, %multiple_of3A_772] : memref<32x1000000xf32, #tpu.memory_space<hbm>> -> memref<32x128xf32, #tpu.memory_space<hbm>>
      %dma_start3A_780 = arith.constant 0 : i32
      %dma_start3A_781 = arith.constant 0 : i32
      %dma_start3A_782 = tpu.memref_slice %arg13[%dma_start3A_773, %dma_start3A_780, %dma_start3A_781] : memref<12x32x128xf32, #tpu.memory_space<vmem>> -> memref<1x32x128xf32, #tpu.memory_space<vmem>>
      %dma_start3A_783 = tpu.memref_squeeze %dma_start3A_782 : memref<1x32x128xf32, #tpu.memory_space<vmem>> -> memref<32x128xf32, #tpu.memory_space<vmem>>
      %dma_start3A_784 = arith.constant 0 : i32
      %dma_start3A_785 = tpu.memref_slice %arg6[%dma_start3A_784, %multiple_of3A_772] : memref<32x1000000xf32, #tpu.memory_space<hbm>> -> memref<32x128xf32, #tpu.memory_space<hbm>>
      tpu.enqueue_dma source(%dma_start3A_785 : memref<32x128xf32, #tpu.memory_space<hbm>>) target(%dma_start3A_783 : memref<32x128xf32, #tpu.memory_space<vmem>>) target_semaphore(%arg33 : memref<!tpu.dma_semaphore, #tpu.memory_space<semaphore_mem>>)
      %slice3A_786 = vector.extract_strided_slice %get3A_529 {offsets = [2], sizes = [1], strides = [1]} : vector<16xi32> to vector<1xi32>
      %squeeze3A_787 = vector.extract %slice3A_786[0] : i32 from vector<1xi32>
      %jit3A_788 = arith.constant 128 : i32
      %div3A_789 = arith.divsi %squeeze3A_787, %jit3A_788 : i32
      %sign3A_790 = arith.constant 0 : i32
      %sign3A_791 = arith.cmpi sgt, %squeeze3A_787, %sign3A_790 : i32
      %sign3A_792 = arith.extui %sign3A_791 : i1 to i32
      %sign3A_793 = arith.constant 0 : i32
      %sign3A_794 = arith.cmpi slt, %squeeze3A_787, %sign3A_793 : i32
      %sign3A_795 = arith.extui %sign3A_794 : i1 to i32
      %sign3A_796 = arith.subi %sign3A_792, %sign3A_795 : i32
      %sign3A_797 = arith.constant 0 : i32
      %sign3A_798 = arith.cmpi sgt, %jit3A_788, %sign3A_797 : i32
      %sign3A_799 = arith.extui %sign3A_798 : i1 to i32
      %sign3A_800 = arith.constant 0 : i32
      %sign3A_801 = arith.cmpi slt, %jit3A_788, %sign3A_800 : i32
      %sign3A_802 = arith.extui %sign3A_801 : i1 to i32
      %sign3A_803 = arith.subi %sign3A_799, %sign3A_802 : i32
      %ne3A_804 = arith.cmpi ne, %sign3A_796, %sign3A_803 : i32
      %rem3A_805 = arith.remsi %squeeze3A_787, %jit3A_788 : i32
      %ne3A_806 = arith.constant 0 : i32
      %ne3A_807 = arith.cmpi ne, %rem3A_805, %ne3A_806 : i32
      %and3A_808 = arith.andi %ne3A_804, %ne3A_807 : i1
      %sub3A_809 = arith.constant 1 : i32
      %sub3A_810 = arith.subi %div3A_789, %sub3A_809 : i32
      %select_n3A_811 = arith.select %and3A_808, %sub3A_810, %div3A_789 : i32
      %mul3A_812 = arith.constant 128 : i32
      %mul3A_813 = arith.muli %select_n3A_811, %mul3A_812 : i32
      %multiple_of3A_814 = tpu.assume_multiple %mul3A_813, 128 : i32
      %dma_start3A_815 = arith.constant 6 : i32
      %dma_start3A_816 = arith.constant 0 : i32
      %dma_start3A_817 = arith.constant 0 : i32
      %dma_start3A_818 = tpu.memref_slice %arg13[%dma_start3A_815, %dma_start3A_816, %dma_start3A_817] : memref<12x32x128xf32, #tpu.memory_space<vmem>> -> memref<1x32x128xf32, #tpu.memory_space<vmem>>
      %dma_start3A_819 = tpu.memref_squeeze %dma_start3A_818 : memref<1x32x128xf32, #tpu.memory_space<vmem>> -> memref<32x128xf32, #tpu.memory_space<vmem>>
      %dma_start3A_820 = arith.constant 0 : i32
      %dma_start3A_821 = tpu.memref_slice %arg6[%dma_start3A_820, %multiple_of3A_814] : memref<32x1000000xf32, #tpu.memory_space<hbm>> -> memref<32x128xf32, #tpu.memory_space<hbm>>
      %dma_start3A_822 = arith.constant 0 : i32
      %dma_start3A_823 = arith.constant 0 : i32
      %dma_start3A_824 = tpu.memref_slice %arg13[%dma_start3A_815, %dma_start3A_822, %dma_start3A_823] : memref<12x32x128xf32, #tpu.memory_space<vmem>> -> memref<1x32x128xf32, #tpu.memory_space<vmem>>
      %dma_start3A_825 = tpu.memref_squeeze %dma_start3A_824 : memref<1x32x128xf32, #tpu.memory_space<vmem>> -> memref<32x128xf32, #tpu.memory_space<vmem>>
      %dma_start3A_826 = arith.constant 0 : i32
      %dma_start3A_827 = tpu.memref_slice %arg6[%dma_start3A_826, %multiple_of3A_814] : memref<32x1000000xf32, #tpu.memory_space<hbm>> -> memref<32x128xf32, #tpu.memory_space<hbm>>
      tpu.enqueue_dma source(%dma_start3A_827 : memref<32x128xf32, #tpu.memory_space<hbm>>) target(%dma_start3A_825 : memref<32x128xf32, #tpu.memory_space<vmem>>) target_semaphore(%arg34 : memref<!tpu.dma_semaphore, #tpu.memory_space<semaphore_mem>>)
      %slice3A_828 = vector.extract_strided_slice %get3A_529 {offsets = [3], sizes = [1], strides = [1]} : vector<16xi32> to vector<1xi32>
      %squeeze3A_829 = vector.extract %slice3A_828[0] : i32 from vector<1xi32>
      %jit3A_830 = arith.constant 128 : i32
      %div3A_831 = arith.divsi %squeeze3A_829, %jit3A_830 : i32
      %sign3A_832 = arith.constant 0 : i32
      %sign3A_833 = arith.cmpi sgt, %squeeze3A_829, %sign3A_832 : i32
      %sign3A_834 = arith.extui %sign3A_833 : i1 to i32
      %sign3A_835 = arith.constant 0 : i32
      %sign3A_836 = arith.cmpi slt, %squeeze3A_829, %sign3A_835 : i32
      %sign3A_837 = arith.extui %sign3A_836 : i1 to i32
      %sign3A_838 = arith.subi %sign3A_834, %sign3A_837 : i32
      %sign3A_839 = arith.constant 0 : i32
      %sign3A_840 = arith.cmpi sgt, %jit3A_830, %sign3A_839 : i32
      %sign3A_841 = arith.extui %sign3A_840 : i1 to i32
      %sign3A_842 = arith.constant 0 : i32
      %sign3A_843 = arith.cmpi slt, %jit3A_830, %sign3A_842 : i32
      %sign3A_844 = arith.extui %sign3A_843 : i1 to i32
      %sign3A_845 = arith.subi %sign3A_841, %sign3A_844 : i32
      %ne3A_846 = arith.cmpi ne, %sign3A_838, %sign3A_845 : i32
      %rem3A_847 = arith.remsi %squeeze3A_829, %jit3A_830 : i32
      %ne3A_848 = arith.constant 0 : i32
      %ne3A_849 = arith.cmpi ne, %rem3A_847, %ne3A_848 : i32
      %and3A_850 = arith.andi %ne3A_846, %ne3A_849 : i1
      %sub3A_851 = arith.constant 1 : i32
      %sub3A_852 = arith.subi %div3A_831, %sub3A_851 : i32
      %select_n3A_853 = arith.select %and3A_850, %sub3A_852, %div3A_831 : i32
      %mul3A_854 = arith.constant 128 : i32
      %mul3A_855 = arith.muli %select_n3A_853, %mul3A_854 : i32
      %multiple_of3A_856 = tpu.assume_multiple %mul3A_855, 128 : i32
      %dma_start3A_857 = arith.constant 7 : i32
      %dma_start3A_858 = arith.constant 0 : i32
      %dma_start3A_859 = arith.constant 0 : i32
      %dma_start3A_860 = tpu.memref_slice %arg13[%dma_start3A_857, %dma_start3A_858, %dma_start3A_859] : memref<12x32x128xf32, #tpu.memory_space<vmem>> -> memref<1x32x128xf32, #tpu.memory_space<vmem>>
      %dma_start3A_861 = tpu.memref_squeeze %dma_start3A_860 : memref<1x32x128xf32, #tpu.memory_space<vmem>> -> memref<32x128xf32, #tpu.memory_space<vmem>>
      %dma_start3A_862 = arith.constant 0 : i32
      %dma_start3A_863 = tpu.memref_slice %arg6[%dma_start3A_862, %multiple_of3A_856] : memref<32x1000000xf32, #tpu.memory_space<hbm>> -> memref<32x128xf32, #tpu.memory_space<hbm>>
      %dma_start3A_864 = arith.constant 0 : i32
      %dma_start3A_865 = arith.constant 0 : i32
      %dma_start3A_866 = tpu.memref_slice %arg13[%dma_start3A_857, %dma_start3A_864, %dma_start3A_865] : memref<12x32x128xf32, #tpu.memory_space<vmem>> -> memref<1x32x128xf32, #tpu.memory_space<vmem>>
      %dma_start3A_867 = tpu.memref_squeeze %dma_start3A_866 : memref<1x32x128xf32, #tpu.memory_space<vmem>> -> memref<32x128xf32, #tpu.memory_space<vmem>>
      %dma_start3A_868 = arith.constant 0 : i32
      %dma_start3A_869 = tpu.memref_slice %arg6[%dma_start3A_868, %multiple_of3A_856] : memref<32x1000000xf32, #tpu.memory_space<hbm>> -> memref<32x128xf32, #tpu.memory_space<hbm>>
      tpu.enqueue_dma source(%dma_start3A_869 : memref<32x128xf32, #tpu.memory_space<hbm>>) target(%dma_start3A_867 : memref<32x128xf32, #tpu.memory_space<vmem>>) target_semaphore(%arg35 : memref<!tpu.dma_semaphore, #tpu.memory_space<semaphore_mem>>)
      %slice3A_870 = vector.extract_strided_slice %get3A_533 {offsets = [0], sizes = [1], strides = [1]} : vector<16xi32> to vector<1xi32>
      %squeeze3A_871 = vector.extract %slice3A_870[0] : i32 from vector<1xi32>
      %jit3A_872 = arith.constant 128 : i32
      %div3A_873 = arith.divsi %squeeze3A_871, %jit3A_872 : i32
      %sign3A_874 = arith.constant 0 : i32
      %sign3A_875 = arith.cmpi sgt, %squeeze3A_871, %sign3A_874 : i32
      %sign3A_876 = arith.extui %sign3A_875 : i1 to i32
      %sign3A_877 = arith.constant 0 : i32
      %sign3A_878 = arith.cmpi slt, %squeeze3A_871, %sign3A_877 : i32
      %sign3A_879 = arith.extui %sign3A_878 : i1 to i32
      %sign3A_880 = arith.subi %sign3A_876, %sign3A_879 : i32
      %sign3A_881 = arith.constant 0 : i32
      %sign3A_882 = arith.cmpi sgt, %jit3A_872, %sign3A_881 : i32
      %sign3A_883 = arith.extui %sign3A_882 : i1 to i32
      %sign3A_884 = arith.constant 0 : i32
      %sign3A_885 = arith.cmpi slt, %jit3A_872, %sign3A_884 : i32
      %sign3A_886 = arith.extui %sign3A_885 : i1 to i32
      %sign3A_887 = arith.subi %sign3A_883, %sign3A_886 : i32
      %ne3A_888 = arith.cmpi ne, %sign3A_880, %sign3A_887 : i32
      %rem3A_889 = arith.remsi %squeeze3A_871, %jit3A_872 : i32
      %ne3A_890 = arith.constant 0 : i32
      %ne3A_891 = arith.cmpi ne, %rem3A_889, %ne3A_890 : i32
      %and3A_892 = arith.andi %ne3A_888, %ne3A_891 : i1
      %sub3A_893 = arith.constant 1 : i32
      %sub3A_894 = arith.subi %div3A_873, %sub3A_893 : i32
      %select_n3A_895 = arith.select %and3A_892, %sub3A_894, %div3A_873 : i32
      %mul3A_896 = arith.constant 128 : i32
      %mul3A_897 = arith.muli %select_n3A_895, %mul3A_896 : i32
      %multiple_of3A_898 = tpu.assume_multiple %mul3A_897, 128 : i32
      %dma_start3A_899 = arith.constant 8 : i32
      %dma_start3A_900 = arith.constant 0 : i32
      %dma_start3A_901 = arith.constant 0 : i32
      %dma_start3A_902 = tpu.memref_slice %arg13[%dma_start3A_899, %dma_start3A_900, %dma_start3A_901] : memref<12x32x128xf32, #tpu.memory_space<vmem>> -> memref<1x32x128xf32, #tpu.memory_space<vmem>>
      %dma_start3A_903 = tpu.memref_squeeze %dma_start3A_902 : memref<1x32x128xf32, #tpu.memory_space<vmem>> -> memref<32x128xf32, #tpu.memory_space<vmem>>
      %dma_start3A_904 = arith.constant 0 : i32
      %dma_start3A_905 = tpu.memref_slice %arg6[%dma_start3A_904, %multiple_of3A_898] : memref<32x1000000xf32, #tpu.memory_space<hbm>> -> memref<32x128xf32, #tpu.memory_space<hbm>>
      %dma_start3A_906 = arith.constant 0 : i32
      %dma_start3A_907 = arith.constant 0 : i32
      %dma_start3A_908 = tpu.memref_slice %arg13[%dma_start3A_899, %dma_start3A_906, %dma_start3A_907] : memref<12x32x128xf32, #tpu.memory_space<vmem>> -> memref<1x32x128xf32, #tpu.memory_space<vmem>>
      %dma_start3A_909 = tpu.memref_squeeze %dma_start3A_908 : memref<1x32x128xf32, #tpu.memory_space<vmem>> -> memref<32x128xf32, #tpu.memory_space<vmem>>
      %dma_start3A_910 = arith.constant 0 : i32
      %dma_start3A_911 = tpu.memref_slice %arg6[%dma_start3A_910, %multiple_of3A_898] : memref<32x1000000xf32, #tpu.memory_space<hbm>> -> memref<32x128xf32, #tpu.memory_space<hbm>>
      tpu.enqueue_dma source(%dma_start3A_911 : memref<32x128xf32, #tpu.memory_space<hbm>>) target(%dma_start3A_909 : memref<32x128xf32, #tpu.memory_space<vmem>>) target_semaphore(%arg36 : memref<!tpu.dma_semaphore, #tpu.memory_space<semaphore_mem>>)
      %slice3A_912 = vector.extract_strided_slice %get3A_533 {offsets = [1], sizes = [1], strides = [1]} : vector<16xi32> to vector<1xi32>
      %squeeze3A_913 = vector.extract %slice3A_912[0] : i32 from vector<1xi32>
      %jit3A_914 = arith.constant 128 : i32
      %div3A_915 = arith.divsi %squeeze3A_913, %jit3A_914 : i32
      %sign3A_916 = arith.constant 0 : i32
      %sign3A_917 = arith.cmpi sgt, %squeeze3A_913, %sign3A_916 : i32
      %sign3A_918 = arith.extui %sign3A_917 : i1 to i32
      %sign3A_919 = arith.constant 0 : i32
      %sign3A_920 = arith.cmpi slt, %squeeze3A_913, %sign3A_919 : i32
      %sign3A_921 = arith.extui %sign3A_920 : i1 to i32
      %sign3A_922 = arith.subi %sign3A_918, %sign3A_921 : i32
      %sign3A_923 = arith.constant 0 : i32
      %sign3A_924 = arith.cmpi sgt, %jit3A_914, %sign3A_923 : i32
      %sign3A_925 = arith.extui %sign3A_924 : i1 to i32
      %sign3A_926 = arith.constant 0 : i32
      %sign3A_927 = arith.cmpi slt, %jit3A_914, %sign3A_926 : i32
      %sign3A_928 = arith.extui %sign3A_927 : i1 to i32
      %sign3A_929 = arith.subi %sign3A_925, %sign3A_928 : i32
      %ne3A_930 = arith.cmpi ne, %sign3A_922, %sign3A_929 : i32
      %rem3A_931 = arith.remsi %squeeze3A_913, %jit3A_914 : i32
      %ne3A_932 = arith.constant 0 : i32
      %ne3A_933 = arith.cmpi ne, %rem3A_931, %ne3A_932 : i32
      %and3A_934 = arith.andi %ne3A_930, %ne3A_933 : i1
      %sub3A_935 = arith.constant 1 : i32
      %sub3A_936 = arith.subi %div3A_915, %sub3A_935 : i32
      %select_n3A_937 = arith.select %and3A_934, %sub3A_936, %div3A_915 : i32
      %mul3A_938 = arith.constant 128 : i32
      %mul3A_939 = arith.muli %select_n3A_937, %mul3A_938 : i32
      %multiple_of3A_940 = tpu.assume_multiple %mul3A_939, 128 : i32
      %dma_start3A_941 = arith.constant 9 : i32
      %dma_start3A_942 = arith.constant 0 : i32
      %dma_start3A_943 = arith.constant 0 : i32
      %dma_start3A_944 = tpu.memref_slice %arg13[%dma_start3A_941, %dma_start3A_942, %dma_start3A_943] : memref<12x32x128xf32, #tpu.memory_space<vmem>> -> memref<1x32x128xf32, #tpu.memory_space<vmem>>
      %dma_start3A_945 = tpu.memref_squeeze %dma_start3A_944 : memref<1x32x128xf32, #tpu.memory_space<vmem>> -> memref<32x128xf32, #tpu.memory_space<vmem>>
      %dma_start3A_946 = arith.constant 0 : i32
      %dma_start3A_947 = tpu.memref_slice %arg6[%dma_start3A_946, %multiple_of3A_940] : memref<32x1000000xf32, #tpu.memory_space<hbm>> -> memref<32x128xf32, #tpu.memory_space<hbm>>
      %dma_start3A_948 = arith.constant 0 : i32
      %dma_start3A_949 = arith.constant 0 : i32
      %dma_start3A_950 = tpu.memref_slice %arg13[%dma_start3A_941, %dma_start3A_948, %dma_start3A_949] : memref<12x32x128xf32, #tpu.memory_space<vmem>> -> memref<1x32x128xf32, #tpu.memory_space<vmem>>
      %dma_start3A_951 = tpu.memref_squeeze %dma_start3A_950 : memref<1x32x128xf32, #tpu.memory_space<vmem>> -> memref<32x128xf32, #tpu.memory_space<vmem>>
      %dma_start3A_952 = arith.constant 0 : i32
      %dma_start3A_953 = tpu.memref_slice %arg6[%dma_start3A_952, %multiple_of3A_940] : memref<32x1000000xf32, #tpu.memory_space<hbm>> -> memref<32x128xf32, #tpu.memory_space<hbm>>
      tpu.enqueue_dma source(%dma_start3A_953 : memref<32x128xf32, #tpu.memory_space<hbm>>) target(%dma_start3A_951 : memref<32x128xf32, #tpu.memory_space<vmem>>) target_semaphore(%arg37 : memref<!tpu.dma_semaphore, #tpu.memory_space<semaphore_mem>>)
      %slice3A_954 = vector.extract_strided_slice %get3A_533 {offsets = [2], sizes = [1], strides = [1]} : vector<16xi32> to vector<1xi32>
      %squeeze3A_955 = vector.extract %slice3A_954[0] : i32 from vector<1xi32>
      %jit3A_956 = arith.constant 128 : i32
      %div3A_957 = arith.divsi %squeeze3A_955, %jit3A_956 : i32
      %sign3A_958 = arith.constant 0 : i32
      %sign3A_959 = arith.cmpi sgt, %squeeze3A_955, %sign3A_958 : i32
      %sign3A_960 = arith.extui %sign3A_959 : i1 to i32
      %sign3A_961 = arith.constant 0 : i32
      %sign3A_962 = arith.cmpi slt, %squeeze3A_955, %sign3A_961 : i32
      %sign3A_963 = arith.extui %sign3A_962 : i1 to i32
      %sign3A_964 = arith.subi %sign3A_960, %sign3A_963 : i32
      %sign3A_965 = arith.constant 0 : i32
      %sign3A_966 = arith.cmpi sgt, %jit3A_956, %sign3A_965 : i32
      %sign3A_967 = arith.extui %sign3A_966 : i1 to i32
      %sign3A_968 = arith.constant 0 : i32
      %sign3A_969 = arith.cmpi slt, %jit3A_956, %sign3A_968 : i32
      %sign3A_970 = arith.extui %sign3A_969 : i1 to i32
      %sign3A_971 = arith.subi %sign3A_967, %sign3A_970 : i32
      %ne3A_972 = arith.cmpi ne, %sign3A_964, %sign3A_971 : i32
      %rem3A_973 = arith.remsi %squeeze3A_955, %jit3A_956 : i32
      %ne3A_974 = arith.constant 0 : i32
      %ne3A_975 = arith.cmpi ne, %rem3A_973, %ne3A_974 : i32
      %and3A_976 = arith.andi %ne3A_972, %ne3A_975 : i1
      %sub3A_977 = arith.constant 1 : i32
      %sub3A_978 = arith.subi %div3A_957, %sub3A_977 : i32
      %select_n3A_979 = arith.select %and3A_976, %sub3A_978, %div3A_957 : i32
      %mul3A_980 = arith.constant 128 : i32
      %mul3A_981 = arith.muli %select_n3A_979, %mul3A_980 : i32
      %multiple_of3A_982 = tpu.assume_multiple %mul3A_981, 128 : i32
      %dma_start3A_983 = arith.constant 10 : i32
      %dma_start3A_984 = arith.constant 0 : i32
      %dma_start3A_985 = arith.constant 0 : i32
      %dma_start3A_986 = tpu.memref_slice %arg13[%dma_start3A_983, %dma_start3A_984, %dma_start3A_985] : memref<12x32x128xf32, #tpu.memory_space<vmem>> -> memref<1x32x128xf32, #tpu.memory_space<vmem>>
      %dma_start3A_987 = tpu.memref_squeeze %dma_start3A_986 : memref<1x32x128xf32, #tpu.memory_space<vmem>> -> memref<32x128xf32, #tpu.memory_space<vmem>>
      %dma_start3A_988 = arith.constant 0 : i32
      %dma_start3A_989 = tpu.memref_slice %arg6[%dma_start3A_988, %multiple_of3A_982] : memref<32x1000000xf32, #tpu.memory_space<hbm>> -> memref<32x128xf32, #tpu.memory_space<hbm>>
      %dma_start3A_990 = arith.constant 0 : i32
      %dma_start3A_991 = arith.constant 0 : i32
      %dma_start3A_992 = tpu.memref_slice %arg13[%dma_start3A_983, %dma_start3A_990, %dma_start3A_991] : memref<12x32x128xf32, #tpu.memory_space<vmem>> -> memref<1x32x128xf32, #tpu.memory_space<vmem>>
      %dma_start3A_993 = tpu.memref_squeeze %dma_start3A_992 : memref<1x32x128xf32, #tpu.memory_space<vmem>> -> memref<32x128xf32, #tpu.memory_space<vmem>>
      %dma_start3A_994 = arith.constant 0 : i32
      %dma_start3A_995 = tpu.memref_slice %arg6[%dma_start3A_994, %multiple_of3A_982] : memref<32x1000000xf32, #tpu.memory_space<hbm>> -> memref<32x128xf32, #tpu.memory_space<hbm>>
      tpu.enqueue_dma source(%dma_start3A_995 : memref<32x128xf32, #tpu.memory_space<hbm>>) target(%dma_start3A_993 : memref<32x128xf32, #tpu.memory_space<vmem>>) target_semaphore(%arg38 : memref<!tpu.dma_semaphore, #tpu.memory_space<semaphore_mem>>)
      %slice3A_996 = vector.extract_strided_slice %get3A_533 {offsets = [3], sizes = [1], strides = [1]} : vector<16xi32> to vector<1xi32>
      %squeeze3A_997 = vector.extract %slice3A_996[0] : i32 from vector<1xi32>
      %jit3A_998 = arith.constant 128 : i32
      %div3A_999 = arith.divsi %squeeze3A_997, %jit3A_998 : i32
      %sign3A_1000 = arith.constant 0 : i32
      %sign3A_1001 = arith.cmpi sgt, %squeeze3A_997, %sign3A_1000 : i32
      %sign3A_1002 = arith.extui %sign3A_1001 : i1 to i32
      %sign3A_1003 = arith.constant 0 : i32
      %sign3A_1004 = arith.cmpi slt, %squeeze3A_997, %sign3A_1003 : i32
      %sign3A_1005 = arith.extui %sign3A_1004 : i1 to i32
      %sign3A_1006 = arith.subi %sign3A_1002, %sign3A_1005 : i32
      %sign3A_1007 = arith.constant 0 : i32
      %sign3A_1008 = arith.cmpi sgt, %jit3A_998, %sign3A_1007 : i32
      %sign3A_1009 = arith.extui %sign3A_1008 : i1 to i32
      %sign3A_1010 = arith.constant 0 : i32
      %sign3A_1011 = arith.cmpi slt, %jit3A_998, %sign3A_1010 : i32
      %sign3A_1012 = arith.extui %sign3A_1011 : i1 to i32
      %sign3A_1013 = arith.subi %sign3A_1009, %sign3A_1012 : i32
      %ne3A_1014 = arith.cmpi ne, %sign3A_1006, %sign3A_1013 : i32
      %rem3A_1015 = arith.remsi %squeeze3A_997, %jit3A_998 : i32
      %ne3A_1016 = arith.constant 0 : i32
      %ne3A_1017 = arith.cmpi ne, %rem3A_1015, %ne3A_1016 : i32
      %and3A_1018 = arith.andi %ne3A_1014, %ne3A_1017 : i1
      %sub3A_1019 = arith.constant 1 : i32
      %sub3A_1020 = arith.subi %div3A_999, %sub3A_1019 : i32
      %select_n3A_1021 = arith.select %and3A_1018, %sub3A_1020, %div3A_999 : i32
      %mul3A_1022 = arith.constant 128 : i32
      %mul3A_1023 = arith.muli %select_n3A_1021, %mul3A_1022 : i32
      %multiple_of3A_1024 = tpu.assume_multiple %mul3A_1023, 128 : i32
      %dma_start3A_1025 = arith.constant 11 : i32
      %dma_start3A_1026 = arith.constant 0 : i32
      %dma_start3A_1027 = arith.constant 0 : i32
      %dma_start3A_1028 = tpu.memref_slice %arg13[%dma_start3A_1025, %dma_start3A_1026, %dma_start3A_1027] : memref<12x32x128xf32, #tpu.memory_space<vmem>> -> memref<1x32x128xf32, #tpu.memory_space<vmem>>
      %dma_start3A_1029 = tpu.memref_squeeze %dma_start3A_1028 : memref<1x32x128xf32, #tpu.memory_space<vmem>> -> memref<32x128xf32, #tpu.memory_space<vmem>>
      %dma_start3A_1030 = arith.constant 0 : i32
      %dma_start3A_1031 = tpu.memref_slice %arg6[%dma_start3A_1030, %multiple_of3A_1024] : memref<32x1000000xf32, #tpu.memory_space<hbm>> -> memref<32x128xf32, #tpu.memory_space<hbm>>
      %dma_start3A_1032 = arith.constant 0 : i32
      %dma_start3A_1033 = arith.constant 0 : i32
      %dma_start3A_1034 = tpu.memref_slice %arg13[%dma_start3A_1025, %dma_start3A_1032, %dma_start3A_1033] : memref<12x32x128xf32, #tpu.memory_space<vmem>> -> memref<1x32x128xf32, #tpu.memory_space<vmem>>
      %dma_start3A_1035 = tpu.memref_squeeze %dma_start3A_1034 : memref<1x32x128xf32, #tpu.memory_space<vmem>> -> memref<32x128xf32, #tpu.memory_space<vmem>>
      %dma_start3A_1036 = arith.constant 0 : i32
      %dma_start3A_1037 = tpu.memref_slice %arg6[%dma_start3A_1036, %multiple_of3A_1024] : memref<32x1000000xf32, #tpu.memory_space<hbm>> -> memref<32x128xf32, #tpu.memory_space<hbm>>
      tpu.enqueue_dma source(%dma_start3A_1037 : memref<32x128xf32, #tpu.memory_space<hbm>>) target(%dma_start3A_1035 : memref<32x128xf32, #tpu.memory_space<vmem>>) target_semaphore(%arg39 : memref<!tpu.dma_semaphore, #tpu.memory_space<semaphore_mem>>)
      %dma_wait3A = arith.constant 0 : i32
      %dma_wait3A_1038 = arith.constant 0 : i32
      %dma_wait3A_1039 = arith.constant 0 : i32
      %dma_wait3A_1040 = tpu.memref_slice %arg12[%dma_wait3A, %dma_wait3A_1038, %dma_wait3A_1039] : memref<12x32x128xf32, #tpu.memory_space<vmem>> -> memref<1x32x128xf32, #tpu.memory_space<vmem>>
      %dma_wait3A_1041 = tpu.memref_squeeze %dma_wait3A_1040 : memref<1x32x128xf32, #tpu.memory_space<vmem>> -> memref<32x128xf32, #tpu.memory_space<vmem>>
      %dma_wait3A_1042 = arith.constant 0 : i32
      %dma_wait3A_1043 = arith.constant 0 : i32
      %dma_wait3A_1044 = tpu.memref_slice %arg5[%dma_wait3A_1042, %dma_wait3A_1043] : memref<32x1000000xf32, #tpu.memory_space<hbm>> -> memref<32x128xf32, #tpu.memory_space<hbm>>
      %dma_wait3A_1045 = arith.constant 0 : i32
      %dma_wait3A_1046 = arith.constant 0 : i32
      %dma_wait3A_1047 = tpu.memref_slice %arg12[%dma_wait3A, %dma_wait3A_1045, %dma_wait3A_1046] : memref<12x32x128xf32, #tpu.memory_space<vmem>> -> memref<1x32x128xf32, #tpu.memory_space<vmem>>
      %dma_wait3A_1048 = tpu.memref_squeeze %dma_wait3A_1047 : memref<1x32x128xf32, #tpu.memory_space<vmem>> -> memref<32x128xf32, #tpu.memory_space<vmem>>
      %dma_wait3A_1049 = arith.constant 0 : i32
      %dma_wait3A_1050 = arith.constant 0 : i32
      %dma_wait3A_1051 = tpu.memref_slice %arg5[%dma_wait3A_1049, %dma_wait3A_1050] : memref<32x1000000xf32, #tpu.memory_space<hbm>> -> memref<32x128xf32, #tpu.memory_space<hbm>>
      tpu.wait_dma2 semaphore(%arg16 : memref<!tpu.dma_semaphore, #tpu.memory_space<semaphore_mem>>) src(%dma_wait3A_1051 : memref<32x128xf32, #tpu.memory_space<hbm>>) dst(%dma_wait3A_1048 : memref<32x128xf32, #tpu.memory_space<vmem>>)
      %dma_wait3A_1052 = arith.constant 1 : i32
      %dma_wait3A_1053 = arith.constant 0 : i32
      %dma_wait3A_1054 = arith.constant 0 : i32
      %dma_wait3A_1055 = tpu.memref_slice %arg12[%dma_wait3A_1052, %dma_wait3A_1053, %dma_wait3A_1054] : memref<12x32x128xf32, #tpu.memory_space<vmem>> -> memref<1x32x128xf32, #tpu.memory_space<vmem>>
      %dma_wait3A_1056 = tpu.memref_squeeze %dma_wait3A_1055 : memref<1x32x128xf32, #tpu.memory_space<vmem>> -> memref<32x128xf32, #tpu.memory_space<vmem>>
      %dma_wait3A_1057 = arith.constant 0 : i32
      %dma_wait3A_1058 = arith.constant 0 : i32
      %dma_wait3A_1059 = tpu.memref_slice %arg5[%dma_wait3A_1057, %dma_wait3A_1058] : memref<32x1000000xf32, #tpu.memory_space<hbm>> -> memref<32x128xf32, #tpu.memory_space<hbm>>
      %dma_wait3A_1060 = arith.constant 0 : i32
      %dma_wait3A_1061 = arith.constant 0 : i32
      %dma_wait3A_1062 = tpu.memref_slice %arg12[%dma_wait3A_1052, %dma_wait3A_1060, %dma_wait3A_1061] : memref<12x32x128xf32, #tpu.memory_space<vmem>> -> memref<1x32x128xf32, #tpu.memory_space<vmem>>
      %dma_wait3A_1063 = tpu.memref_squeeze %dma_wait3A_1062 : memref<1x32x128xf32, #tpu.memory_space<vmem>> -> memref<32x128xf32, #tpu.memory_space<vmem>>
      %dma_wait3A_1064 = arith.constant 0 : i32
      %dma_wait3A_1065 = arith.constant 0 : i32
      %dma_wait3A_1066 = tpu.memref_slice %arg5[%dma_wait3A_1064, %dma_wait3A_1065] : memref<32x1000000xf32, #tpu.memory_space<hbm>> -> memref<32x128xf32, #tpu.memory_space<hbm>>
      tpu.wait_dma2 semaphore(%arg17 : memref<!tpu.dma_semaphore, #tpu.memory_space<semaphore_mem>>) src(%dma_wait3A_1066 : memref<32x128xf32, #tpu.memory_space<hbm>>) dst(%dma_wait3A_1063 : memref<32x128xf32, #tpu.memory_space<vmem>>)
      %dma_wait3A_1067 = arith.constant 2 : i32
      %dma_wait3A_1068 = arith.constant 0 : i32
      %dma_wait3A_1069 = arith.constant 0 : i32
      %dma_wait3A_1070 = tpu.memref_slice %arg12[%dma_wait3A_1067, %dma_wait3A_1068, %dma_wait3A_1069] : memref<12x32x128xf32, #tpu.memory_space<vmem>> -> memref<1x32x128xf32, #tpu.memory_space<vmem>>
      %dma_wait3A_1071 = tpu.memref_squeeze %dma_wait3A_1070 : memref<1x32x128xf32, #tpu.memory_space<vmem>> -> memref<32x128xf32, #tpu.memory_space<vmem>>
      %dma_wait3A_1072 = arith.constant 0 : i32
      %dma_wait3A_1073 = arith.constant 0 : i32
      %dma_wait3A_1074 = tpu.memref_slice %arg5[%dma_wait3A_1072, %dma_wait3A_1073] : memref<32x1000000xf32, #tpu.memory_space<hbm>> -> memref<32x128xf32, #tpu.memory_space<hbm>>
      %dma_wait3A_1075 = arith.constant 0 : i32
      %dma_wait3A_1076 = arith.constant 0 : i32
      %dma_wait3A_1077 = tpu.memref_slice %arg12[%dma_wait3A_1067, %dma_wait3A_1075, %dma_wait3A_1076] : memref<12x32x128xf32, #tpu.memory_space<vmem>> -> memref<1x32x128xf32, #tpu.memory_space<vmem>>
      %dma_wait3A_1078 = tpu.memref_squeeze %dma_wait3A_1077 : memref<1x32x128xf32, #tpu.memory_space<vmem>> -> memref<32x128xf32, #tpu.memory_space<vmem>>
      %dma_wait3A_1079 = arith.constant 0 : i32
      %dma_wait3A_1080 = arith.constant 0 : i32
      %dma_wait3A_1081 = tpu.memref_slice %arg5[%dma_wait3A_1079, %dma_wait3A_1080] : memref<32x1000000xf32, #tpu.memory_space<hbm>> -> memref<32x128xf32, #tpu.memory_space<hbm>>
      tpu.wait_dma2 semaphore(%arg18 : memref<!tpu.dma_semaphore, #tpu.memory_space<semaphore_mem>>) src(%dma_wait3A_1081 : memref<32x128xf32, #tpu.memory_space<hbm>>) dst(%dma_wait3A_1078 : memref<32x128xf32, #tpu.memory_space<vmem>>)
      %dma_wait3A_1082 = arith.constant 3 : i32
      %dma_wait3A_1083 = arith.constant 0 : i32
      %dma_wait3A_1084 = arith.constant 0 : i32
      %dma_wait3A_1085 = tpu.memref_slice %arg12[%dma_wait3A_1082, %dma_wait3A_1083, %dma_wait3A_1084] : memref<12x32x128xf32, #tpu.memory_space<vmem>> -> memref<1x32x128xf32, #tpu.memory_space<vmem>>
      %dma_wait3A_1086 = tpu.memref_squeeze %dma_wait3A_1085 : memref<1x32x128xf32, #tpu.memory_space<vmem>> -> memref<32x128xf32, #tpu.memory_space<vmem>>
      %dma_wait3A_1087 = arith.constant 0 : i32
      %dma_wait3A_1088 = arith.constant 0 : i32
      %dma_wait3A_1089 = tpu.memref_slice %arg5[%dma_wait3A_1087, %dma_wait3A_1088] : memref<32x1000000xf32, #tpu.memory_space<hbm>> -> memref<32x128xf32, #tpu.memory_space<hbm>>
      %dma_wait3A_1090 = arith.constant 0 : i32
      %dma_wait3A_1091 = arith.constant 0 : i32
      %dma_wait3A_1092 = tpu.memref_slice %arg12[%dma_wait3A_1082, %dma_wait3A_1090, %dma_wait3A_1091] : memref<12x32x128xf32, #tpu.memory_space<vmem>> -> memref<1x32x128xf32, #tpu.memory_space<vmem>>
      %dma_wait3A_1093 = tpu.memref_squeeze %dma_wait3A_1092 : memref<1x32x128xf32, #tpu.memory_space<vmem>> -> memref<32x128xf32, #tpu.memory_space<vmem>>
      %dma_wait3A_1094 = arith.constant 0 : i32
      %dma_wait3A_1095 = arith.constant 0 : i32
      %dma_wait3A_1096 = tpu.memref_slice %arg5[%dma_wait3A_1094, %dma_wait3A_1095] : memref<32x1000000xf32, #tpu.memory_space<hbm>> -> memref<32x128xf32, #tpu.memory_space<hbm>>
      tpu.wait_dma2 semaphore(%arg19 : memref<!tpu.dma_semaphore, #tpu.memory_space<semaphore_mem>>) src(%dma_wait3A_1096 : memref<32x128xf32, #tpu.memory_space<hbm>>) dst(%dma_wait3A_1093 : memref<32x128xf32, #tpu.memory_space<vmem>>)
      %dma_wait3A_1097 = arith.constant 4 : i32
      %dma_wait3A_1098 = arith.constant 0 : i32
      %dma_wait3A_1099 = arith.constant 0 : i32
      %dma_wait3A_1100 = tpu.memref_slice %arg12[%dma_wait3A_1097, %dma_wait3A_1098, %dma_wait3A_1099] : memref<12x32x128xf32, #tpu.memory_space<vmem>> -> memref<1x32x128xf32, #tpu.memory_space<vmem>>
      %dma_wait3A_1101 = tpu.memref_squeeze %dma_wait3A_1100 : memref<1x32x128xf32, #tpu.memory_space<vmem>> -> memref<32x128xf32, #tpu.memory_space<vmem>>
      %dma_wait3A_1102 = arith.constant 0 : i32
      %dma_wait3A_1103 = arith.constant 0 : i32
      %dma_wait3A_1104 = tpu.memref_slice %arg5[%dma_wait3A_1102, %dma_wait3A_1103] : memref<32x1000000xf32, #tpu.memory_space<hbm>> -> memref<32x128xf32, #tpu.memory_space<hbm>>
      %dma_wait3A_1105 = arith.constant 0 : i32
      %dma_wait3A_1106 = arith.constant 0 : i32
      %dma_wait3A_1107 = tpu.memref_slice %arg12[%dma_wait3A_1097, %dma_wait3A_1105, %dma_wait3A_1106] : memref<12x32x128xf32, #tpu.memory_space<vmem>> -> memref<1x32x128xf32, #tpu.memory_space<vmem>>
      %dma_wait3A_1108 = tpu.memref_squeeze %dma_wait3A_1107 : memref<1x32x128xf32, #tpu.memory_space<vmem>> -> memref<32x128xf32, #tpu.memory_space<vmem>>
      %dma_wait3A_1109 = arith.constant 0 : i32
      %dma_wait3A_1110 = arith.constant 0 : i32
      %dma_wait3A_1111 = tpu.memref_slice %arg5[%dma_wait3A_1109, %dma_wait3A_1110] : memref<32x1000000xf32, #tpu.memory_space<hbm>> -> memref<32x128xf32, #tpu.memory_space<hbm>>
      tpu.wait_dma2 semaphore(%arg20 : memref<!tpu.dma_semaphore, #tpu.memory_space<semaphore_mem>>) src(%dma_wait3A_1111 : memref<32x128xf32, #tpu.memory_space<hbm>>) dst(%dma_wait3A_1108 : memref<32x128xf32, #tpu.memory_space<vmem>>)
      %dma_wait3A_1112 = arith.constant 5 : i32
      %dma_wait3A_1113 = arith.constant 0 : i32
      %dma_wait3A_1114 = arith.constant 0 : i32
      %dma_wait3A_1115 = tpu.memref_slice %arg12[%dma_wait3A_1112, %dma_wait3A_1113, %dma_wait3A_1114] : memref<12x32x128xf32, #tpu.memory_space<vmem>> -> memref<1x32x128xf32, #tpu.memory_space<vmem>>
      %dma_wait3A_1116 = tpu.memref_squeeze %dma_wait3A_1115 : memref<1x32x128xf32, #tpu.memory_space<vmem>> -> memref<32x128xf32, #tpu.memory_space<vmem>>
      %dma_wait3A_1117 = arith.constant 0 : i32
      %dma_wait3A_1118 = arith.constant 0 : i32
      %dma_wait3A_1119 = tpu.memref_slice %arg5[%dma_wait3A_1117, %dma_wait3A_1118] : memref<32x1000000xf32, #tpu.memory_space<hbm>> -> memref<32x128xf32, #tpu.memory_space<hbm>>
      %dma_wait3A_1120 = arith.constant 0 : i32
      %dma_wait3A_1121 = arith.constant 0 : i32
      %dma_wait3A_1122 = tpu.memref_slice %arg12[%dma_wait3A_1112, %dma_wait3A_1120, %dma_wait3A_1121] : memref<12x32x128xf32, #tpu.memory_space<vmem>> -> memref<1x32x128xf32, #tpu.memory_space<vmem>>
      %dma_wait3A_1123 = tpu.memref_squeeze %dma_wait3A_1122 : memref<1x32x128xf32, #tpu.memory_space<vmem>> -> memref<32x128xf32, #tpu.memory_space<vmem>>
      %dma_wait3A_1124 = arith.constant 0 : i32
      %dma_wait3A_1125 = arith.constant 0 : i32
      %dma_wait3A_1126 = tpu.memref_slice %arg5[%dma_wait3A_1124, %dma_wait3A_1125] : memref<32x1000000xf32, #tpu.memory_space<hbm>> -> memref<32x128xf32, #tpu.memory_space<hbm>>
      tpu.wait_dma2 semaphore(%arg21 : memref<!tpu.dma_semaphore, #tpu.memory_space<semaphore_mem>>) src(%dma_wait3A_1126 : memref<32x128xf32, #tpu.memory_space<hbm>>) dst(%dma_wait3A_1123 : memref<32x128xf32, #tpu.memory_space<vmem>>)
      %dma_wait3A_1127 = arith.constant 6 : i32
      %dma_wait3A_1128 = arith.constant 0 : i32
      %dma_wait3A_1129 = arith.constant 0 : i32
      %dma_wait3A_1130 = tpu.memref_slice %arg12[%dma_wait3A_1127, %dma_wait3A_1128, %dma_wait3A_1129] : memref<12x32x128xf32, #tpu.memory_space<vmem>> -> memref<1x32x128xf32, #tpu.memory_space<vmem>>
      %dma_wait3A_1131 = tpu.memref_squeeze %dma_wait3A_1130 : memref<1x32x128xf32, #tpu.memory_space<vmem>> -> memref<32x128xf32, #tpu.memory_space<vmem>>
      %dma_wait3A_1132 = arith.constant 0 : i32
      %dma_wait3A_1133 = arith.constant 0 : i32
      %dma_wait3A_1134 = tpu.memref_slice %arg5[%dma_wait3A_1132, %dma_wait3A_1133] : memref<32x1000000xf32, #tpu.memory_space<hbm>> -> memref<32x128xf32, #tpu.memory_space<hbm>>
      %dma_wait3A_1135 = arith.constant 0 : i32
      %dma_wait3A_1136 = arith.constant 0 : i32
      %dma_wait3A_1137 = tpu.memref_slice %arg12[%dma_wait3A_1127, %dma_wait3A_1135, %dma_wait3A_1136] : memref<12x32x128xf32, #tpu.memory_space<vmem>> -> memref<1x32x128xf32, #tpu.memory_space<vmem>>
      %dma_wait3A_1138 = tpu.memref_squeeze %dma_wait3A_1137 : memref<1x32x128xf32, #tpu.memory_space<vmem>> -> memref<32x128xf32, #tpu.memory_space<vmem>>
      %dma_wait3A_1139 = arith.constant 0 : i32
      %dma_wait3A_1140 = arith.constant 0 : i32
      %dma_wait3A_1141 = tpu.memref_slice %arg5[%dma_wait3A_1139, %dma_wait3A_1140] : memref<32x1000000xf32, #tpu.memory_space<hbm>> -> memref<32x128xf32, #tpu.memory_space<hbm>>
      tpu.wait_dma2 semaphore(%arg22 : memref<!tpu.dma_semaphore, #tpu.memory_space<semaphore_mem>>) src(%dma_wait3A_1141 : memref<32x128xf32, #tpu.memory_space<hbm>>) dst(%dma_wait3A_1138 : memref<32x128xf32, #tpu.memory_space<vmem>>)
      %dma_wait3A_1142 = arith.constant 7 : i32
      %dma_wait3A_1143 = arith.constant 0 : i32
      %dma_wait3A_1144 = arith.constant 0 : i32
      %dma_wait3A_1145 = tpu.memref_slice %arg12[%dma_wait3A_1142, %dma_wait3A_1143, %dma_wait3A_1144] : memref<12x32x128xf32, #tpu.memory_space<vmem>> -> memref<1x32x128xf32, #tpu.memory_space<vmem>>
      %dma_wait3A_1146 = tpu.memref_squeeze %dma_wait3A_1145 : memref<1x32x128xf32, #tpu.memory_space<vmem>> -> memref<32x128xf32, #tpu.memory_space<vmem>>
      %dma_wait3A_1147 = arith.constant 0 : i32
      %dma_wait3A_1148 = arith.constant 0 : i32
      %dma_wait3A_1149 = tpu.memref_slice %arg5[%dma_wait3A_1147, %dma_wait3A_1148] : memref<32x1000000xf32, #tpu.memory_space<hbm>> -> memref<32x128xf32, #tpu.memory_space<hbm>>
      %dma_wait3A_1150 = arith.constant 0 : i32
      %dma_wait3A_1151 = arith.constant 0 : i32
      %dma_wait3A_1152 = tpu.memref_slice %arg12[%dma_wait3A_1142, %dma_wait3A_1150, %dma_wait3A_1151] : memref<12x32x128xf32, #tpu.memory_space<vmem>> -> memref<1x32x128xf32, #tpu.memory_space<vmem>>
      %dma_wait3A_1153 = tpu.memref_squeeze %dma_wait3A_1152 : memref<1x32x128xf32, #tpu.memory_space<vmem>> -> memref<32x128xf32, #tpu.memory_space<vmem>>
      %dma_wait3A_1154 = arith.constant 0 : i32
      %dma_wait3A_1155 = arith.constant 0 : i32
      %dma_wait3A_1156 = tpu.memref_slice %arg5[%dma_wait3A_1154, %dma_wait3A_1155] : memref<32x1000000xf32, #tpu.memory_space<hbm>> -> memref<32x128xf32, #tpu.memory_space<hbm>>
      tpu.wait_dma2 semaphore(%arg23 : memref<!tpu.dma_semaphore, #tpu.memory_space<semaphore_mem>>) src(%dma_wait3A_1156 : memref<32x128xf32, #tpu.memory_space<hbm>>) dst(%dma_wait3A_1153 : memref<32x128xf32, #tpu.memory_space<vmem>>)
      %dma_wait3A_1157 = arith.constant 8 : i32
      %dma_wait3A_1158 = arith.constant 0 : i32
      %dma_wait3A_1159 = arith.constant 0 : i32
      %dma_wait3A_1160 = tpu.memref_slice %arg12[%dma_wait3A_1157, %dma_wait3A_1158, %dma_wait3A_1159] : memref<12x32x128xf32, #tpu.memory_space<vmem>> -> memref<1x32x128xf32, #tpu.memory_space<vmem>>
      %dma_wait3A_1161 = tpu.memref_squeeze %dma_wait3A_1160 : memref<1x32x128xf32, #tpu.memory_space<vmem>> -> memref<32x128xf32, #tpu.memory_space<vmem>>
      %dma_wait3A_1162 = arith.constant 0 : i32
      %dma_wait3A_1163 = arith.constant 0 : i32
      %dma_wait3A_1164 = tpu.memref_slice %arg5[%dma_wait3A_1162, %dma_wait3A_1163] : memref<32x1000000xf32, #tpu.memory_space<hbm>> -> memref<32x128xf32, #tpu.memory_space<hbm>>
      %dma_wait3A_1165 = arith.constant 0 : i32
      %dma_wait3A_1166 = arith.constant 0 : i32
      %dma_wait3A_1167 = tpu.memref_slice %arg12[%dma_wait3A_1157, %dma_wait3A_1165, %dma_wait3A_1166] : memref<12x32x128xf32, #tpu.memory_space<vmem>> -> memref<1x32x128xf32, #tpu.memory_space<vmem>>
      %dma_wait3A_1168 = tpu.memref_squeeze %dma_wait3A_1167 : memref<1x32x128xf32, #tpu.memory_space<vmem>> -> memref<32x128xf32, #tpu.memory_space<vmem>>
      %dma_wait3A_1169 = arith.constant 0 : i32
      %dma_wait3A_1170 = arith.constant 0 : i32
      %dma_wait3A_1171 = tpu.memref_slice %arg5[%dma_wait3A_1169, %dma_wait3A_1170] : memref<32x1000000xf32, #tpu.memory_space<hbm>> -> memref<32x128xf32, #tpu.memory_space<hbm>>
      tpu.wait_dma2 semaphore(%arg24 : memref<!tpu.dma_semaphore, #tpu.memory_space<semaphore_mem>>) src(%dma_wait3A_1171 : memref<32x128xf32, #tpu.memory_space<hbm>>) dst(%dma_wait3A_1168 : memref<32x128xf32, #tpu.memory_space<vmem>>)
      %dma_wait3A_1172 = arith.constant 9 : i32
      %dma_wait3A_1173 = arith.constant 0 : i32
      %dma_wait3A_1174 = arith.constant 0 : i32
      %dma_wait3A_1175 = tpu.memref_slice %arg12[%dma_wait3A_1172, %dma_wait3A_1173, %dma_wait3A_1174] : memref<12x32x128xf32, #tpu.memory_space<vmem>> -> memref<1x32x128xf32, #tpu.memory_space<vmem>>
      %dma_wait3A_1176 = tpu.memref_squeeze %dma_wait3A_1175 : memref<1x32x128xf32, #tpu.memory_space<vmem>> -> memref<32x128xf32, #tpu.memory_space<vmem>>
      %dma_wait3A_1177 = arith.constant 0 : i32
      %dma_wait3A_1178 = arith.constant 0 : i32
      %dma_wait3A_1179 = tpu.memref_slice %arg5[%dma_wait3A_1177, %dma_wait3A_1178] : memref<32x1000000xf32, #tpu.memory_space<hbm>> -> memref<32x128xf32, #tpu.memory_space<hbm>>
      %dma_wait3A_1180 = arith.constant 0 : i32
      %dma_wait3A_1181 = arith.constant 0 : i32
      %dma_wait3A_1182 = tpu.memref_slice %arg12[%dma_wait3A_1172, %dma_wait3A_1180, %dma_wait3A_1181] : memref<12x32x128xf32, #tpu.memory_space<vmem>> -> memref<1x32x128xf32, #tpu.memory_space<vmem>>
      %dma_wait3A_1183 = tpu.memref_squeeze %dma_wait3A_1182 : memref<1x32x128xf32, #tpu.memory_space<vmem>> -> memref<32x128xf32, #tpu.memory_space<vmem>>
      %dma_wait3A_1184 = arith.constant 0 : i32
      %dma_wait3A_1185 = arith.constant 0 : i32
      %dma_wait3A_1186 = tpu.memref_slice %arg5[%dma_wait3A_1184, %dma_wait3A_1185] : memref<32x1000000xf32, #tpu.memory_space<hbm>> -> memref<32x128xf32, #tpu.memory_space<hbm>>
      tpu.wait_dma2 semaphore(%arg25 : memref<!tpu.dma_semaphore, #tpu.memory_space<semaphore_mem>>) src(%dma_wait3A_1186 : memref<32x128xf32, #tpu.memory_space<hbm>>) dst(%dma_wait3A_1183 : memref<32x128xf32, #tpu.memory_space<vmem>>)
      %dma_wait3A_1187 = arith.constant 10 : i32
      %dma_wait3A_1188 = arith.constant 0 : i32
      %dma_wait3A_1189 = arith.constant 0 : i32
      %dma_wait3A_1190 = tpu.memref_slice %arg12[%dma_wait3A_1187, %dma_wait3A_1188, %dma_wait3A_1189] : memref<12x32x128xf32, #tpu.memory_space<vmem>> -> memref<1x32x128xf32, #tpu.memory_space<vmem>>
      %dma_wait3A_1191 = tpu.memref_squeeze %dma_wait3A_1190 : memref<1x32x128xf32, #tpu.memory_space<vmem>> -> memref<32x128xf32, #tpu.memory_space<vmem>>
      %dma_wait3A_1192 = arith.constant 0 : i32
      %dma_wait3A_1193 = arith.constant 0 : i32
      %dma_wait3A_1194 = tpu.memref_slice %arg5[%dma_wait3A_1192, %dma_wait3A_1193] : memref<32x1000000xf32, #tpu.memory_space<hbm>> -> memref<32x128xf32, #tpu.memory_space<hbm>>
      %dma_wait3A_1195 = arith.constant 0 : i32
      %dma_wait3A_1196 = arith.constant 0 : i32
      %dma_wait3A_1197 = tpu.memref_slice %arg12[%dma_wait3A_1187, %dma_wait3A_1195, %dma_wait3A_1196] : memref<12x32x128xf32, #tpu.memory_space<vmem>> -> memref<1x32x128xf32, #tpu.memory_space<vmem>>
      %dma_wait3A_1198 = tpu.memref_squeeze %dma_wait3A_1197 : memref<1x32x128xf32, #tpu.memory_space<vmem>> -> memref<32x128xf32, #tpu.memory_space<vmem>>
      %dma_wait3A_1199 = arith.constant 0 : i32
      %dma_wait3A_1200 = arith.constant 0 : i32
      %dma_wait3A_1201 = tpu.memref_slice %arg5[%dma_wait3A_1199, %dma_wait3A_1200] : memref<32x1000000xf32, #tpu.memory_space<hbm>> -> memref<32x128xf32, #tpu.memory_space<hbm>>
      tpu.wait_dma2 semaphore(%arg26 : memref<!tpu.dma_semaphore, #tpu.memory_space<semaphore_mem>>) src(%dma_wait3A_1201 : memref<32x128xf32, #tpu.memory_space<hbm>>) dst(%dma_wait3A_1198 : memref<32x128xf32, #tpu.memory_space<vmem>>)
      %dma_wait3A_1202 = arith.constant 11 : i32
      %dma_wait3A_1203 = arith.constant 0 : i32
      %dma_wait3A_1204 = arith.constant 0 : i32
      %dma_wait3A_1205 = tpu.memref_slice %arg12[%dma_wait3A_1202, %dma_wait3A_1203, %dma_wait3A_1204] : memref<12x32x128xf32, #tpu.memory_space<vmem>> -> memref<1x32x128xf32, #tpu.memory_space<vmem>>
      %dma_wait3A_1206 = tpu.memref_squeeze %dma_wait3A_1205 : memref<1x32x128xf32, #tpu.memory_space<vmem>> -> memref<32x128xf32, #tpu.memory_space<vmem>>
      %dma_wait3A_1207 = arith.constant 0 : i32
      %dma_wait3A_1208 = arith.constant 0 : i32
      %dma_wait3A_1209 = tpu.memref_slice %arg5[%dma_wait3A_1207, %dma_wait3A_1208] : memref<32x1000000xf32, #tpu.memory_space<hbm>> -> memref<32x128xf32, #tpu.memory_space<hbm>>
      %dma_wait3A_1210 = arith.constant 0 : i32
      %dma_wait3A_1211 = arith.constant 0 : i32
      %dma_wait3A_1212 = tpu.memref_slice %arg12[%dma_wait3A_1202, %dma_wait3A_1210, %dma_wait3A_1211] : memref<12x32x128xf32, #tpu.memory_space<vmem>> -> memref<1x32x128xf32, #tpu.memory_space<vmem>>
      %dma_wait3A_1213 = tpu.memref_squeeze %dma_wait3A_1212 : memref<1x32x128xf32, #tpu.memory_space<vmem>> -> memref<32x128xf32, #tpu.memory_space<vmem>>
      %dma_wait3A_1214 = arith.constant 0 : i32
      %dma_wait3A_1215 = arith.constant 0 : i32
      %dma_wait3A_1216 = tpu.memref_slice %arg5[%dma_wait3A_1214, %dma_wait3A_1215] : memref<32x1000000xf32, #tpu.memory_space<hbm>> -> memref<32x128xf32, #tpu.memory_space<hbm>>
      tpu.wait_dma2 semaphore(%arg27 : memref<!tpu.dma_semaphore, #tpu.memory_space<semaphore_mem>>) src(%dma_wait3A_1216 : memref<32x128xf32, #tpu.memory_space<hbm>>) dst(%dma_wait3A_1213 : memref<32x128xf32, #tpu.memory_space<vmem>>)
      %mul3A_1217 = arith.constant 4 : i32
      %mul3A_1218 = arith.muli %mul3A_519, %mul3A_1217 : i32
      %get3A_1219 = arith.index_cast %mul3A_1218 : i32 to index
      %get3A_1220 = tpu.vector_load %arg9[%get3A_1219] {strides = array<i32>} : memref<528xi32, #tpu.memory_space<vmem>>, vector<16xi32>,
      %mul3A_1221 = arith.constant 4 : i32
      %mul3A_1222 = arith.muli %mul3A_519, %mul3A_1221 : i32
      %get3A_1223 = arith.index_cast %mul3A_1222 : i32 to index
      %get3A_1224 = tpu.vector_load %arg10[%get3A_1223] {strides = array<i32>} : memref<528xi32, #tpu.memory_space<vmem>>, vector<16xi32>,
      %mul3A_1225 = arith.constant 4 : i32
      %mul3A_1226 = arith.muli %mul3A_519, %mul3A_1225 : i32
      %get3A_1227 = arith.index_cast %mul3A_1226 : i32 to index
      %get3A_1228 = tpu.vector_load %arg11[%get3A_1227] {strides = array<i32>} : memref<528xi32, #tpu.memory_space<vmem>>, vector<16xi32>,
      %slice3A_1229 = vector.extract_strided_slice %get3A_1220 {offsets = [0], sizes = [1], strides = [1]} : vector<16xi32> to vector<1xi32>
      %squeeze3A_1230 = vector.extract %slice3A_1229[0] : i32 from vector<1xi32>
      %rem3A_1231 = arith.constant 128 : i32
      %rem3A_1232 = arith.remsi %squeeze3A_1230, %rem3A_1231 : i32
      %broadcast_in_dim3A_1233 = vector.broadcast %rem3A_1232 : i32 to vector<16xi32>
      %broadcast_in_dim3A_1234 = arith.constant 0 : i32
      %broadcast_in_dim3A_1235 = vector.broadcast %broadcast_in_dim3A_1234 : i32 to vector<16xi32>
      %gather3A = tpu.vector_load_idx %arg12[%broadcast_in_dim3A_1235, %iota3A, %broadcast_in_dim3A_1233] : memref<12x32x128xf32, #tpu.memory_space<vmem>>[vector<16xi32>, vector<16xi32>, vector<16xi32>], vector<16xf32>,
      %gather3A_1236 = tpu.vector_load_idx %arg12[%broadcast_in_dim3A_1235, %add3A_9, %broadcast_in_dim3A_1233] : memref<12x32x128xf32, #tpu.memory_space<vmem>>[vector<16xi32>, vector<16xi32>, vector<16xi32>], vector<16xf32>,
      %slice3A_1237 = vector.extract_strided_slice %get3A_1224 {offsets = [0], sizes = [1], strides = [1]} : vector<16xi32> to vector<1xi32>
      %squeeze3A_1238 = vector.extract %slice3A_1237[0] : i32 from vector<1xi32>
      %rem3A_1239 = arith.constant 128 : i32
      %rem3A_1240 = arith.remsi %squeeze3A_1238, %rem3A_1239 : i32
      %broadcast_in_dim3A_1241 = vector.broadcast %rem3A_1240 : i32 to vector<16xi32>
      %broadcast_in_dim3A_1242 = arith.constant 4 : i32
      %broadcast_in_dim3A_1243 = vector.broadcast %broadcast_in_dim3A_1242 : i32 to vector<16xi32>
      %gather3A_1244 = tpu.vector_load_idx %arg12[%broadcast_in_dim3A_1243, %iota3A, %broadcast_in_dim3A_1241] : memref<12x32x128xf32, #tpu.memory_space<vmem>>[vector<16xi32>, vector<16xi32>, vector<16xi32>], vector<16xf32>,
      %gather3A_1245 = tpu.vector_load_idx %arg12[%broadcast_in_dim3A_1243, %add3A_9, %broadcast_in_dim3A_1241] : memref<12x32x128xf32, #tpu.memory_space<vmem>>[vector<16xi32>, vector<16xi32>, vector<16xi32>], vector<16xf32>,
      %slice3A_1246 = vector.extract_strided_slice %get3A_1228 {offsets = [0], sizes = [1], strides = [1]} : vector<16xi32> to vector<1xi32>
      %squeeze3A_1247 = vector.extract %slice3A_1246[0] : i32 from vector<1xi32>
      %rem3A_1248 = arith.constant 128 : i32
      %rem3A_1249 = arith.remsi %squeeze3A_1247, %rem3A_1248 : i32
      %broadcast_in_dim3A_1250 = vector.broadcast %rem3A_1249 : i32 to vector<16xi32>
      %broadcast_in_dim3A_1251 = arith.constant 8 : i32
      %broadcast_in_dim3A_1252 = vector.broadcast %broadcast_in_dim3A_1251 : i32 to vector<16xi32>
      %gather3A_1253 = tpu.vector_load_idx %arg12[%broadcast_in_dim3A_1252, %iota3A, %broadcast_in_dim3A_1250] : memref<12x32x128xf32, #tpu.memory_space<vmem>>[vector<16xi32>, vector<16xi32>, vector<16xi32>], vector<16xf32>,
      %gather3A_1254 = tpu.vector_load_idx %arg12[%broadcast_in_dim3A_1252, %add3A_9, %broadcast_in_dim3A_1250] : memref<12x32x128xf32, #tpu.memory_space<vmem>>[vector<16xi32>, vector<16xi32>, vector<16xi32>], vector<16xf32>,
      %rem3A_1255 = arith.constant 4 : i32
      %rem3A_1256 = arith.remsi %mul3A_519, %rem3A_1255 : i32
      %mul3A_1257 = arith.constant 4 : i32
      %mul3A_1258 = arith.muli %rem3A_1256, %mul3A_1257 : i32
      %add3A_1259 = arith.constant 0 : i32
      %add3A_1260 = arith.addi %mul3A_1258, %add3A_1259 : i32
      %eq3A = vector.broadcast %add3A_1260 : i32 to vector<16xi32>
      %eq3A_1261 = arith.cmpi eq, %iota3A, %eq3A : vector<16xi32>
      %mul3A_1262 = arith.mulf %gather3A, %gather3A_1244 : vector<16xf32>
      %mul3A_1263 = arith.mulf %gather3A_1236, %gather3A_1245 : vector<16xf32>
      %add3A_1264 = arith.addf %mul3A_1262, %mul3A_1263 : vector<16xf32>
      %reduce_sum3A = arith.constant true
      %reduce_sum3A_1265 = vector.broadcast %reduce_sum3A : i1 to vector<16xi1>
      %reduce_sum3A_1266 = tpu.scan <sum>, %add3A_1264 masked %reduce_sum3A_1265 : vector<16xf32>, vector<16xi1> -> vector<16xf32>
      %reduce_sum3A_1267 = vector.extract %reduce_sum3A_1266[15] : f32 from vector<16xf32>
      %broadcast_in_dim3A_1268 = vector.broadcast %reduce_sum3A_1267 : f32 to vector<16xf32>
      %select_n3A_1269 = arith.select %eq3A_1261, %broadcast_in_dim3A_1268, %scan3A_516 : vector<16xi1>, vector<16xf32>
      %eq3A_1270 = vector.broadcast %add3A_1260 : i32 to vector<16xi32>
      %eq3A_1271 = arith.cmpi eq, %iota3A, %eq3A_1270 : vector<16xi32>
      %mul3A_1272 = arith.mulf %gather3A, %gather3A_1253 : vector<16xf32>
      %mul3A_1273 = arith.mulf %gather3A_1236, %gather3A_1254 : vector<16xf32>
      %add3A_1274 = arith.addf %mul3A_1272, %mul3A_1273 : vector<16xf32>
      %reduce_sum3A_1275 = arith.constant true
      %reduce_sum3A_1276 = vector.broadcast %reduce_sum3A_1275 : i1 to vector<16xi1>
      %reduce_sum3A_1277 = tpu.scan <sum>, %add3A_1274 masked %reduce_sum3A_1276 : vector<16xf32>, vector<16xi1> -> vector<16xf32>
      %reduce_sum3A_1278 = vector.extract %reduce_sum3A_1277[15] : f32 from vector<16xf32>
      %broadcast_in_dim3A_1279 = vector.broadcast %reduce_sum3A_1278 : f32 to vector<16xf32>
      %select_n3A_1280 = arith.select %eq3A_1271, %broadcast_in_dim3A_1279, %scan3A_517 : vector<16xi1>, vector<16xf32>
      %slice3A_1281 = vector.extract_strided_slice %get3A_1220 {offsets = [1], sizes = [1], strides = [1]} : vector<16xi32> to vector<1xi32>
      %squeeze3A_1282 = vector.extract %slice3A_1281[0] : i32 from vector<1xi32>
      %rem3A_1283 = arith.constant 128 : i32
      %rem3A_1284 = arith.remsi %squeeze3A_1282, %rem3A_1283 : i32
      %broadcast_in_dim3A_1285 = vector.broadcast %rem3A_1284 : i32 to vector<16xi32>
      %broadcast_in_dim3A_1286 = arith.constant 1 : i32
      %broadcast_in_dim3A_1287 = vector.broadcast %broadcast_in_dim3A_1286 : i32 to vector<16xi32>
      %gather3A_1288 = tpu.vector_load_idx %arg12[%broadcast_in_dim3A_1287, %iota3A, %broadcast_in_dim3A_1285] : memref<12x32x128xf32, #tpu.memory_space<vmem>>[vector<16xi32>, vector<16xi32>, vector<16xi32>], vector<16xf32>,
      %gather3A_1289 = tpu.vector_load_idx %arg12[%broadcast_in_dim3A_1287, %add3A_9, %broadcast_in_dim3A_1285] : memref<12x32x128xf32, #tpu.memory_space<vmem>>[vector<16xi32>, vector<16xi32>, vector<16xi32>], vector<16xf32>,
      %slice3A_1290 = vector.extract_strided_slice %get3A_1224 {offsets = [1], sizes = [1], strides = [1]} : vector<16xi32> to vector<1xi32>
      %squeeze3A_1291 = vector.extract %slice3A_1290[0] : i32 from vector<1xi32>
      %rem3A_1292 = arith.constant 128 : i32
      %rem3A_1293 = arith.remsi %squeeze3A_1291, %rem3A_1292 : i32
      %broadcast_in_dim3A_1294 = vector.broadcast %rem3A_1293 : i32 to vector<16xi32>
      %broadcast_in_dim3A_1295 = arith.constant 5 : i32
      %broadcast_in_dim3A_1296 = vector.broadcast %broadcast_in_dim3A_1295 : i32 to vector<16xi32>
      %gather3A_1297 = tpu.vector_load_idx %arg12[%broadcast_in_dim3A_1296, %iota3A, %broadcast_in_dim3A_1294] : memref<12x32x128xf32, #tpu.memory_space<vmem>>[vector<16xi32>, vector<16xi32>, vector<16xi32>], vector<16xf32>,
      %gather3A_1298 = tpu.vector_load_idx %arg12[%broadcast_in_dim3A_1296, %add3A_9, %broadcast_in_dim3A_1294] : memref<12x32x128xf32, #tpu.memory_space<vmem>>[vector<16xi32>, vector<16xi32>, vector<16xi32>], vector<16xf32>,
      %slice3A_1299 = vector.extract_strided_slice %get3A_1228 {offsets = [1], sizes = [1], strides = [1]} : vector<16xi32> to vector<1xi32>
      %squeeze3A_1300 = vector.extract %slice3A_1299[0] : i32 from vector<1xi32>
      %rem3A_1301 = arith.constant 128 : i32
      %rem3A_1302 = arith.remsi %squeeze3A_1300, %rem3A_1301 : i32
      %broadcast_in_dim3A_1303 = vector.broadcast %rem3A_1302 : i32 to vector<16xi32>
      %broadcast_in_dim3A_1304 = arith.constant 9 : i32
      %broadcast_in_dim3A_1305 = vector.broadcast %broadcast_in_dim3A_1304 : i32 to vector<16xi32>
      %gather3A_1306 = tpu.vector_load_idx %arg12[%broadcast_in_dim3A_1305, %iota3A, %broadcast_in_dim3A_1303] : memref<12x32x128xf32, #tpu.memory_space<vmem>>[vector<16xi32>, vector<16xi32>, vector<16xi32>], vector<16xf32>,
      %gather3A_1307 = tpu.vector_load_idx %arg12[%broadcast_in_dim3A_1305, %add3A_9, %broadcast_in_dim3A_1303] : memref<12x32x128xf32, #tpu.memory_space<vmem>>[vector<16xi32>, vector<16xi32>, vector<16xi32>], vector<16xf32>,
      %rem3A_1308 = arith.constant 4 : i32
      %rem3A_1309 = arith.remsi %mul3A_519, %rem3A_1308 : i32
      %mul3A_1310 = arith.constant 4 : i32
      %mul3A_1311 = arith.muli %rem3A_1309, %mul3A_1310 : i32
      %add3A_1312 = arith.constant 1 : i32
      %add3A_1313 = arith.addi %mul3A_1311, %add3A_1312 : i32
      %eq3A_1314 = vector.broadcast %add3A_1313 : i32 to vector<16xi32>
      %eq3A_1315 = arith.cmpi eq, %iota3A, %eq3A_1314 : vector<16xi32>
      %mul3A_1316 = arith.mulf %gather3A_1288, %gather3A_1297 : vector<16xf32>
      %mul3A_1317 = arith.mulf %gather3A_1289, %gather3A_1298 : vector<16xf32>
      %add3A_1318 = arith.addf %mul3A_1316, %mul3A_1317 : vector<16xf32>
      %reduce_sum3A_1319 = arith.constant true
      %reduce_sum3A_1320 = vector.broadcast %reduce_sum3A_1319 : i1 to vector<16xi1>
      %reduce_sum3A_1321 = tpu.scan <sum>, %add3A_1318 masked %reduce_sum3A_1320 : vector<16xf32>, vector<16xi1> -> vector<16xf32>
      %reduce_sum3A_1322 = vector.extract %reduce_sum3A_1321[15] : f32 from vector<16xf32>
      %broadcast_in_dim3A_1323 = vector.broadcast %reduce_sum3A_1322 : f32 to vector<16xf32>
      %select_n3A_1324 = arith.select %eq3A_1315, %broadcast_in_dim3A_1323, %select_n3A_1269 : vector<16xi1>, vector<16xf32>
      %eq3A_1325 = vector.broadcast %add3A_1313 : i32 to vector<16xi32>
      %eq3A_1326 = arith.cmpi eq, %iota3A, %eq3A_1325 : vector<16xi32>
      %mul3A_1327 = arith.mulf %gather3A_1288, %gather3A_1306 : vector<16xf32>
      %mul3A_1328 = arith.mulf %gather3A_1289, %gather3A_1307 : vector<16xf32>
      %add3A_1329 = arith.addf %mul3A_1327, %mul3A_1328 : vector<16xf32>
      %reduce_sum3A_1330 = arith.constant true
      %reduce_sum3A_1331 = vector.broadcast %reduce_sum3A_1330 : i1 to vector<16xi1>
      %reduce_sum3A_1332 = tpu.scan <sum>, %add3A_1329 masked %reduce_sum3A_1331 : vector<16xf32>, vector<16xi1> -> vector<16xf32>
      %reduce_sum3A_1333 = vector.extract %reduce_sum3A_1332[15] : f32 from vector<16xf32>
      %broadcast_in_dim3A_1334 = vector.broadcast %reduce_sum3A_1333 : f32 to vector<16xf32>
      %select_n3A_1335 = arith.select %eq3A_1326, %broadcast_in_dim3A_1334, %select_n3A_1280 : vector<16xi1>, vector<16xf32>
      %slice3A_1336 = vector.extract_strided_slice %get3A_1220 {offsets = [2], sizes = [1], strides = [1]} : vector<16xi32> to vector<1xi32>
      %squeeze3A_1337 = vector.extract %slice3A_1336[0] : i32 from vector<1xi32>
      %rem3A_1338 = arith.constant 128 : i32
      %rem3A_1339 = arith.remsi %squeeze3A_1337, %rem3A_1338 : i32
      %broadcast_in_dim3A_1340 = vector.broadcast %rem3A_1339 : i32 to vector<16xi32>
      %broadcast_in_dim3A_1341 = arith.constant 2 : i32
      %broadcast_in_dim3A_1342 = vector.broadcast %broadcast_in_dim3A_1341 : i32 to vector<16xi32>
      %gather3A_1343 = tpu.vector_load_idx %arg12[%broadcast_in_dim3A_1342, %iota3A, %broadcast_in_dim3A_1340] : memref<12x32x128xf32, #tpu.memory_space<vmem>>[vector<16xi32>, vector<16xi32>, vector<16xi32>], vector<16xf32>,
      %gather3A_1344 = tpu.vector_load_idx %arg12[%broadcast_in_dim3A_1342, %add3A_9, %broadcast_in_dim3A_1340] : memref<12x32x128xf32, #tpu.memory_space<vmem>>[vector<16xi32>, vector<16xi32>, vector<16xi32>], vector<16xf32>,
      %slice3A_1345 = vector.extract_strided_slice %get3A_1224 {offsets = [2], sizes = [1], strides = [1]} : vector<16xi32> to vector<1xi32>
      %squeeze3A_1346 = vector.extract %slice3A_1345[0] : i32 from vector<1xi32>
      %rem3A_1347 = arith.constant 128 : i32
      %rem3A_1348 = arith.remsi %squeeze3A_1346, %rem3A_1347 : i32
      %broadcast_in_dim3A_1349 = vector.broadcast %rem3A_1348 : i32 to vector<16xi32>
      %broadcast_in_dim3A_1350 = arith.constant 6 : i32
      %broadcast_in_dim3A_1351 = vector.broadcast %broadcast_in_dim3A_1350 : i32 to vector<16xi32>
      %gather3A_1352 = tpu.vector_load_idx %arg12[%broadcast_in_dim3A_1351, %iota3A, %broadcast_in_dim3A_1349] : memref<12x32x128xf32, #tpu.memory_space<vmem>>[vector<16xi32>, vector<16xi32>, vector<16xi32>], vector<16xf32>,
      %gather3A_1353 = tpu.vector_load_idx %arg12[%broadcast_in_dim3A_1351, %add3A_9, %broadcast_in_dim3A_1349] : memref<12x32x128xf32, #tpu.memory_space<vmem>>[vector<16xi32>, vector<16xi32>, vector<16xi32>], vector<16xf32>,
      %slice3A_1354 = vector.extract_strided_slice %get3A_1228 {offsets = [2], sizes = [1], strides = [1]} : vector<16xi32> to vector<1xi32>
      %squeeze3A_1355 = vector.extract %slice3A_1354[0] : i32 from vector<1xi32>
      %rem3A_1356 = arith.constant 128 : i32
      %rem3A_1357 = arith.remsi %squeeze3A_1355, %rem3A_1356 : i32
      %broadcast_in_dim3A_1358 = vector.broadcast %rem3A_1357 : i32 to vector<16xi32>
      %broadcast_in_dim3A_1359 = arith.constant 10 : i32
      %broadcast_in_dim3A_1360 = vector.broadcast %broadcast_in_dim3A_1359 : i32 to vector<16xi32>
      %gather3A_1361 = tpu.vector_load_idx %arg12[%broadcast_in_dim3A_1360, %iota3A, %broadcast_in_dim3A_1358] : memref<12x32x128xf32, #tpu.memory_space<vmem>>[vector<16xi32>, vector<16xi32>, vector<16xi32>], vector<16xf32>,
      %gather3A_1362 = tpu.vector_load_idx %arg12[%broadcast_in_dim3A_1360, %add3A_9, %broadcast_in_dim3A_1358] : memref<12x32x128xf32, #tpu.memory_space<vmem>>[vector<16xi32>, vector<16xi32>, vector<16xi32>], vector<16xf32>,
      %rem3A_1363 = arith.constant 4 : i32
      %rem3A_1364 = arith.remsi %mul3A_519, %rem3A_1363 : i32
      %mul3A_1365 = arith.constant 4 : i32
      %mul3A_1366 = arith.muli %rem3A_1364, %mul3A_1365 : i32
      %add3A_1367 = arith.constant 2 : i32
      %add3A_1368 = arith.addi %mul3A_1366, %add3A_1367 : i32
      %eq3A_1369 = vector.broadcast %add3A_1368 : i32 to vector<16xi32>
      %eq3A_1370 = arith.cmpi eq, %iota3A, %eq3A_1369 : vector<16xi32>
      %mul3A_1371 = arith.mulf %gather3A_1343, %gather3A_1352 : vector<16xf32>
      %mul3A_1372 = arith.mulf %gather3A_1344, %gather3A_1353 : vector<16xf32>
      %add3A_1373 = arith.addf %mul3A_1371, %mul3A_1372 : vector<16xf32>
      %reduce_sum3A_1374 = arith.constant true
      %reduce_sum3A_1375 = vector.broadcast %reduce_sum3A_1374 : i1 to vector<16xi1>
      %reduce_sum3A_1376 = tpu.scan <sum>, %add3A_1373 masked %reduce_sum3A_1375 : vector<16xf32>, vector<16xi1> -> vector<16xf32>
      %reduce_sum3A_1377 = vector.extract %reduce_sum3A_1376[15] : f32 from vector<16xf32>
      %broadcast_in_dim3A_1378 = vector.broadcast %reduce_sum3A_1377 : f32 to vector<16xf32>
      %select_n3A_1379 = arith.select %eq3A_1370, %broadcast_in_dim3A_1378, %select_n3A_1324 : vector<16xi1>, vector<16xf32>
      %eq3A_1380 = vector.broadcast %add3A_1368 : i32 to vector<16xi32>
      %eq3A_1381 = arith.cmpi eq, %iota3A, %eq3A_1380 : vector<16xi32>
      %mul3A_1382 = arith.mulf %gather3A_1343, %gather3A_1361 : vector<16xf32>
      %mul3A_1383 = arith.mulf %gather3A_1344, %gather3A_1362 : vector<16xf32>
      %add3A_1384 = arith.addf %mul3A_1382, %mul3A_1383 : vector<16xf32>
      %reduce_sum3A_1385 = arith.constant true
      %reduce_sum3A_1386 = vector.broadcast %reduce_sum3A_1385 : i1 to vector<16xi1>
      %reduce_sum3A_1387 = tpu.scan <sum>, %add3A_1384 masked %reduce_sum3A_1386 : vector<16xf32>, vector<16xi1> -> vector<16xf32>
      %reduce_sum3A_1388 = vector.extract %reduce_sum3A_1387[15] : f32 from vector<16xf32>
      %broadcast_in_dim3A_1389 = vector.broadcast %reduce_sum3A_1388 : f32 to vector<16xf32>
      %select_n3A_1390 = arith.select %eq3A_1381, %broadcast_in_dim3A_1389, %select_n3A_1335 : vector<16xi1>, vector<16xf32>
      %slice3A_1391 = vector.extract_strided_slice %get3A_1220 {offsets = [3], sizes = [1], strides = [1]} : vector<16xi32> to vector<1xi32>
      %squeeze3A_1392 = vector.extract %slice3A_1391[0] : i32 from vector<1xi32>
      %rem3A_1393 = arith.constant 128 : i32
      %rem3A_1394 = arith.remsi %squeeze3A_1392, %rem3A_1393 : i32
      %broadcast_in_dim3A_1395 = vector.broadcast %rem3A_1394 : i32 to vector<16xi32>
      %broadcast_in_dim3A_1396 = arith.constant 3 : i32
      %broadcast_in_dim3A_1397 = vector.broadcast %broadcast_in_dim3A_1396 : i32 to vector<16xi32>
      %gather3A_1398 = tpu.vector_load_idx %arg12[%broadcast_in_dim3A_1397, %iota3A, %broadcast_in_dim3A_1395] : memref<12x32x128xf32, #tpu.memory_space<vmem>>[vector<16xi32>, vector<16xi32>, vector<16xi32>], vector<16xf32>,
      %gather3A_1399 = tpu.vector_load_idx %arg12[%broadcast_in_dim3A_1397, %add3A_9, %broadcast_in_dim3A_1395] : memref<12x32x128xf32, #tpu.memory_space<vmem>>[vector<16xi32>, vector<16xi32>, vector<16xi32>], vector<16xf32>,
      %slice3A_1400 = vector.extract_strided_slice %get3A_1224 {offsets = [3], sizes = [1], strides = [1]} : vector<16xi32> to vector<1xi32>
      %squeeze3A_1401 = vector.extract %slice3A_1400[0] : i32 from vector<1xi32>
      %rem3A_1402 = arith.constant 128 : i32
      %rem3A_1403 = arith.remsi %squeeze3A_1401, %rem3A_1402 : i32
      %broadcast_in_dim3A_1404 = vector.broadcast %rem3A_1403 : i32 to vector<16xi32>
      %broadcast_in_dim3A_1405 = arith.constant 7 : i32
      %broadcast_in_dim3A_1406 = vector.broadcast %broadcast_in_dim3A_1405 : i32 to vector<16xi32>
      %gather3A_1407 = tpu.vector_load_idx %arg12[%broadcast_in_dim3A_1406, %iota3A, %broadcast_in_dim3A_1404] : memref<12x32x128xf32, #tpu.memory_space<vmem>>[vector<16xi32>, vector<16xi32>, vector<16xi32>], vector<16xf32>,
      %gather3A_1408 = tpu.vector_load_idx %arg12[%broadcast_in_dim3A_1406, %add3A_9, %broadcast_in_dim3A_1404] : memref<12x32x128xf32, #tpu.memory_space<vmem>>[vector<16xi32>, vector<16xi32>, vector<16xi32>], vector<16xf32>,
      %slice3A_1409 = vector.extract_strided_slice %get3A_1228 {offsets = [3], sizes = [1], strides = [1]} : vector<16xi32> to vector<1xi32>
      %squeeze3A_1410 = vector.extract %slice3A_1409[0] : i32 from vector<1xi32>
      %rem3A_1411 = arith.constant 128 : i32
      %rem3A_1412 = arith.remsi %squeeze3A_1410, %rem3A_1411 : i32
      %broadcast_in_dim3A_1413 = vector.broadcast %rem3A_1412 : i32 to vector<16xi32>
      %broadcast_in_dim3A_1414 = arith.constant 11 : i32
      %broadcast_in_dim3A_1415 = vector.broadcast %broadcast_in_dim3A_1414 : i32 to vector<16xi32>
      %gather3A_1416 = tpu.vector_load_idx %arg12[%broadcast_in_dim3A_1415, %iota3A, %broadcast_in_dim3A_1413] : memref<12x32x128xf32, #tpu.memory_space<vmem>>[vector<16xi32>, vector<16xi32>, vector<16xi32>], vector<16xf32>,
      %gather3A_1417 = tpu.vector_load_idx %arg12[%broadcast_in_dim3A_1415, %add3A_9, %broadcast_in_dim3A_1413] : memref<12x32x128xf32, #tpu.memory_space<vmem>>[vector<16xi32>, vector<16xi32>, vector<16xi32>], vector<16xf32>,
      %rem3A_1418 = arith.constant 4 : i32
      %rem3A_1419 = arith.remsi %mul3A_519, %rem3A_1418 : i32
      %mul3A_1420 = arith.constant 4 : i32
      %mul3A_1421 = arith.muli %rem3A_1419, %mul3A_1420 : i32
      %add3A_1422 = arith.constant 3 : i32
      %add3A_1423 = arith.addi %mul3A_1421, %add3A_1422 : i32
      %eq3A_1424 = vector.broadcast %add3A_1423 : i32 to vector<16xi32>
      %eq3A_1425 = arith.cmpi eq, %iota3A, %eq3A_1424 : vector<16xi32>
      %mul3A_1426 = arith.mulf %gather3A_1398, %gather3A_1407 : vector<16xf32>
      %mul3A_1427 = arith.mulf %gather3A_1399, %gather3A_1408 : vector<16xf32>
      %add3A_1428 = arith.addf %mul3A_1426, %mul3A_1427 : vector<16xf32>
      %reduce_sum3A_1429 = arith.constant true
      %reduce_sum3A_1430 = vector.broadcast %reduce_sum3A_1429 : i1 to vector<16xi1>
      %reduce_sum3A_1431 = tpu.scan <sum>, %add3A_1428 masked %reduce_sum3A_1430 : vector<16xf32>, vector<16xi1> -> vector<16xf32>
      %reduce_sum3A_1432 = vector.extract %reduce_sum3A_1431[15] : f32 from vector<16xf32>
      %broadcast_in_dim3A_1433 = vector.broadcast %reduce_sum3A_1432 : f32 to vector<16xf32>
      %select_n3A_1434 = arith.select %eq3A_1425, %broadcast_in_dim3A_1433, %select_n3A_1379 : vector<16xi1>, vector<16xf32>
      %eq3A_1435 = vector.broadcast %add3A_1423 : i32 to vector<16xi32>
      %eq3A_1436 = arith.cmpi eq, %iota3A, %eq3A_1435 : vector<16xi32>
      %mul3A_1437 = arith.mulf %gather3A_1398, %gather3A_1416 : vector<16xf32>
      %mul3A_1438 = arith.mulf %gather3A_1399, %gather3A_1417 : vector<16xf32>
      %add3A_1439 = arith.addf %mul3A_1437, %mul3A_1438 : vector<16xf32>
      %reduce_sum3A_1440 = arith.constant true
      %reduce_sum3A_1441 = vector.broadcast %reduce_sum3A_1440 : i1 to vector<16xi1>
      %reduce_sum3A_1442 = tpu.scan <sum>, %add3A_1439 masked %reduce_sum3A_1441 : vector<16xf32>, vector<16xi1> -> vector<16xf32>
      %reduce_sum3A_1443 = vector.extract %reduce_sum3A_1442[15] : f32 from vector<16xf32>
      %broadcast_in_dim3A_1444 = vector.broadcast %reduce_sum3A_1443 : f32 to vector<16xf32>
      %select_n3A_1445 = arith.select %eq3A_1436, %broadcast_in_dim3A_1444, %select_n3A_1390 : vector<16xi1>, vector<16xf32>
      %rem3A_1446 = arith.constant 4 : i32
      %rem3A_1447 = arith.remsi %mul3A_519, %rem3A_1446 : i32
      %eq3A_1448 = arith.constant 3 : i32
      %eq3A_1449 = arith.cmpi eq, %rem3A_1447, %eq3A_1448 : i32
      %convert_element_type3A = arith.extui %eq3A_1449 : i1 to i32
      %cond3A = arith.constant 0 : i32
      %cond3A_1450 = arith.cmpi ne, %convert_element_type3A, %cond3A : i32
      scf.if %cond3A_1450 {
        %jit3A_1892 = arith.constant 4 : i32
        %div3A_1893 = arith.divsi %mul3A_519, %jit3A_1892 : i32
        %sign3A_1894 = arith.constant 0 : i32
        %sign3A_1895 = arith.cmpi sgt, %mul3A_519, %sign3A_1894 : i32
        %sign3A_1896 = arith.extui %sign3A_1895 : i1 to i32
        %sign3A_1897 = arith.constant 0 : i32
        %sign3A_1898 = arith.cmpi slt, %mul3A_519, %sign3A_1897 : i32
        %sign3A_1899 = arith.extui %sign3A_1898 : i1 to i32
        %sign3A_1900 = arith.subi %sign3A_1896, %sign3A_1899 : i32
        %sign3A_1901 = arith.constant 0 : i32
        %sign3A_1902 = arith.cmpi sgt, %jit3A_1892, %sign3A_1901 : i32
        %sign3A_1903 = arith.extui %sign3A_1902 : i1 to i32
        %sign3A_1904 = arith.constant 0 : i32
        %sign3A_1905 = arith.cmpi slt, %jit3A_1892, %sign3A_1904 : i32
        %sign3A_1906 = arith.extui %sign3A_1905 : i1 to i32
        %sign3A_1907 = arith.subi %sign3A_1903, %sign3A_1906 : i32
        %ne3A_1908 = arith.cmpi ne, %sign3A_1900, %sign3A_1907 : i32
        %rem3A_1909 = arith.remsi %mul3A_519, %jit3A_1892 : i32
        %ne3A_1910 = arith.constant 0 : i32
        %ne3A_1911 = arith.cmpi ne, %rem3A_1909, %ne3A_1910 : i32
        %and3A_1912 = arith.andi %ne3A_1908, %ne3A_1911 : i1
        %sub3A_1913 = arith.constant 1 : i32
        %sub3A_1914 = arith.subi %div3A_1893, %sub3A_1913 : i32
        %select_n3A_1915 = arith.select %and3A_1912, %sub3A_1914, %div3A_1893 : i32
        %mul3A_1916 = arith.constant 16 : i32
        %mul3A_1917 = arith.muli %select_n3A_1915, %mul3A_1916 : i32
        %swap3A = arith.index_cast %mul3A_1917 : i32 to index
        %swap3A_1918 = tpu.vector_load %arg14[%swap3A] {strides = array<i32>} : memref<512xf32, #tpu.memory_space<vmem>>, vector<16xf32>,
        tpu.vector_store %arg14[%swap3A], %select_n3A_1434 {strides = array<i32>} : memref<512xf32, #tpu.memory_space<vmem>>, vector<16xf32>,
        %swap3A_1919 = arith.index_cast %mul3A_1917 : i32 to index
        %swap3A_1920 = tpu.vector_load %arg15[%swap3A_1919] {strides = array<i32>} : memref<512xf32, #tpu.memory_space<vmem>>, vector<16xf32>,
        tpu.vector_store %arg15[%swap3A_1919], %select_n3A_1445 {strides = array<i32>} : memref<512xf32, #tpu.memory_space<vmem>>, vector<16xf32>,
      } else {
      }
      %jit3A_1451 = arith.constant 0.000000e+00 : f32
      %jit3A_1452 = arith.constant 1.000000e+00 : f32
      %select_n3A_1453 = arith.select %eq3A_1449, %jit3A_1451, %jit3A_1452 : f32
      %mul3A_1454 = vector.broadcast %select_n3A_1453 : f32 to vector<16xf32>
      %mul3A_1455 = arith.mulf %select_n3A_1434, %mul3A_1454 : vector<16xf32>
      %mul3A_1456 = vector.broadcast %select_n3A_1453 : f32 to vector<16xf32>
      %mul3A_1457 = arith.mulf %select_n3A_1445, %mul3A_1456 : vector<16xf32>
      %add3A_1458 = arith.constant 1 : i32
      %add3A_1459 = arith.addi %scan3A_515, %add3A_1458 : i32
      %lt3A = arith.constant 64 : i32
      %lt3A_1460 = arith.cmpi slt, %add3A_1459, %lt3A : i32
      %convert_element_type3A_1461 = arith.extui %lt3A_1460 : i1 to i32
      %cond3A_1462 = arith.constant 0 : i32
      %cond3A_1463 = arith.cmpi ne, %convert_element_type3A_1461, %cond3A_1462 : i32
      scf.if %cond3A_1463 {
        %add3A_1892 = arith.constant 2 : i32
        %add3A_1893 = arith.addi %mul3A_519, %add3A_1892 : i32
        %mul3A_1894 = arith.constant 4 : i32
        %mul3A_1895 = arith.muli %add3A_1893, %mul3A_1894 : i32
        %get3A_1896 = arith.index_cast %mul3A_1895 : i32 to index
        %get3A_1897 = tpu.vector_load %arg9[%get3A_1896] {strides = array<i32>} : memref<528xi32, #tpu.memory_space<vmem>>, vector<16xi32>,
        %mul3A_1898 = arith.constant 4 : i32
        %mul3A_1899 = arith.muli %add3A_1893, %mul3A_1898 : i32
        %get3A_1900 = arith.index_cast %mul3A_1899 : i32 to index
        %get3A_1901 = tpu.vector_load %arg10[%get3A_1900] {strides = array<i32>} : memref<528xi32, #tpu.memory_space<vmem>>, vector<16xi32>,
        %mul3A_1902 = arith.constant 4 : i32
        %mul3A_1903 = arith.muli %add3A_1893, %mul3A_1902 : i32
        %get3A_1904 = arith.index_cast %mul3A_1903 : i32 to index
        %get3A_1905 = tpu.vector_load %arg11[%get3A_1904] {strides = array<i32>} : memref<528xi32, #tpu.memory_space<vmem>>, vector<16xi32>,
        %slice3A_1906 = vector.extract_strided_slice %get3A_1897 {offsets = [0], sizes = [1], strides = [1]} : vector<16xi32> to vector<1xi32>
        %squeeze3A_1907 = vector.extract %slice3A_1906[0] : i32 from vector<1xi32>
        %jit3A_1908 = arith.constant 128 : i32
        %div3A_1909 = arith.divsi %squeeze3A_1907, %jit3A_1908 : i32
        %sign3A_1910 = arith.constant 0 : i32
        %sign3A_1911 = arith.cmpi sgt, %squeeze3A_1907, %sign3A_1910 : i32
        %sign3A_1912 = arith.extui %sign3A_1911 : i1 to i32
        %sign3A_1913 = arith.constant 0 : i32
        %sign3A_1914 = arith.cmpi slt, %squeeze3A_1907, %sign3A_1913 : i32
        %sign3A_1915 = arith.extui %sign3A_1914 : i1 to i32
        %sign3A_1916 = arith.subi %sign3A_1912, %sign3A_1915 : i32
        %sign3A_1917 = arith.constant 0 : i32
        %sign3A_1918 = arith.cmpi sgt, %jit3A_1908, %sign3A_1917 : i32
        %sign3A_1919 = arith.extui %sign3A_1918 : i1 to i32
        %sign3A_1920 = arith.constant 0 : i32
        %sign3A_1921 = arith.cmpi slt, %jit3A_1908, %sign3A_1920 : i32
        %sign3A_1922 = arith.extui %sign3A_1921 : i1 to i32
        %sign3A_1923 = arith.subi %sign3A_1919, %sign3A_1922 : i32
        %ne3A_1924 = arith.cmpi ne, %sign3A_1916, %sign3A_1923 : i32
        %rem3A_1925 = arith.remsi %squeeze3A_1907, %jit3A_1908 : i32
        %ne3A_1926 = arith.constant 0 : i32
        %ne3A_1927 = arith.cmpi ne, %rem3A_1925, %ne3A_1926 : i32
        %and3A_1928 = arith.andi %ne3A_1924, %ne3A_1927 : i1
        %sub3A_1929 = arith.constant 1 : i32
        %sub3A_1930 = arith.subi %div3A_1909, %sub3A_1929 : i32
        %select_n3A_1931 = arith.select %and3A_1928, %sub3A_1930, %div3A_1909 : i32
        %mul3A_1932 = arith.constant 128 : i32
        %mul3A_1933 = arith.muli %select_n3A_1931, %mul3A_1932 : i32
        %multiple_of3A_1934 = tpu.assume_multiple %mul3A_1933, 128 : i32
        %dma_start3A_1935 = arith.constant 0 : i32
        %dma_start3A_1936 = arith.constant 0 : i32
        %dma_start3A_1937 = arith.constant 0 : i32
        %dma_start3A_1938 = tpu.memref_slice %arg12[%dma_start3A_1935, %dma_start3A_1936, %dma_start3A_1937] : memref<12x32x128xf32, #tpu.memory_space<vmem>> -> memref<1x32x128xf32, #tpu.memory_space<vmem>>
        %dma_start3A_1939 = tpu.memref_squeeze %dma_start3A_1938 : memref<1x32x128xf32, #tpu.memory_space<vmem>> -> memref<32x128xf32, #tpu.memory_space<vmem>>
        %dma_start3A_1940 = arith.constant 0 : i32
        %dma_start3A_1941 = tpu.memref_slice %arg5[%dma_start3A_1940, %multiple_of3A_1934] : memref<32x1000000xf32, #tpu.memory_space<hbm>> -> memref<32x128xf32, #tpu.memory_space<hbm>>
        %dma_start3A_1942 = arith.constant 0 : i32
        %dma_start3A_1943 = arith.constant 0 : i32
        %dma_start3A_1944 = tpu.memref_slice %arg12[%dma_start3A_1935, %dma_start3A_1942, %dma_start3A_1943] : memref<12x32x128xf32, #tpu.memory_space<vmem>> -> memref<1x32x128xf32, #tpu.memory_space<vmem>>
        %dma_start3A_1945 = tpu.memref_squeeze %dma_start3A_1944 : memref<1x32x128xf32, #tpu.memory_space<vmem>> -> memref<32x128xf32, #tpu.memory_space<vmem>>
        %dma_start3A_1946 = arith.constant 0 : i32
        %dma_start3A_1947 = tpu.memref_slice %arg5[%dma_start3A_1946, %multiple_of3A_1934] : memref<32x1000000xf32, #tpu.memory_space<hbm>> -> memref<32x128xf32, #tpu.memory_space<hbm>>
        tpu.enqueue_dma source(%dma_start3A_1947 : memref<32x128xf32, #tpu.memory_space<hbm>>) target(%dma_start3A_1945 : memref<32x128xf32, #tpu.memory_space<vmem>>) target_semaphore(%arg16 : memref<!tpu.dma_semaphore, #tpu.memory_space<semaphore_mem>>)
        %slice3A_1948 = vector.extract_strided_slice %get3A_1897 {offsets = [1], sizes = [1], strides = [1]} : vector<16xi32> to vector<1xi32>
        %squeeze3A_1949 = vector.extract %slice3A_1948[0] : i32 from vector<1xi32>
        %jit3A_1950 = arith.constant 128 : i32
        %div3A_1951 = arith.divsi %squeeze3A_1949, %jit3A_1950 : i32
        %sign3A_1952 = arith.constant 0 : i32
        %sign3A_1953 = arith.cmpi sgt, %squeeze3A_1949, %sign3A_1952 : i32
        %sign3A_1954 = arith.extui %sign3A_1953 : i1 to i32
        %sign3A_1955 = arith.constant 0 : i32
        %sign3A_1956 = arith.cmpi slt, %squeeze3A_1949, %sign3A_1955 : i32
        %sign3A_1957 = arith.extui %sign3A_1956 : i1 to i32
        %sign3A_1958 = arith.subi %sign3A_1954, %sign3A_1957 : i32
        %sign3A_1959 = arith.constant 0 : i32
        %sign3A_1960 = arith.cmpi sgt, %jit3A_1950, %sign3A_1959 : i32
        %sign3A_1961 = arith.extui %sign3A_1960 : i1 to i32
        %sign3A_1962 = arith.constant 0 : i32
        %sign3A_1963 = arith.cmpi slt, %jit3A_1950, %sign3A_1962 : i32
        %sign3A_1964 = arith.extui %sign3A_1963 : i1 to i32
        %sign3A_1965 = arith.subi %sign3A_1961, %sign3A_1964 : i32
        %ne3A_1966 = arith.cmpi ne, %sign3A_1958, %sign3A_1965 : i32
        %rem3A_1967 = arith.remsi %squeeze3A_1949, %jit3A_1950 : i32
        %ne3A_1968 = arith.constant 0 : i32
        %ne3A_1969 = arith.cmpi ne, %rem3A_1967, %ne3A_1968 : i32
        %and3A_1970 = arith.andi %ne3A_1966, %ne3A_1969 : i1
        %sub3A_1971 = arith.constant 1 : i32
        %sub3A_1972 = arith.subi %div3A_1951, %sub3A_1971 : i32
        %select_n3A_1973 = arith.select %and3A_1970, %sub3A_1972, %div3A_1951 : i32
        %mul3A_1974 = arith.constant 128 : i32
        %mul3A_1975 = arith.muli %select_n3A_1973, %mul3A_1974 : i32
        %multiple_of3A_1976 = tpu.assume_multiple %mul3A_1975, 128 : i32
        %dma_start3A_1977 = arith.constant 1 : i32
        %dma_start3A_1978 = arith.constant 0 : i32
        %dma_start3A_1979 = arith.constant 0 : i32
        %dma_start3A_1980 = tpu.memref_slice %arg12[%dma_start3A_1977, %dma_start3A_1978, %dma_start3A_1979] : memref<12x32x128xf32, #tpu.memory_space<vmem>> -> memref<1x32x128xf32, #tpu.memory_space<vmem>>
        %dma_start3A_1981 = tpu.memref_squeeze %dma_start3A_1980 : memref<1x32x128xf32, #tpu.memory_space<vmem>> -> memref<32x128xf32, #tpu.memory_space<vmem>>
        %dma_start3A_1982 = arith.constant 0 : i32
        %dma_start3A_1983 = tpu.memref_slice %arg5[%dma_start3A_1982, %multiple_of3A_1976] : memref<32x1000000xf32, #tpu.memory_space<hbm>> -> memref<32x128xf32, #tpu.memory_space<hbm>>
        %dma_start3A_1984 = arith.constant 0 : i32
        %dma_start3A_1985 = arith.constant 0 : i32
        %dma_start3A_1986 = tpu.memref_slice %arg12[%dma_start3A_1977, %dma_start3A_1984, %dma_start3A_1985] : memref<12x32x128xf32, #tpu.memory_space<vmem>> -> memref<1x32x128xf32, #tpu.memory_space<vmem>>
        %dma_start3A_1987 = tpu.memref_squeeze %dma_start3A_1986 : memref<1x32x128xf32, #tpu.memory_space<vmem>> -> memref<32x128xf32, #tpu.memory_space<vmem>>
        %dma_start3A_1988 = arith.constant 0 : i32
        %dma_start3A_1989 = tpu.memref_slice %arg5[%dma_start3A_1988, %multiple_of3A_1976] : memref<32x1000000xf32, #tpu.memory_space<hbm>> -> memref<32x128xf32, #tpu.memory_space<hbm>>
        tpu.enqueue_dma source(%dma_start3A_1989 : memref<32x128xf32, #tpu.memory_space<hbm>>) target(%dma_start3A_1987 : memref<32x128xf32, #tpu.memory_space<vmem>>) target_semaphore(%arg17 : memref<!tpu.dma_semaphore, #tpu.memory_space<semaphore_mem>>)
        %slice3A_1990 = vector.extract_strided_slice %get3A_1897 {offsets = [2], sizes = [1], strides = [1]} : vector<16xi32> to vector<1xi32>
        %squeeze3A_1991 = vector.extract %slice3A_1990[0] : i32 from vector<1xi32>
        %jit3A_1992 = arith.constant 128 : i32
        %div3A_1993 = arith.divsi %squeeze3A_1991, %jit3A_1992 : i32
        %sign3A_1994 = arith.constant 0 : i32
        %sign3A_1995 = arith.cmpi sgt, %squeeze3A_1991, %sign3A_1994 : i32
        %sign3A_1996 = arith.extui %sign3A_1995 : i1 to i32
        %sign3A_1997 = arith.constant 0 : i32
        %sign3A_1998 = arith.cmpi slt, %squeeze3A_1991, %sign3A_1997 : i32
        %sign3A_1999 = arith.extui %sign3A_1998 : i1 to i32
        %sign3A_2000 = arith.subi %sign3A_1996, %sign3A_1999 : i32
        %sign3A_2001 = arith.constant 0 : i32
        %sign3A_2002 = arith.cmpi sgt, %jit3A_1992, %sign3A_2001 : i32
        %sign3A_2003 = arith.extui %sign3A_2002 : i1 to i32
        %sign3A_2004 = arith.constant 0 : i32
        %sign3A_2005 = arith.cmpi slt, %jit3A_1992, %sign3A_2004 : i32
        %sign3A_2006 = arith.extui %sign3A_2005 : i1 to i32
        %sign3A_2007 = arith.subi %sign3A_2003, %sign3A_2006 : i32
        %ne3A_2008 = arith.cmpi ne, %sign3A_2000, %sign3A_2007 : i32
        %rem3A_2009 = arith.remsi %squeeze3A_1991, %jit3A_1992 : i32
        %ne3A_2010 = arith.constant 0 : i32
        %ne3A_2011 = arith.cmpi ne, %rem3A_2009, %ne3A_2010 : i32
        %and3A_2012 = arith.andi %ne3A_2008, %ne3A_2011 : i1
        %sub3A_2013 = arith.constant 1 : i32
        %sub3A_2014 = arith.subi %div3A_1993, %sub3A_2013 : i32
        %select_n3A_2015 = arith.select %and3A_2012, %sub3A_2014, %div3A_1993 : i32
        %mul3A_2016 = arith.constant 128 : i32
        %mul3A_2017 = arith.muli %select_n3A_2015, %mul3A_2016 : i32
        %multiple_of3A_2018 = tpu.assume_multiple %mul3A_2017, 128 : i32
        %dma_start3A_2019 = arith.constant 2 : i32
        %dma_start3A_2020 = arith.constant 0 : i32
        %dma_start3A_2021 = arith.constant 0 : i32
        %dma_start3A_2022 = tpu.memref_slice %arg12[%dma_start3A_2019, %dma_start3A_2020, %dma_start3A_2021] : memref<12x32x128xf32, #tpu.memory_space<vmem>> -> memref<1x32x128xf32, #tpu.memory_space<vmem>>
        %dma_start3A_2023 = tpu.memref_squeeze %dma_start3A_2022 : memref<1x32x128xf32, #tpu.memory_space<vmem>> -> memref<32x128xf32, #tpu.memory_space<vmem>>
        %dma_start3A_2024 = arith.constant 0 : i32
        %dma_start3A_2025 = tpu.memref_slice %arg5[%dma_start3A_2024, %multiple_of3A_2018] : memref<32x1000000xf32, #tpu.memory_space<hbm>> -> memref<32x128xf32, #tpu.memory_space<hbm>>
        %dma_start3A_2026 = arith.constant 0 : i32
        %dma_start3A_2027 = arith.constant 0 : i32
        %dma_start3A_2028 = tpu.memref_slice %arg12[%dma_start3A_2019, %dma_start3A_2026, %dma_start3A_2027] : memref<12x32x128xf32, #tpu.memory_space<vmem>> -> memref<1x32x128xf32, #tpu.memory_space<vmem>>
        %dma_start3A_2029 = tpu.memref_squeeze %dma_start3A_2028 : memref<1x32x128xf32, #tpu.memory_space<vmem>> -> memref<32x128xf32, #tpu.memory_space<vmem>>
        %dma_start3A_2030 = arith.constant 0 : i32
        %dma_start3A_2031 = tpu.memref_slice %arg5[%dma_start3A_2030, %multiple_of3A_2018] : memref<32x1000000xf32, #tpu.memory_space<hbm>> -> memref<32x128xf32, #tpu.memory_space<hbm>>
        tpu.enqueue_dma source(%dma_start3A_2031 : memref<32x128xf32, #tpu.memory_space<hbm>>) target(%dma_start3A_2029 : memref<32x128xf32, #tpu.memory_space<vmem>>) target_semaphore(%arg18 : memref<!tpu.dma_semaphore, #tpu.memory_space<semaphore_mem>>)
        %slice3A_2032 = vector.extract_strided_slice %get3A_1897 {offsets = [3], sizes = [1], strides = [1]} : vector<16xi32> to vector<1xi32>
        %squeeze3A_2033 = vector.extract %slice3A_2032[0] : i32 from vector<1xi32>
        %jit3A_2034 = arith.constant 128 : i32
        %div3A_2035 = arith.divsi %squeeze3A_2033, %jit3A_2034 : i32
        %sign3A_2036 = arith.constant 0 : i32
        %sign3A_2037 = arith.cmpi sgt, %squeeze3A_2033, %sign3A_2036 : i32
        %sign3A_2038 = arith.extui %sign3A_2037 : i1 to i32
        %sign3A_2039 = arith.constant 0 : i32
        %sign3A_2040 = arith.cmpi slt, %squeeze3A_2033, %sign3A_2039 : i32
        %sign3A_2041 = arith.extui %sign3A_2040 : i1 to i32
        %sign3A_2042 = arith.subi %sign3A_2038, %sign3A_2041 : i32
        %sign3A_2043 = arith.constant 0 : i32
        %sign3A_2044 = arith.cmpi sgt, %jit3A_2034, %sign3A_2043 : i32
        %sign3A_2045 = arith.extui %sign3A_2044 : i1 to i32
        %sign3A_2046 = arith.constant 0 : i32
        %sign3A_2047 = arith.cmpi slt, %jit3A_2034, %sign3A_2046 : i32
        %sign3A_2048 = arith.extui %sign3A_2047 : i1 to i32
        %sign3A_2049 = arith.subi %sign3A_2045, %sign3A_2048 : i32
        %ne3A_2050 = arith.cmpi ne, %sign3A_2042, %sign3A_2049 : i32
        %rem3A_2051 = arith.remsi %squeeze3A_2033, %jit3A_2034 : i32
        %ne3A_2052 = arith.constant 0 : i32
        %ne3A_2053 = arith.cmpi ne, %rem3A_2051, %ne3A_2052 : i32
        %and3A_2054 = arith.andi %ne3A_2050, %ne3A_2053 : i1
        %sub3A_2055 = arith.constant 1 : i32
        %sub3A_2056 = arith.subi %div3A_2035, %sub3A_2055 : i32
        %select_n3A_2057 = arith.select %and3A_2054, %sub3A_2056, %div3A_2035 : i32
        %mul3A_2058 = arith.constant 128 : i32
        %mul3A_2059 = arith.muli %select_n3A_2057, %mul3A_2058 : i32
        %multiple_of3A_2060 = tpu.assume_multiple %mul3A_2059, 128 : i32
        %dma_start3A_2061 = arith.constant 3 : i32
        %dma_start3A_2062 = arith.constant 0 : i32
        %dma_start3A_2063 = arith.constant 0 : i32
        %dma_start3A_2064 = tpu.memref_slice %arg12[%dma_start3A_2061, %dma_start3A_2062, %dma_start3A_2063] : memref<12x32x128xf32, #tpu.memory_space<vmem>> -> memref<1x32x128xf32, #tpu.memory_space<vmem>>
        %dma_start3A_2065 = tpu.memref_squeeze %dma_start3A_2064 : memref<1x32x128xf32, #tpu.memory_space<vmem>> -> memref<32x128xf32, #tpu.memory_space<vmem>>
        %dma_start3A_2066 = arith.constant 0 : i32
        %dma_start3A_2067 = tpu.memref_slice %arg5[%dma_start3A_2066, %multiple_of3A_2060] : memref<32x1000000xf32, #tpu.memory_space<hbm>> -> memref<32x128xf32, #tpu.memory_space<hbm>>
        %dma_start3A_2068 = arith.constant 0 : i32
        %dma_start3A_2069 = arith.constant 0 : i32
        %dma_start3A_2070 = tpu.memref_slice %arg12[%dma_start3A_2061, %dma_start3A_2068, %dma_start3A_2069] : memref<12x32x128xf32, #tpu.memory_space<vmem>> -> memref<1x32x128xf32, #tpu.memory_space<vmem>>
        %dma_start3A_2071 = tpu.memref_squeeze %dma_start3A_2070 : memref<1x32x128xf32, #tpu.memory_space<vmem>> -> memref<32x128xf32, #tpu.memory_space<vmem>>
        %dma_start3A_2072 = arith.constant 0 : i32
        %dma_start3A_2073 = tpu.memref_slice %arg5[%dma_start3A_2072, %multiple_of3A_2060] : memref<32x1000000xf32, #tpu.memory_space<hbm>> -> memref<32x128xf32, #tpu.memory_space<hbm>>
        tpu.enqueue_dma source(%dma_start3A_2073 : memref<32x128xf32, #tpu.memory_space<hbm>>) target(%dma_start3A_2071 : memref<32x128xf32, #tpu.memory_space<vmem>>) target_semaphore(%arg19 : memref<!tpu.dma_semaphore, #tpu.memory_space<semaphore_mem>>)
        %slice3A_2074 = vector.extract_strided_slice %get3A_1901 {offsets = [0], sizes = [1], strides = [1]} : vector<16xi32> to vector<1xi32>
        %squeeze3A_2075 = vector.extract %slice3A_2074[0] : i32 from vector<1xi32>
        %jit3A_2076 = arith.constant 128 : i32
        %div3A_2077 = arith.divsi %squeeze3A_2075, %jit3A_2076 : i32
        %sign3A_2078 = arith.constant 0 : i32
        %sign3A_2079 = arith.cmpi sgt, %squeeze3A_2075, %sign3A_2078 : i32
        %sign3A_2080 = arith.extui %sign3A_2079 : i1 to i32
        %sign3A_2081 = arith.constant 0 : i32
        %sign3A_2082 = arith.cmpi slt, %squeeze3A_2075, %sign3A_2081 : i32
        %sign3A_2083 = arith.extui %sign3A_2082 : i1 to i32
        %sign3A_2084 = arith.subi %sign3A_2080, %sign3A_2083 : i32
        %sign3A_2085 = arith.constant 0 : i32
        %sign3A_2086 = arith.cmpi sgt, %jit3A_2076, %sign3A_2085 : i32
        %sign3A_2087 = arith.extui %sign3A_2086 : i1 to i32
        %sign3A_2088 = arith.constant 0 : i32
        %sign3A_2089 = arith.cmpi slt, %jit3A_2076, %sign3A_2088 : i32
        %sign3A_2090 = arith.extui %sign3A_2089 : i1 to i32
        %sign3A_2091 = arith.subi %sign3A_2087, %sign3A_2090 : i32
        %ne3A_2092 = arith.cmpi ne, %sign3A_2084, %sign3A_2091 : i32
        %rem3A_2093 = arith.remsi %squeeze3A_2075, %jit3A_2076 : i32
        %ne3A_2094 = arith.constant 0 : i32
        %ne3A_2095 = arith.cmpi ne, %rem3A_2093, %ne3A_2094 : i32
        %and3A_2096 = arith.andi %ne3A_2092, %ne3A_2095 : i1
        %sub3A_2097 = arith.constant 1 : i32
        %sub3A_2098 = arith.subi %div3A_2077, %sub3A_2097 : i32
        %select_n3A_2099 = arith.select %and3A_2096, %sub3A_2098, %div3A_2077 : i32
        %mul3A_2100 = arith.constant 128 : i32
        %mul3A_2101 = arith.muli %select_n3A_2099, %mul3A_2100 : i32
        %multiple_of3A_2102 = tpu.assume_multiple %mul3A_2101, 128 : i32
        %dma_start3A_2103 = arith.constant 4 : i32
        %dma_start3A_2104 = arith.constant 0 : i32
        %dma_start3A_2105 = arith.constant 0 : i32
        %dma_start3A_2106 = tpu.memref_slice %arg12[%dma_start3A_2103, %dma_start3A_2104, %dma_start3A_2105] : memref<12x32x128xf32, #tpu.memory_space<vmem>> -> memref<1x32x128xf32, #tpu.memory_space<vmem>>
        %dma_start3A_2107 = tpu.memref_squeeze %dma_start3A_2106 : memref<1x32x128xf32, #tpu.memory_space<vmem>> -> memref<32x128xf32, #tpu.memory_space<vmem>>
        %dma_start3A_2108 = arith.constant 0 : i32
        %dma_start3A_2109 = tpu.memref_slice %arg6[%dma_start3A_2108, %multiple_of3A_2102] : memref<32x1000000xf32, #tpu.memory_space<hbm>> -> memref<32x128xf32, #tpu.memory_space<hbm>>
        %dma_start3A_2110 = arith.constant 0 : i32
        %dma_start3A_2111 = arith.constant 0 : i32
        %dma_start3A_2112 = tpu.memref_slice %arg12[%dma_start3A_2103, %dma_start3A_2110, %dma_start3A_2111] : memref<12x32x128xf32, #tpu.memory_space<vmem>> -> memref<1x32x128xf32, #tpu.memory_space<vmem>>
        %dma_start3A_2113 = tpu.memref_squeeze %dma_start3A_2112 : memref<1x32x128xf32, #tpu.memory_space<vmem>> -> memref<32x128xf32, #tpu.memory_space<vmem>>
        %dma_start3A_2114 = arith.constant 0 : i32
        %dma_start3A_2115 = tpu.memref_slice %arg6[%dma_start3A_2114, %multiple_of3A_2102] : memref<32x1000000xf32, #tpu.memory_space<hbm>> -> memref<32x128xf32, #tpu.memory_space<hbm>>
        tpu.enqueue_dma source(%dma_start3A_2115 : memref<32x128xf32, #tpu.memory_space<hbm>>) target(%dma_start3A_2113 : memref<32x128xf32, #tpu.memory_space<vmem>>) target_semaphore(%arg20 : memref<!tpu.dma_semaphore, #tpu.memory_space<semaphore_mem>>)
        %slice3A_2116 = vector.extract_strided_slice %get3A_1901 {offsets = [1], sizes = [1], strides = [1]} : vector<16xi32> to vector<1xi32>
        %squeeze3A_2117 = vector.extract %slice3A_2116[0] : i32 from vector<1xi32>
        %jit3A_2118 = arith.constant 128 : i32
        %div3A_2119 = arith.divsi %squeeze3A_2117, %jit3A_2118 : i32
        %sign3A_2120 = arith.constant 0 : i32
        %sign3A_2121 = arith.cmpi sgt, %squeeze3A_2117, %sign3A_2120 : i32
        %sign3A_2122 = arith.extui %sign3A_2121 : i1 to i32
        %sign3A_2123 = arith.constant 0 : i32
        %sign3A_2124 = arith.cmpi slt, %squeeze3A_2117, %sign3A_2123 : i32
        %sign3A_2125 = arith.extui %sign3A_2124 : i1 to i32
        %sign3A_2126 = arith.subi %sign3A_2122, %sign3A_2125 : i32
        %sign3A_2127 = arith.constant 0 : i32
        %sign3A_2128 = arith.cmpi sgt, %jit3A_2118, %sign3A_2127 : i32
        %sign3A_2129 = arith.extui %sign3A_2128 : i1 to i32
        %sign3A_2130 = arith.constant 0 : i32
        %sign3A_2131 = arith.cmpi slt, %jit3A_2118, %sign3A_2130 : i32
        %sign3A_2132 = arith.extui %sign3A_2131 : i1 to i32
        %sign3A_2133 = arith.subi %sign3A_2129, %sign3A_2132 : i32
        %ne3A_2134 = arith.cmpi ne, %sign3A_2126, %sign3A_2133 : i32
        %rem3A_2135 = arith.remsi %squeeze3A_2117, %jit3A_2118 : i32
        %ne3A_2136 = arith.constant 0 : i32
        %ne3A_2137 = arith.cmpi ne, %rem3A_2135, %ne3A_2136 : i32
        %and3A_2138 = arith.andi %ne3A_2134, %ne3A_2137 : i1
        %sub3A_2139 = arith.constant 1 : i32
        %sub3A_2140 = arith.subi %div3A_2119, %sub3A_2139 : i32
        %select_n3A_2141 = arith.select %and3A_2138, %sub3A_2140, %div3A_2119 : i32
        %mul3A_2142 = arith.constant 128 : i32
        %mul3A_2143 = arith.muli %select_n3A_2141, %mul3A_2142 : i32
        %multiple_of3A_2144 = tpu.assume_multiple %mul3A_2143, 128 : i32
        %dma_start3A_2145 = arith.constant 5 : i32
        %dma_start3A_2146 = arith.constant 0 : i32
        %dma_start3A_2147 = arith.constant 0 : i32
        %dma_start3A_2148 = tpu.memref_slice %arg12[%dma_start3A_2145, %dma_start3A_2146, %dma_start3A_2147] : memref<12x32x128xf32, #tpu.memory_space<vmem>> -> memref<1x32x128xf32, #tpu.memory_space<vmem>>
        %dma_start3A_2149 = tpu.memref_squeeze %dma_start3A_2148 : memref<1x32x128xf32, #tpu.memory_space<vmem>> -> memref<32x128xf32, #tpu.memory_space<vmem>>
        %dma_start3A_2150 = arith.constant 0 : i32
        %dma_start3A_2151 = tpu.memref_slice %arg6[%dma_start3A_2150, %multiple_of3A_2144] : memref<32x1000000xf32, #tpu.memory_space<hbm>> -> memref<32x128xf32, #tpu.memory_space<hbm>>
        %dma_start3A_2152 = arith.constant 0 : i32
        %dma_start3A_2153 = arith.constant 0 : i32
        %dma_start3A_2154 = tpu.memref_slice %arg12[%dma_start3A_2145, %dma_start3A_2152, %dma_start3A_2153] : memref<12x32x128xf32, #tpu.memory_space<vmem>> -> memref<1x32x128xf32, #tpu.memory_space<vmem>>
        %dma_start3A_2155 = tpu.memref_squeeze %dma_start3A_2154 : memref<1x32x128xf32, #tpu.memory_space<vmem>> -> memref<32x128xf32, #tpu.memory_space<vmem>>
        %dma_start3A_2156 = arith.constant 0 : i32
        %dma_start3A_2157 = tpu.memref_slice %arg6[%dma_start3A_2156, %multiple_of3A_2144] : memref<32x1000000xf32, #tpu.memory_space<hbm>> -> memref<32x128xf32, #tpu.memory_space<hbm>>
        tpu.enqueue_dma source(%dma_start3A_2157 : memref<32x128xf32, #tpu.memory_space<hbm>>) target(%dma_start3A_2155 : memref<32x128xf32, #tpu.memory_space<vmem>>) target_semaphore(%arg21 : memref<!tpu.dma_semaphore, #tpu.memory_space<semaphore_mem>>)
        %slice3A_2158 = vector.extract_strided_slice %get3A_1901 {offsets = [2], sizes = [1], strides = [1]} : vector<16xi32> to vector<1xi32>
        %squeeze3A_2159 = vector.extract %slice3A_2158[0] : i32 from vector<1xi32>
        %jit3A_2160 = arith.constant 128 : i32
        %div3A_2161 = arith.divsi %squeeze3A_2159, %jit3A_2160 : i32
        %sign3A_2162 = arith.constant 0 : i32
        %sign3A_2163 = arith.cmpi sgt, %squeeze3A_2159, %sign3A_2162 : i32
        %sign3A_2164 = arith.extui %sign3A_2163 : i1 to i32
        %sign3A_2165 = arith.constant 0 : i32
        %sign3A_2166 = arith.cmpi slt, %squeeze3A_2159, %sign3A_2165 : i32
        %sign3A_2167 = arith.extui %sign3A_2166 : i1 to i32
        %sign3A_2168 = arith.subi %sign3A_2164, %sign3A_2167 : i32
        %sign3A_2169 = arith.constant 0 : i32
        %sign3A_2170 = arith.cmpi sgt, %jit3A_2160, %sign3A_2169 : i32
        %sign3A_2171 = arith.extui %sign3A_2170 : i1 to i32
        %sign3A_2172 = arith.constant 0 : i32
        %sign3A_2173 = arith.cmpi slt, %jit3A_2160, %sign3A_2172 : i32
        %sign3A_2174 = arith.extui %sign3A_2173 : i1 to i32
        %sign3A_2175 = arith.subi %sign3A_2171, %sign3A_2174 : i32
        %ne3A_2176 = arith.cmpi ne, %sign3A_2168, %sign3A_2175 : i32
        %rem3A_2177 = arith.remsi %squeeze3A_2159, %jit3A_2160 : i32
        %ne3A_2178 = arith.constant 0 : i32
        %ne3A_2179 = arith.cmpi ne, %rem3A_2177, %ne3A_2178 : i32
        %and3A_2180 = arith.andi %ne3A_2176, %ne3A_2179 : i1
        %sub3A_2181 = arith.constant 1 : i32
        %sub3A_2182 = arith.subi %div3A_2161, %sub3A_2181 : i32
        %select_n3A_2183 = arith.select %and3A_2180, %sub3A_2182, %div3A_2161 : i32
        %mul3A_2184 = arith.constant 128 : i32
        %mul3A_2185 = arith.muli %select_n3A_2183, %mul3A_2184 : i32
        %multiple_of3A_2186 = tpu.assume_multiple %mul3A_2185, 128 : i32
        %dma_start3A_2187 = arith.constant 6 : i32
        %dma_start3A_2188 = arith.constant 0 : i32
        %dma_start3A_2189 = arith.constant 0 : i32
        %dma_start3A_2190 = tpu.memref_slice %arg12[%dma_start3A_2187, %dma_start3A_2188, %dma_start3A_2189] : memref<12x32x128xf32, #tpu.memory_space<vmem>> -> memref<1x32x128xf32, #tpu.memory_space<vmem>>
        %dma_start3A_2191 = tpu.memref_squeeze %dma_start3A_2190 : memref<1x32x128xf32, #tpu.memory_space<vmem>> -> memref<32x128xf32, #tpu.memory_space<vmem>>
        %dma_start3A_2192 = arith.constant 0 : i32
        %dma_start3A_2193 = tpu.memref_slice %arg6[%dma_start3A_2192, %multiple_of3A_2186] : memref<32x1000000xf32, #tpu.memory_space<hbm>> -> memref<32x128xf32, #tpu.memory_space<hbm>>
        %dma_start3A_2194 = arith.constant 0 : i32
        %dma_start3A_2195 = arith.constant 0 : i32
        %dma_start3A_2196 = tpu.memref_slice %arg12[%dma_start3A_2187, %dma_start3A_2194, %dma_start3A_2195] : memref<12x32x128xf32, #tpu.memory_space<vmem>> -> memref<1x32x128xf32, #tpu.memory_space<vmem>>
        %dma_start3A_2197 = tpu.memref_squeeze %dma_start3A_2196 : memref<1x32x128xf32, #tpu.memory_space<vmem>> -> memref<32x128xf32, #tpu.memory_space<vmem>>
        %dma_start3A_2198 = arith.constant 0 : i32
        %dma_start3A_2199 = tpu.memref_slice %arg6[%dma_start3A_2198, %multiple_of3A_2186] : memref<32x1000000xf32, #tpu.memory_space<hbm>> -> memref<32x128xf32, #tpu.memory_space<hbm>>
        tpu.enqueue_dma source(%dma_start3A_2199 : memref<32x128xf32, #tpu.memory_space<hbm>>) target(%dma_start3A_2197 : memref<32x128xf32, #tpu.memory_space<vmem>>) target_semaphore(%arg22 : memref<!tpu.dma_semaphore, #tpu.memory_space<semaphore_mem>>)
        %slice3A_2200 = vector.extract_strided_slice %get3A_1901 {offsets = [3], sizes = [1], strides = [1]} : vector<16xi32> to vector<1xi32>
        %squeeze3A_2201 = vector.extract %slice3A_2200[0] : i32 from vector<1xi32>
        %jit3A_2202 = arith.constant 128 : i32
        %div3A_2203 = arith.divsi %squeeze3A_2201, %jit3A_2202 : i32
        %sign3A_2204 = arith.constant 0 : i32
        %sign3A_2205 = arith.cmpi sgt, %squeeze3A_2201, %sign3A_2204 : i32
        %sign3A_2206 = arith.extui %sign3A_2205 : i1 to i32
        %sign3A_2207 = arith.constant 0 : i32
        %sign3A_2208 = arith.cmpi slt, %squeeze3A_2201, %sign3A_2207 : i32
        %sign3A_2209 = arith.extui %sign3A_2208 : i1 to i32
        %sign3A_2210 = arith.subi %sign3A_2206, %sign3A_2209 : i32
        %sign3A_2211 = arith.constant 0 : i32
        %sign3A_2212 = arith.cmpi sgt, %jit3A_2202, %sign3A_2211 : i32
        %sign3A_2213 = arith.extui %sign3A_2212 : i1 to i32
        %sign3A_2214 = arith.constant 0 : i32
        %sign3A_2215 = arith.cmpi slt, %jit3A_2202, %sign3A_2214 : i32
        %sign3A_2216 = arith.extui %sign3A_2215 : i1 to i32
        %sign3A_2217 = arith.subi %sign3A_2213, %sign3A_2216 : i32
        %ne3A_2218 = arith.cmpi ne, %sign3A_2210, %sign3A_2217 : i32
        %rem3A_2219 = arith.remsi %squeeze3A_2201, %jit3A_2202 : i32
        %ne3A_2220 = arith.constant 0 : i32
        %ne3A_2221 = arith.cmpi ne, %rem3A_2219, %ne3A_2220 : i32
        %and3A_2222 = arith.andi %ne3A_2218, %ne3A_2221 : i1
        %sub3A_2223 = arith.constant 1 : i32
        %sub3A_2224 = arith.subi %div3A_2203, %sub3A_2223 : i32
        %select_n3A_2225 = arith.select %and3A_2222, %sub3A_2224, %div3A_2203 : i32
        %mul3A_2226 = arith.constant 128 : i32
        %mul3A_2227 = arith.muli %select_n3A_2225, %mul3A_2226 : i32
        %multiple_of3A_2228 = tpu.assume_multiple %mul3A_2227, 128 : i32
        %dma_start3A_2229 = arith.constant 7 : i32
        %dma_start3A_2230 = arith.constant 0 : i32
        %dma_start3A_2231 = arith.constant 0 : i32
        %dma_start3A_2232 = tpu.memref_slice %arg12[%dma_start3A_2229, %dma_start3A_2230, %dma_start3A_2231] : memref<12x32x128xf32, #tpu.memory_space<vmem>> -> memref<1x32x128xf32, #tpu.memory_space<vmem>>
        %dma_start3A_2233 = tpu.memref_squeeze %dma_start3A_2232 : memref<1x32x128xf32, #tpu.memory_space<vmem>> -> memref<32x128xf32, #tpu.memory_space<vmem>>
        %dma_start3A_2234 = arith.constant 0 : i32
        %dma_start3A_2235 = tpu.memref_slice %arg6[%dma_start3A_2234, %multiple_of3A_2228] : memref<32x1000000xf32, #tpu.memory_space<hbm>> -> memref<32x128xf32, #tpu.memory_space<hbm>>
        %dma_start3A_2236 = arith.constant 0 : i32
        %dma_start3A_2237 = arith.constant 0 : i32
        %dma_start3A_2238 = tpu.memref_slice %arg12[%dma_start3A_2229, %dma_start3A_2236, %dma_start3A_2237] : memref<12x32x128xf32, #tpu.memory_space<vmem>> -> memref<1x32x128xf32, #tpu.memory_space<vmem>>
        %dma_start3A_2239 = tpu.memref_squeeze %dma_start3A_2238 : memref<1x32x128xf32, #tpu.memory_space<vmem>> -> memref<32x128xf32, #tpu.memory_space<vmem>>
        %dma_start3A_2240 = arith.constant 0 : i32
        %dma_start3A_2241 = tpu.memref_slice %arg6[%dma_start3A_2240, %multiple_of3A_2228] : memref<32x1000000xf32, #tpu.memory_space<hbm>> -> memref<32x128xf32, #tpu.memory_space<hbm>>
        tpu.enqueue_dma source(%dma_start3A_2241 : memref<32x128xf32, #tpu.memory_space<hbm>>) target(%dma_start3A_2239 : memref<32x128xf32, #tpu.memory_space<vmem>>) target_semaphore(%arg23 : memref<!tpu.dma_semaphore, #tpu.memory_space<semaphore_mem>>)
        %slice3A_2242 = vector.extract_strided_slice %get3A_1905 {offsets = [0], sizes = [1], strides = [1]} : vector<16xi32> to vector<1xi32>
        %squeeze3A_2243 = vector.extract %slice3A_2242[0] : i32 from vector<1xi32>
        %jit3A_2244 = arith.constant 128 : i32
        %div3A_2245 = arith.divsi %squeeze3A_2243, %jit3A_2244 : i32
        %sign3A_2246 = arith.constant 0 : i32
        %sign3A_2247 = arith.cmpi sgt, %squeeze3A_2243, %sign3A_2246 : i32
        %sign3A_2248 = arith.extui %sign3A_2247 : i1 to i32
        %sign3A_2249 = arith.constant 0 : i32
        %sign3A_2250 = arith.cmpi slt, %squeeze3A_2243, %sign3A_2249 : i32
        %sign3A_2251 = arith.extui %sign3A_2250 : i1 to i32
        %sign3A_2252 = arith.subi %sign3A_2248, %sign3A_2251 : i32
        %sign3A_2253 = arith.constant 0 : i32
        %sign3A_2254 = arith.cmpi sgt, %jit3A_2244, %sign3A_2253 : i32
        %sign3A_2255 = arith.extui %sign3A_2254 : i1 to i32
        %sign3A_2256 = arith.constant 0 : i32
        %sign3A_2257 = arith.cmpi slt, %jit3A_2244, %sign3A_2256 : i32
        %sign3A_2258 = arith.extui %sign3A_2257 : i1 to i32
        %sign3A_2259 = arith.subi %sign3A_2255, %sign3A_2258 : i32
        %ne3A_2260 = arith.cmpi ne, %sign3A_2252, %sign3A_2259 : i32
        %rem3A_2261 = arith.remsi %squeeze3A_2243, %jit3A_2244 : i32
        %ne3A_2262 = arith.constant 0 : i32
        %ne3A_2263 = arith.cmpi ne, %rem3A_2261, %ne3A_2262 : i32
        %and3A_2264 = arith.andi %ne3A_2260, %ne3A_2263 : i1
        %sub3A_2265 = arith.constant 1 : i32
        %sub3A_2266 = arith.subi %div3A_2245, %sub3A_2265 : i32
        %select_n3A_2267 = arith.select %and3A_2264, %sub3A_2266, %div3A_2245 : i32
        %mul3A_2268 = arith.constant 128 : i32
        %mul3A_2269 = arith.muli %select_n3A_2267, %mul3A_2268 : i32
        %multiple_of3A_2270 = tpu.assume_multiple %mul3A_2269, 128 : i32
        %dma_start3A_2271 = arith.constant 8 : i32
        %dma_start3A_2272 = arith.constant 0 : i32
        %dma_start3A_2273 = arith.constant 0 : i32
        %dma_start3A_2274 = tpu.memref_slice %arg12[%dma_start3A_2271, %dma_start3A_2272, %dma_start3A_2273] : memref<12x32x128xf32, #tpu.memory_space<vmem>> -> memref<1x32x128xf32, #tpu.memory_space<vmem>>
        %dma_start3A_2275 = tpu.memref_squeeze %dma_start3A_2274 : memref<1x32x128xf32, #tpu.memory_space<vmem>> -> memref<32x128xf32, #tpu.memory_space<vmem>>
        %dma_start3A_2276 = arith.constant 0 : i32
        %dma_start3A_2277 = tpu.memref_slice %arg6[%dma_start3A_2276, %multiple_of3A_2270] : memref<32x1000000xf32, #tpu.memory_space<hbm>> -> memref<32x128xf32, #tpu.memory_space<hbm>>
        %dma_start3A_2278 = arith.constant 0 : i32
        %dma_start3A_2279 = arith.constant 0 : i32
        %dma_start3A_2280 = tpu.memref_slice %arg12[%dma_start3A_2271, %dma_start3A_2278, %dma_start3A_2279] : memref<12x32x128xf32, #tpu.memory_space<vmem>> -> memref<1x32x128xf32, #tpu.memory_space<vmem>>
        %dma_start3A_2281 = tpu.memref_squeeze %dma_start3A_2280 : memref<1x32x128xf32, #tpu.memory_space<vmem>> -> memref<32x128xf32, #tpu.memory_space<vmem>>
        %dma_start3A_2282 = arith.constant 0 : i32
        %dma_start3A_2283 = tpu.memref_slice %arg6[%dma_start3A_2282, %multiple_of3A_2270] : memref<32x1000000xf32, #tpu.memory_space<hbm>> -> memref<32x128xf32, #tpu.memory_space<hbm>>
        tpu.enqueue_dma source(%dma_start3A_2283 : memref<32x128xf32, #tpu.memory_space<hbm>>) target(%dma_start3A_2281 : memref<32x128xf32, #tpu.memory_space<vmem>>) target_semaphore(%arg24 : memref<!tpu.dma_semaphore, #tpu.memory_space<semaphore_mem>>)
        %slice3A_2284 = vector.extract_strided_slice %get3A_1905 {offsets = [1], sizes = [1], strides = [1]} : vector<16xi32> to vector<1xi32>
        %squeeze3A_2285 = vector.extract %slice3A_2284[0] : i32 from vector<1xi32>
        %jit3A_2286 = arith.constant 128 : i32
        %div3A_2287 = arith.divsi %squeeze3A_2285, %jit3A_2286 : i32
        %sign3A_2288 = arith.constant 0 : i32
        %sign3A_2289 = arith.cmpi sgt, %squeeze3A_2285, %sign3A_2288 : i32
        %sign3A_2290 = arith.extui %sign3A_2289 : i1 to i32
        %sign3A_2291 = arith.constant 0 : i32
        %sign3A_2292 = arith.cmpi slt, %squeeze3A_2285, %sign3A_2291 : i32
        %sign3A_2293 = arith.extui %sign3A_2292 : i1 to i32
        %sign3A_2294 = arith.subi %sign3A_2290, %sign3A_2293 : i32
        %sign3A_2295 = arith.constant 0 : i32
        %sign3A_2296 = arith.cmpi sgt, %jit3A_2286, %sign3A_2295 : i32
        %sign3A_2297 = arith.extui %sign3A_2296 : i1 to i32
        %sign3A_2298 = arith.constant 0 : i32
        %sign3A_2299 = arith.cmpi slt, %jit3A_2286, %sign3A_2298 : i32
        %sign3A_2300 = arith.extui %sign3A_2299 : i1 to i32
        %sign3A_2301 = arith.subi %sign3A_2297, %sign3A_2300 : i32
        %ne3A_2302 = arith.cmpi ne, %sign3A_2294, %sign3A_2301 : i32
        %rem3A_2303 = arith.remsi %squeeze3A_2285, %jit3A_2286 : i32
        %ne3A_2304 = arith.constant 0 : i32
        %ne3A_2305 = arith.cmpi ne, %rem3A_2303, %ne3A_2304 : i32
        %and3A_2306 = arith.andi %ne3A_2302, %ne3A_2305 : i1
        %sub3A_2307 = arith.constant 1 : i32
        %sub3A_2308 = arith.subi %div3A_2287, %sub3A_2307 : i32
        %select_n3A_2309 = arith.select %and3A_2306, %sub3A_2308, %div3A_2287 : i32
        %mul3A_2310 = arith.constant 128 : i32
        %mul3A_2311 = arith.muli %select_n3A_2309, %mul3A_2310 : i32
        %multiple_of3A_2312 = tpu.assume_multiple %mul3A_2311, 128 : i32
        %dma_start3A_2313 = arith.constant 9 : i32
        %dma_start3A_2314 = arith.constant 0 : i32
        %dma_start3A_2315 = arith.constant 0 : i32
        %dma_start3A_2316 = tpu.memref_slice %arg12[%dma_start3A_2313, %dma_start3A_2314, %dma_start3A_2315] : memref<12x32x128xf32, #tpu.memory_space<vmem>> -> memref<1x32x128xf32, #tpu.memory_space<vmem>>
        %dma_start3A_2317 = tpu.memref_squeeze %dma_start3A_2316 : memref<1x32x128xf32, #tpu.memory_space<vmem>> -> memref<32x128xf32, #tpu.memory_space<vmem>>
        %dma_start3A_2318 = arith.constant 0 : i32
        %dma_start3A_2319 = tpu.memref_slice %arg6[%dma_start3A_2318, %multiple_of3A_2312] : memref<32x1000000xf32, #tpu.memory_space<hbm>> -> memref<32x128xf32, #tpu.memory_space<hbm>>
        %dma_start3A_2320 = arith.constant 0 : i32
        %dma_start3A_2321 = arith.constant 0 : i32
        %dma_start3A_2322 = tpu.memref_slice %arg12[%dma_start3A_2313, %dma_start3A_2320, %dma_start3A_2321] : memref<12x32x128xf32, #tpu.memory_space<vmem>> -> memref<1x32x128xf32, #tpu.memory_space<vmem>>
        %dma_start3A_2323 = tpu.memref_squeeze %dma_start3A_2322 : memref<1x32x128xf32, #tpu.memory_space<vmem>> -> memref<32x128xf32, #tpu.memory_space<vmem>>
        %dma_start3A_2324 = arith.constant 0 : i32
        %dma_start3A_2325 = tpu.memref_slice %arg6[%dma_start3A_2324, %multiple_of3A_2312] : memref<32x1000000xf32, #tpu.memory_space<hbm>> -> memref<32x128xf32, #tpu.memory_space<hbm>>
        tpu.enqueue_dma source(%dma_start3A_2325 : memref<32x128xf32, #tpu.memory_space<hbm>>) target(%dma_start3A_2323 : memref<32x128xf32, #tpu.memory_space<vmem>>) target_semaphore(%arg25 : memref<!tpu.dma_semaphore, #tpu.memory_space<semaphore_mem>>)
        %slice3A_2326 = vector.extract_strided_slice %get3A_1905 {offsets = [2], sizes = [1], strides = [1]} : vector<16xi32> to vector<1xi32>
        %squeeze3A_2327 = vector.extract %slice3A_2326[0] : i32 from vector<1xi32>
        %jit3A_2328 = arith.constant 128 : i32
        %div3A_2329 = arith.divsi %squeeze3A_2327, %jit3A_2328 : i32
        %sign3A_2330 = arith.constant 0 : i32
        %sign3A_2331 = arith.cmpi sgt, %squeeze3A_2327, %sign3A_2330 : i32
        %sign3A_2332 = arith.extui %sign3A_2331 : i1 to i32
        %sign3A_2333 = arith.constant 0 : i32
        %sign3A_2334 = arith.cmpi slt, %squeeze3A_2327, %sign3A_2333 : i32
        %sign3A_2335 = arith.extui %sign3A_2334 : i1 to i32
        %sign3A_2336 = arith.subi %sign3A_2332, %sign3A_2335 : i32
        %sign3A_2337 = arith.constant 0 : i32
        %sign3A_2338 = arith.cmpi sgt, %jit3A_2328, %sign3A_2337 : i32
        %sign3A_2339 = arith.extui %sign3A_2338 : i1 to i32
        %sign3A_2340 = arith.constant 0 : i32
        %sign3A_2341 = arith.cmpi slt, %jit3A_2328, %sign3A_2340 : i32
        %sign3A_2342 = arith.extui %sign3A_2341 : i1 to i32
        %sign3A_2343 = arith.subi %sign3A_2339, %sign3A_2342 : i32
        %ne3A_2344 = arith.cmpi ne, %sign3A_2336, %sign3A_2343 : i32
        %rem3A_2345 = arith.remsi %squeeze3A_2327, %jit3A_2328 : i32
        %ne3A_2346 = arith.constant 0 : i32
        %ne3A_2347 = arith.cmpi ne, %rem3A_2345, %ne3A_2346 : i32
        %and3A_2348 = arith.andi %ne3A_2344, %ne3A_2347 : i1
        %sub3A_2349 = arith.constant 1 : i32
        %sub3A_2350 = arith.subi %div3A_2329, %sub3A_2349 : i32
        %select_n3A_2351 = arith.select %and3A_2348, %sub3A_2350, %div3A_2329 : i32
        %mul3A_2352 = arith.constant 128 : i32
        %mul3A_2353 = arith.muli %select_n3A_2351, %mul3A_2352 : i32
        %multiple_of3A_2354 = tpu.assume_multiple %mul3A_2353, 128 : i32
        %dma_start3A_2355 = arith.constant 10 : i32
        %dma_start3A_2356 = arith.constant 0 : i32
        %dma_start3A_2357 = arith.constant 0 : i32
        %dma_start3A_2358 = tpu.memref_slice %arg12[%dma_start3A_2355, %dma_start3A_2356, %dma_start3A_2357] : memref<12x32x128xf32, #tpu.memory_space<vmem>> -> memref<1x32x128xf32, #tpu.memory_space<vmem>>
        %dma_start3A_2359 = tpu.memref_squeeze %dma_start3A_2358 : memref<1x32x128xf32, #tpu.memory_space<vmem>> -> memref<32x128xf32, #tpu.memory_space<vmem>>
        %dma_start3A_2360 = arith.constant 0 : i32
        %dma_start3A_2361 = tpu.memref_slice %arg6[%dma_start3A_2360, %multiple_of3A_2354] : memref<32x1000000xf32, #tpu.memory_space<hbm>> -> memref<32x128xf32, #tpu.memory_space<hbm>>
        %dma_start3A_2362 = arith.constant 0 : i32
        %dma_start3A_2363 = arith.constant 0 : i32
        %dma_start3A_2364 = tpu.memref_slice %arg12[%dma_start3A_2355, %dma_start3A_2362, %dma_start3A_2363] : memref<12x32x128xf32, #tpu.memory_space<vmem>> -> memref<1x32x128xf32, #tpu.memory_space<vmem>>
        %dma_start3A_2365 = tpu.memref_squeeze %dma_start3A_2364 : memref<1x32x128xf32, #tpu.memory_space<vmem>> -> memref<32x128xf32, #tpu.memory_space<vmem>>
        %dma_start3A_2366 = arith.constant 0 : i32
        %dma_start3A_2367 = tpu.memref_slice %arg6[%dma_start3A_2366, %multiple_of3A_2354] : memref<32x1000000xf32, #tpu.memory_space<hbm>> -> memref<32x128xf32, #tpu.memory_space<hbm>>
        tpu.enqueue_dma source(%dma_start3A_2367 : memref<32x128xf32, #tpu.memory_space<hbm>>) target(%dma_start3A_2365 : memref<32x128xf32, #tpu.memory_space<vmem>>) target_semaphore(%arg26 : memref<!tpu.dma_semaphore, #tpu.memory_space<semaphore_mem>>)
        %slice3A_2368 = vector.extract_strided_slice %get3A_1905 {offsets = [3], sizes = [1], strides = [1]} : vector<16xi32> to vector<1xi32>
        %squeeze3A_2369 = vector.extract %slice3A_2368[0] : i32 from vector<1xi32>
        %jit3A_2370 = arith.constant 128 : i32
        %div3A_2371 = arith.divsi %squeeze3A_2369, %jit3A_2370 : i32
        %sign3A_2372 = arith.constant 0 : i32
        %sign3A_2373 = arith.cmpi sgt, %squeeze3A_2369, %sign3A_2372 : i32
        %sign3A_2374 = arith.extui %sign3A_2373 : i1 to i32
        %sign3A_2375 = arith.constant 0 : i32
        %sign3A_2376 = arith.cmpi slt, %squeeze3A_2369, %sign3A_2375 : i32
        %sign3A_2377 = arith.extui %sign3A_2376 : i1 to i32
        %sign3A_2378 = arith.subi %sign3A_2374, %sign3A_2377 : i32
        %sign3A_2379 = arith.constant 0 : i32
        %sign3A_2380 = arith.cmpi sgt, %jit3A_2370, %sign3A_2379 : i32
        %sign3A_2381 = arith.extui %sign3A_2380 : i1 to i32
        %sign3A_2382 = arith.constant 0 : i32
        %sign3A_2383 = arith.cmpi slt, %jit3A_2370, %sign3A_2382 : i32
        %sign3A_2384 = arith.extui %sign3A_2383 : i1 to i32
        %sign3A_2385 = arith.subi %sign3A_2381, %sign3A_2384 : i32
        %ne3A_2386 = arith.cmpi ne, %sign3A_2378, %sign3A_2385 : i32
        %rem3A_2387 = arith.remsi %squeeze3A_2369, %jit3A_2370 : i32
        %ne3A_2388 = arith.constant 0 : i32
        %ne3A_2389 = arith.cmpi ne, %rem3A_2387, %ne3A_2388 : i32
        %and3A_2390 = arith.andi %ne3A_2386, %ne3A_2389 : i1
        %sub3A_2391 = arith.constant 1 : i32
        %sub3A_2392 = arith.subi %div3A_2371, %sub3A_2391 : i32
        %select_n3A_2393 = arith.select %and3A_2390, %sub3A_2392, %div3A_2371 : i32
        %mul3A_2394 = arith.constant 128 : i32
        %mul3A_2395 = arith.muli %select_n3A_2393, %mul3A_2394 : i32
        %multiple_of3A_2396 = tpu.assume_multiple %mul3A_2395, 128 : i32
        %dma_start3A_2397 = arith.constant 11 : i32
        %dma_start3A_2398 = arith.constant 0 : i32
        %dma_start3A_2399 = arith.constant 0 : i32
        %dma_start3A_2400 = tpu.memref_slice %arg12[%dma_start3A_2397, %dma_start3A_2398, %dma_start3A_2399] : memref<12x32x128xf32, #tpu.memory_space<vmem>> -> memref<1x32x128xf32, #tpu.memory_space<vmem>>
        %dma_start3A_2401 = tpu.memref_squeeze %dma_start3A_2400 : memref<1x32x128xf32, #tpu.memory_space<vmem>> -> memref<32x128xf32, #tpu.memory_space<vmem>>
        %dma_start3A_2402 = arith.constant 0 : i32
        %dma_start3A_2403 = tpu.memref_slice %arg6[%dma_start3A_2402, %multiple_of3A_2396] : memref<32x1000000xf32, #tpu.memory_space<hbm>> -> memref<32x128xf32, #tpu.memory_space<hbm>>
        %dma_start3A_2404 = arith.constant 0 : i32
        %dma_start3A_2405 = arith.constant 0 : i32
        %dma_start3A_2406 = tpu.memref_slice %arg12[%dma_start3A_2397, %dma_start3A_2404, %dma_start3A_2405] : memref<12x32x128xf32, #tpu.memory_space<vmem>> -> memref<1x32x128xf32, #tpu.memory_space<vmem>>
        %dma_start3A_2407 = tpu.memref_squeeze %dma_start3A_2406 : memref<1x32x128xf32, #tpu.memory_space<vmem>> -> memref<32x128xf32, #tpu.memory_space<vmem>>
        %dma_start3A_2408 = arith.constant 0 : i32
        %dma_start3A_2409 = tpu.memref_slice %arg6[%dma_start3A_2408, %multiple_of3A_2396] : memref<32x1000000xf32, #tpu.memory_space<hbm>> -> memref<32x128xf32, #tpu.memory_space<hbm>>
        tpu.enqueue_dma source(%dma_start3A_2409 : memref<32x128xf32, #tpu.memory_space<hbm>>) target(%dma_start3A_2407 : memref<32x128xf32, #tpu.memory_space<vmem>>) target_semaphore(%arg27 : memref<!tpu.dma_semaphore, #tpu.memory_space<semaphore_mem>>)
      } else {
      }
      %dma_wait3A_1464 = arith.constant 0 : i32
      %dma_wait3A_1465 = arith.constant 0 : i32
      %dma_wait3A_1466 = arith.constant 0 : i32
      %dma_wait3A_1467 = tpu.memref_slice %arg13[%dma_wait3A_1464, %dma_wait3A_1465, %dma_wait3A_1466] : memref<12x32x128xf32, #tpu.memory_space<vmem>> -> memref<1x32x128xf32, #tpu.memory_space<vmem>>
      %dma_wait3A_1468 = tpu.memref_squeeze %dma_wait3A_1467 : memref<1x32x128xf32, #tpu.memory_space<vmem>> -> memref<32x128xf32, #tpu.memory_space<vmem>>
      %dma_wait3A_1469 = arith.constant 0 : i32
      %dma_wait3A_1470 = arith.constant 0 : i32
      %dma_wait3A_1471 = tpu.memref_slice %arg5[%dma_wait3A_1469, %dma_wait3A_1470] : memref<32x1000000xf32, #tpu.memory_space<hbm>> -> memref<32x128xf32, #tpu.memory_space<hbm>>
      %dma_wait3A_1472 = arith.constant 0 : i32
      %dma_wait3A_1473 = arith.constant 0 : i32
      %dma_wait3A_1474 = tpu.memref_slice %arg13[%dma_wait3A_1464, %dma_wait3A_1472, %dma_wait3A_1473] : memref<12x32x128xf32, #tpu.memory_space<vmem>> -> memref<1x32x128xf32, #tpu.memory_space<vmem>>
      %dma_wait3A_1475 = tpu.memref_squeeze %dma_wait3A_1474 : memref<1x32x128xf32, #tpu.memory_space<vmem>> -> memref<32x128xf32, #tpu.memory_space<vmem>>
      %dma_wait3A_1476 = arith.constant 0 : i32
      %dma_wait3A_1477 = arith.constant 0 : i32
      %dma_wait3A_1478 = tpu.memref_slice %arg5[%dma_wait3A_1476, %dma_wait3A_1477] : memref<32x1000000xf32, #tpu.memory_space<hbm>> -> memref<32x128xf32, #tpu.memory_space<hbm>>
      tpu.wait_dma2 semaphore(%arg28 : memref<!tpu.dma_semaphore, #tpu.memory_space<semaphore_mem>>) src(%dma_wait3A_1478 : memref<32x128xf32, #tpu.memory_space<hbm>>) dst(%dma_wait3A_1475 : memref<32x128xf32, #tpu.memory_space<vmem>>)
      %dma_wait3A_1479 = arith.constant 1 : i32
      %dma_wait3A_1480 = arith.constant 0 : i32
      %dma_wait3A_1481 = arith.constant 0 : i32
      %dma_wait3A_1482 = tpu.memref_slice %arg13[%dma_wait3A_1479, %dma_wait3A_1480, %dma_wait3A_1481] : memref<12x32x128xf32, #tpu.memory_space<vmem>> -> memref<1x32x128xf32, #tpu.memory_space<vmem>>
      %dma_wait3A_1483 = tpu.memref_squeeze %dma_wait3A_1482 : memref<1x32x128xf32, #tpu.memory_space<vmem>> -> memref<32x128xf32, #tpu.memory_space<vmem>>
      %dma_wait3A_1484 = arith.constant 0 : i32
      %dma_wait3A_1485 = arith.constant 0 : i32
      %dma_wait3A_1486 = tpu.memref_slice %arg5[%dma_wait3A_1484, %dma_wait3A_1485] : memref<32x1000000xf32, #tpu.memory_space<hbm>> -> memref<32x128xf32, #tpu.memory_space<hbm>>
      %dma_wait3A_1487 = arith.constant 0 : i32
      %dma_wait3A_1488 = arith.constant 0 : i32
      %dma_wait3A_1489 = tpu.memref_slice %arg13[%dma_wait3A_1479, %dma_wait3A_1487, %dma_wait3A_1488] : memref<12x32x128xf32, #tpu.memory_space<vmem>> -> memref<1x32x128xf32, #tpu.memory_space<vmem>>
      %dma_wait3A_1490 = tpu.memref_squeeze %dma_wait3A_1489 : memref<1x32x128xf32, #tpu.memory_space<vmem>> -> memref<32x128xf32, #tpu.memory_space<vmem>>
      %dma_wait3A_1491 = arith.constant 0 : i32
      %dma_wait3A_1492 = arith.constant 0 : i32
      %dma_wait3A_1493 = tpu.memref_slice %arg5[%dma_wait3A_1491, %dma_wait3A_1492] : memref<32x1000000xf32, #tpu.memory_space<hbm>> -> memref<32x128xf32, #tpu.memory_space<hbm>>
      tpu.wait_dma2 semaphore(%arg29 : memref<!tpu.dma_semaphore, #tpu.memory_space<semaphore_mem>>) src(%dma_wait3A_1493 : memref<32x128xf32, #tpu.memory_space<hbm>>) dst(%dma_wait3A_1490 : memref<32x128xf32, #tpu.memory_space<vmem>>)
      %dma_wait3A_1494 = arith.constant 2 : i32
      %dma_wait3A_1495 = arith.constant 0 : i32
      %dma_wait3A_1496 = arith.constant 0 : i32
      %dma_wait3A_1497 = tpu.memref_slice %arg13[%dma_wait3A_1494, %dma_wait3A_1495, %dma_wait3A_1496] : memref<12x32x128xf32, #tpu.memory_space<vmem>> -> memref<1x32x128xf32, #tpu.memory_space<vmem>>
      %dma_wait3A_1498 = tpu.memref_squeeze %dma_wait3A_1497 : memref<1x32x128xf32, #tpu.memory_space<vmem>> -> memref<32x128xf32, #tpu.memory_space<vmem>>
      %dma_wait3A_1499 = arith.constant 0 : i32
      %dma_wait3A_1500 = arith.constant 0 : i32
      %dma_wait3A_1501 = tpu.memref_slice %arg5[%dma_wait3A_1499, %dma_wait3A_1500] : memref<32x1000000xf32, #tpu.memory_space<hbm>> -> memref<32x128xf32, #tpu.memory_space<hbm>>
      %dma_wait3A_1502 = arith.constant 0 : i32
      %dma_wait3A_1503 = arith.constant 0 : i32
      %dma_wait3A_1504 = tpu.memref_slice %arg13[%dma_wait3A_1494, %dma_wait3A_1502, %dma_wait3A_1503] : memref<12x32x128xf32, #tpu.memory_space<vmem>> -> memref<1x32x128xf32, #tpu.memory_space<vmem>>
      %dma_wait3A_1505 = tpu.memref_squeeze %dma_wait3A_1504 : memref<1x32x128xf32, #tpu.memory_space<vmem>> -> memref<32x128xf32, #tpu.memory_space<vmem>>
      %dma_wait3A_1506 = arith.constant 0 : i32
      %dma_wait3A_1507 = arith.constant 0 : i32
      %dma_wait3A_1508 = tpu.memref_slice %arg5[%dma_wait3A_1506, %dma_wait3A_1507] : memref<32x1000000xf32, #tpu.memory_space<hbm>> -> memref<32x128xf32, #tpu.memory_space<hbm>>
      tpu.wait_dma2 semaphore(%arg30 : memref<!tpu.dma_semaphore, #tpu.memory_space<semaphore_mem>>) src(%dma_wait3A_1508 : memref<32x128xf32, #tpu.memory_space<hbm>>) dst(%dma_wait3A_1505 : memref<32x128xf32, #tpu.memory_space<vmem>>)
      %dma_wait3A_1509 = arith.constant 3 : i32
      %dma_wait3A_1510 = arith.constant 0 : i32
      %dma_wait3A_1511 = arith.constant 0 : i32
      %dma_wait3A_1512 = tpu.memref_slice %arg13[%dma_wait3A_1509, %dma_wait3A_1510, %dma_wait3A_1511] : memref<12x32x128xf32, #tpu.memory_space<vmem>> -> memref<1x32x128xf32, #tpu.memory_space<vmem>>
      %dma_wait3A_1513 = tpu.memref_squeeze %dma_wait3A_1512 : memref<1x32x128xf32, #tpu.memory_space<vmem>> -> memref<32x128xf32, #tpu.memory_space<vmem>>
      %dma_wait3A_1514 = arith.constant 0 : i32
      %dma_wait3A_1515 = arith.constant 0 : i32
      %dma_wait3A_1516 = tpu.memref_slice %arg5[%dma_wait3A_1514, %dma_wait3A_1515] : memref<32x1000000xf32, #tpu.memory_space<hbm>> -> memref<32x128xf32, #tpu.memory_space<hbm>>
      %dma_wait3A_1517 = arith.constant 0 : i32
      %dma_wait3A_1518 = arith.constant 0 : i32
      %dma_wait3A_1519 = tpu.memref_slice %arg13[%dma_wait3A_1509, %dma_wait3A_1517, %dma_wait3A_1518] : memref<12x32x128xf32, #tpu.memory_space<vmem>> -> memref<1x32x128xf32, #tpu.memory_space<vmem>>
      %dma_wait3A_1520 = tpu.memref_squeeze %dma_wait3A_1519 : memref<1x32x128xf32, #tpu.memory_space<vmem>> -> memref<32x128xf32, #tpu.memory_space<vmem>>
      %dma_wait3A_1521 = arith.constant 0 : i32
      %dma_wait3A_1522 = arith.constant 0 : i32
      %dma_wait3A_1523 = tpu.memref_slice %arg5[%dma_wait3A_1521, %dma_wait3A_1522] : memref<32x1000000xf32, #tpu.memory_space<hbm>> -> memref<32x128xf32, #tpu.memory_space<hbm>>
      tpu.wait_dma2 semaphore(%arg31 : memref<!tpu.dma_semaphore, #tpu.memory_space<semaphore_mem>>) src(%dma_wait3A_1523 : memref<32x128xf32, #tpu.memory_space<hbm>>) dst(%dma_wait3A_1520 : memref<32x128xf32, #tpu.memory_space<vmem>>)
      %dma_wait3A_1524 = arith.constant 4 : i32
      %dma_wait3A_1525 = arith.constant 0 : i32
      %dma_wait3A_1526 = arith.constant 0 : i32
      %dma_wait3A_1527 = tpu.memref_slice %arg13[%dma_wait3A_1524, %dma_wait3A_1525, %dma_wait3A_1526] : memref<12x32x128xf32, #tpu.memory_space<vmem>> -> memref<1x32x128xf32, #tpu.memory_space<vmem>>
      %dma_wait3A_1528 = tpu.memref_squeeze %dma_wait3A_1527 : memref<1x32x128xf32, #tpu.memory_space<vmem>> -> memref<32x128xf32, #tpu.memory_space<vmem>>
      %dma_wait3A_1529 = arith.constant 0 : i32
      %dma_wait3A_1530 = arith.constant 0 : i32
      %dma_wait3A_1531 = tpu.memref_slice %arg5[%dma_wait3A_1529, %dma_wait3A_1530] : memref<32x1000000xf32, #tpu.memory_space<hbm>> -> memref<32x128xf32, #tpu.memory_space<hbm>>
      %dma_wait3A_1532 = arith.constant 0 : i32
      %dma_wait3A_1533 = arith.constant 0 : i32
      %dma_wait3A_1534 = tpu.memref_slice %arg13[%dma_wait3A_1524, %dma_wait3A_1532, %dma_wait3A_1533] : memref<12x32x128xf32, #tpu.memory_space<vmem>> -> memref<1x32x128xf32, #tpu.memory_space<vmem>>
      %dma_wait3A_1535 = tpu.memref_squeeze %dma_wait3A_1534 : memref<1x32x128xf32, #tpu.memory_space<vmem>> -> memref<32x128xf32, #tpu.memory_space<vmem>>
      %dma_wait3A_1536 = arith.constant 0 : i32
      %dma_wait3A_1537 = arith.constant 0 : i32
      %dma_wait3A_1538 = tpu.memref_slice %arg5[%dma_wait3A_1536, %dma_wait3A_1537] : memref<32x1000000xf32, #tpu.memory_space<hbm>> -> memref<32x128xf32, #tpu.memory_space<hbm>>
      tpu.wait_dma2 semaphore(%arg32 : memref<!tpu.dma_semaphore, #tpu.memory_space<semaphore_mem>>) src(%dma_wait3A_1538 : memref<32x128xf32, #tpu.memory_space<hbm>>) dst(%dma_wait3A_1535 : memref<32x128xf32, #tpu.memory_space<vmem>>)
      %dma_wait3A_1539 = arith.constant 5 : i32
      %dma_wait3A_1540 = arith.constant 0 : i32
      %dma_wait3A_1541 = arith.constant 0 : i32
      %dma_wait3A_1542 = tpu.memref_slice %arg13[%dma_wait3A_1539, %dma_wait3A_1540, %dma_wait3A_1541] : memref<12x32x128xf32, #tpu.memory_space<vmem>> -> memref<1x32x128xf32, #tpu.memory_space<vmem>>
      %dma_wait3A_1543 = tpu.memref_squeeze %dma_wait3A_1542 : memref<1x32x128xf32, #tpu.memory_space<vmem>> -> memref<32x128xf32, #tpu.memory_space<vmem>>
      %dma_wait3A_1544 = arith.constant 0 : i32
      %dma_wait3A_1545 = arith.constant 0 : i32
      %dma_wait3A_1546 = tpu.memref_slice %arg5[%dma_wait3A_1544, %dma_wait3A_1545] : memref<32x1000000xf32, #tpu.memory_space<hbm>> -> memref<32x128xf32, #tpu.memory_space<hbm>>
      %dma_wait3A_1547 = arith.constant 0 : i32
      %dma_wait3A_1548 = arith.constant 0 : i32
      %dma_wait3A_1549 = tpu.memref_slice %arg13[%dma_wait3A_1539, %dma_wait3A_1547, %dma_wait3A_1548] : memref<12x32x128xf32, #tpu.memory_space<vmem>> -> memref<1x32x128xf32, #tpu.memory_space<vmem>>
      %dma_wait3A_1550 = tpu.memref_squeeze %dma_wait3A_1549 : memref<1x32x128xf32, #tpu.memory_space<vmem>> -> memref<32x128xf32, #tpu.memory_space<vmem>>
      %dma_wait3A_1551 = arith.constant 0 : i32
      %dma_wait3A_1552 = arith.constant 0 : i32
      %dma_wait3A_1553 = tpu.memref_slice %arg5[%dma_wait3A_1551, %dma_wait3A_1552] : memref<32x1000000xf32, #tpu.memory_space<hbm>> -> memref<32x128xf32, #tpu.memory_space<hbm>>
      tpu.wait_dma2 semaphore(%arg33 : memref<!tpu.dma_semaphore, #tpu.memory_space<semaphore_mem>>) src(%dma_wait3A_1553 : memref<32x128xf32, #tpu.memory_space<hbm>>) dst(%dma_wait3A_1550 : memref<32x128xf32, #tpu.memory_space<vmem>>)
      %dma_wait3A_1554 = arith.constant 6 : i32
      %dma_wait3A_1555 = arith.constant 0 : i32
      %dma_wait3A_1556 = arith.constant 0 : i32
      %dma_wait3A_1557 = tpu.memref_slice %arg13[%dma_wait3A_1554, %dma_wait3A_1555, %dma_wait3A_1556] : memref<12x32x128xf32, #tpu.memory_space<vmem>> -> memref<1x32x128xf32, #tpu.memory_space<vmem>>
      %dma_wait3A_1558 = tpu.memref_squeeze %dma_wait3A_1557 : memref<1x32x128xf32, #tpu.memory_space<vmem>> -> memref<32x128xf32, #tpu.memory_space<vmem>>
      %dma_wait3A_1559 = arith.constant 0 : i32
      %dma_wait3A_1560 = arith.constant 0 : i32
      %dma_wait3A_1561 = tpu.memref_slice %arg5[%dma_wait3A_1559, %dma_wait3A_1560] : memref<32x1000000xf32, #tpu.memory_space<hbm>> -> memref<32x128xf32, #tpu.memory_space<hbm>>
      %dma_wait3A_1562 = arith.constant 0 : i32
      %dma_wait3A_1563 = arith.constant 0 : i32
      %dma_wait3A_1564 = tpu.memref_slice %arg13[%dma_wait3A_1554, %dma_wait3A_1562, %dma_wait3A_1563] : memref<12x32x128xf32, #tpu.memory_space<vmem>> -> memref<1x32x128xf32, #tpu.memory_space<vmem>>
      %dma_wait3A_1565 = tpu.memref_squeeze %dma_wait3A_1564 : memref<1x32x128xf32, #tpu.memory_space<vmem>> -> memref<32x128xf32, #tpu.memory_space<vmem>>
      %dma_wait3A_1566 = arith.constant 0 : i32
      %dma_wait3A_1567 = arith.constant 0 : i32
      %dma_wait3A_1568 = tpu.memref_slice %arg5[%dma_wait3A_1566, %dma_wait3A_1567] : memref<32x1000000xf32, #tpu.memory_space<hbm>> -> memref<32x128xf32, #tpu.memory_space<hbm>>
      tpu.wait_dma2 semaphore(%arg34 : memref<!tpu.dma_semaphore, #tpu.memory_space<semaphore_mem>>) src(%dma_wait3A_1568 : memref<32x128xf32, #tpu.memory_space<hbm>>) dst(%dma_wait3A_1565 : memref<32x128xf32, #tpu.memory_space<vmem>>)
      %dma_wait3A_1569 = arith.constant 7 : i32
      %dma_wait3A_1570 = arith.constant 0 : i32
      %dma_wait3A_1571 = arith.constant 0 : i32
      %dma_wait3A_1572 = tpu.memref_slice %arg13[%dma_wait3A_1569, %dma_wait3A_1570, %dma_wait3A_1571] : memref<12x32x128xf32, #tpu.memory_space<vmem>> -> memref<1x32x128xf32, #tpu.memory_space<vmem>>
      %dma_wait3A_1573 = tpu.memref_squeeze %dma_wait3A_1572 : memref<1x32x128xf32, #tpu.memory_space<vmem>> -> memref<32x128xf32, #tpu.memory_space<vmem>>
      %dma_wait3A_1574 = arith.constant 0 : i32
      %dma_wait3A_1575 = arith.constant 0 : i32
      %dma_wait3A_1576 = tpu.memref_slice %arg5[%dma_wait3A_1574, %dma_wait3A_1575] : memref<32x1000000xf32, #tpu.memory_space<hbm>> -> memref<32x128xf32, #tpu.memory_space<hbm>>
      %dma_wait3A_1577 = arith.constant 0 : i32
      %dma_wait3A_1578 = arith.constant 0 : i32
      %dma_wait3A_1579 = tpu.memref_slice %arg13[%dma_wait3A_1569, %dma_wait3A_1577, %dma_wait3A_1578] : memref<12x32x128xf32, #tpu.memory_space<vmem>> -> memref<1x32x128xf32, #tpu.memory_space<vmem>>
      %dma_wait3A_1580 = tpu.memref_squeeze %dma_wait3A_1579 : memref<1x32x128xf32, #tpu.memory_space<vmem>> -> memref<32x128xf32, #tpu.memory_space<vmem>>
      %dma_wait3A_1581 = arith.constant 0 : i32
      %dma_wait3A_1582 = arith.constant 0 : i32
      %dma_wait3A_1583 = tpu.memref_slice %arg5[%dma_wait3A_1581, %dma_wait3A_1582] : memref<32x1000000xf32, #tpu.memory_space<hbm>> -> memref<32x128xf32, #tpu.memory_space<hbm>>
      tpu.wait_dma2 semaphore(%arg35 : memref<!tpu.dma_semaphore, #tpu.memory_space<semaphore_mem>>) src(%dma_wait3A_1583 : memref<32x128xf32, #tpu.memory_space<hbm>>) dst(%dma_wait3A_1580 : memref<32x128xf32, #tpu.memory_space<vmem>>)
      %dma_wait3A_1584 = arith.constant 8 : i32
      %dma_wait3A_1585 = arith.constant 0 : i32
      %dma_wait3A_1586 = arith.constant 0 : i32
      %dma_wait3A_1587 = tpu.memref_slice %arg13[%dma_wait3A_1584, %dma_wait3A_1585, %dma_wait3A_1586] : memref<12x32x128xf32, #tpu.memory_space<vmem>> -> memref<1x32x128xf32, #tpu.memory_space<vmem>>
      %dma_wait3A_1588 = tpu.memref_squeeze %dma_wait3A_1587 : memref<1x32x128xf32, #tpu.memory_space<vmem>> -> memref<32x128xf32, #tpu.memory_space<vmem>>
      %dma_wait3A_1589 = arith.constant 0 : i32
      %dma_wait3A_1590 = arith.constant 0 : i32
      %dma_wait3A_1591 = tpu.memref_slice %arg5[%dma_wait3A_1589, %dma_wait3A_1590] : memref<32x1000000xf32, #tpu.memory_space<hbm>> -> memref<32x128xf32, #tpu.memory_space<hbm>>
      %dma_wait3A_1592 = arith.constant 0 : i32
      %dma_wait3A_1593 = arith.constant 0 : i32
      %dma_wait3A_1594 = tpu.memref_slice %arg13[%dma_wait3A_1584, %dma_wait3A_1592, %dma_wait3A_1593] : memref<12x32x128xf32, #tpu.memory_space<vmem>> -> memref<1x32x128xf32, #tpu.memory_space<vmem>>
      %dma_wait3A_1595 = tpu.memref_squeeze %dma_wait3A_1594 : memref<1x32x128xf32, #tpu.memory_space<vmem>> -> memref<32x128xf32, #tpu.memory_space<vmem>>
      %dma_wait3A_1596 = arith.constant 0 : i32
      %dma_wait3A_1597 = arith.constant 0 : i32
      %dma_wait3A_1598 = tpu.memref_slice %arg5[%dma_wait3A_1596, %dma_wait3A_1597] : memref<32x1000000xf32, #tpu.memory_space<hbm>> -> memref<32x128xf32, #tpu.memory_space<hbm>>
      tpu.wait_dma2 semaphore(%arg36 : memref<!tpu.dma_semaphore, #tpu.memory_space<semaphore_mem>>) src(%dma_wait3A_1598 : memref<32x128xf32, #tpu.memory_space<hbm>>) dst(%dma_wait3A_1595 : memref<32x128xf32, #tpu.memory_space<vmem>>)
      %dma_wait3A_1599 = arith.constant 9 : i32
      %dma_wait3A_1600 = arith.constant 0 : i32
      %dma_wait3A_1601 = arith.constant 0 : i32
      %dma_wait3A_1602 = tpu.memref_slice %arg13[%dma_wait3A_1599, %dma_wait3A_1600, %dma_wait3A_1601] : memref<12x32x128xf32, #tpu.memory_space<vmem>> -> memref<1x32x128xf32, #tpu.memory_space<vmem>>
      %dma_wait3A_1603 = tpu.memref_squeeze %dma_wait3A_1602 : memref<1x32x128xf32, #tpu.memory_space<vmem>> -> memref<32x128xf32, #tpu.memory_space<vmem>>
      %dma_wait3A_1604 = arith.constant 0 : i32
      %dma_wait3A_1605 = arith.constant 0 : i32
      %dma_wait3A_1606 = tpu.memref_slice %arg5[%dma_wait3A_1604, %dma_wait3A_1605] : memref<32x1000000xf32, #tpu.memory_space<hbm>> -> memref<32x128xf32, #tpu.memory_space<hbm>>
      %dma_wait3A_1607 = arith.constant 0 : i32
      %dma_wait3A_1608 = arith.constant 0 : i32
      %dma_wait3A_1609 = tpu.memref_slice %arg13[%dma_wait3A_1599, %dma_wait3A_1607, %dma_wait3A_1608] : memref<12x32x128xf32, #tpu.memory_space<vmem>> -> memref<1x32x128xf32, #tpu.memory_space<vmem>>
      %dma_wait3A_1610 = tpu.memref_squeeze %dma_wait3A_1609 : memref<1x32x128xf32, #tpu.memory_space<vmem>> -> memref<32x128xf32, #tpu.memory_space<vmem>>
      %dma_wait3A_1611 = arith.constant 0 : i32
      %dma_wait3A_1612 = arith.constant 0 : i32
      %dma_wait3A_1613 = tpu.memref_slice %arg5[%dma_wait3A_1611, %dma_wait3A_1612] : memref<32x1000000xf32, #tpu.memory_space<hbm>> -> memref<32x128xf32, #tpu.memory_space<hbm>>
      tpu.wait_dma2 semaphore(%arg37 : memref<!tpu.dma_semaphore, #tpu.memory_space<semaphore_mem>>) src(%dma_wait3A_1613 : memref<32x128xf32, #tpu.memory_space<hbm>>) dst(%dma_wait3A_1610 : memref<32x128xf32, #tpu.memory_space<vmem>>)
      %dma_wait3A_1614 = arith.constant 10 : i32
      %dma_wait3A_1615 = arith.constant 0 : i32
      %dma_wait3A_1616 = arith.constant 0 : i32
      %dma_wait3A_1617 = tpu.memref_slice %arg13[%dma_wait3A_1614, %dma_wait3A_1615, %dma_wait3A_1616] : memref<12x32x128xf32, #tpu.memory_space<vmem>> -> memref<1x32x128xf32, #tpu.memory_space<vmem>>
      %dma_wait3A_1618 = tpu.memref_squeeze %dma_wait3A_1617 : memref<1x32x128xf32, #tpu.memory_space<vmem>> -> memref<32x128xf32, #tpu.memory_space<vmem>>
      %dma_wait3A_1619 = arith.constant 0 : i32
      %dma_wait3A_1620 = arith.constant 0 : i32
      %dma_wait3A_1621 = tpu.memref_slice %arg5[%dma_wait3A_1619, %dma_wait3A_1620] : memref<32x1000000xf32, #tpu.memory_space<hbm>> -> memref<32x128xf32, #tpu.memory_space<hbm>>
      %dma_wait3A_1622 = arith.constant 0 : i32
      %dma_wait3A_1623 = arith.constant 0 : i32
      %dma_wait3A_1624 = tpu.memref_slice %arg13[%dma_wait3A_1614, %dma_wait3A_1622, %dma_wait3A_1623] : memref<12x32x128xf32, #tpu.memory_space<vmem>> -> memref<1x32x128xf32, #tpu.memory_space<vmem>>
      %dma_wait3A_1625 = tpu.memref_squeeze %dma_wait3A_1624 : memref<1x32x128xf32, #tpu.memory_space<vmem>> -> memref<32x128xf32, #tpu.memory_space<vmem>>
      %dma_wait3A_1626 = arith.constant 0 : i32
      %dma_wait3A_1627 = arith.constant 0 : i32
      %dma_wait3A_1628 = tpu.memref_slice %arg5[%dma_wait3A_1626, %dma_wait3A_1627] : memref<32x1000000xf32, #tpu.memory_space<hbm>> -> memref<32x128xf32, #tpu.memory_space<hbm>>
      tpu.wait_dma2 semaphore(%arg38 : memref<!tpu.dma_semaphore, #tpu.memory_space<semaphore_mem>>) src(%dma_wait3A_1628 : memref<32x128xf32, #tpu.memory_space<hbm>>) dst(%dma_wait3A_1625 : memref<32x128xf32, #tpu.memory_space<vmem>>)
      %dma_wait3A_1629 = arith.constant 11 : i32
      %dma_wait3A_1630 = arith.constant 0 : i32
      %dma_wait3A_1631 = arith.constant 0 : i32
      %dma_wait3A_1632 = tpu.memref_slice %arg13[%dma_wait3A_1629, %dma_wait3A_1630, %dma_wait3A_1631] : memref<12x32x128xf32, #tpu.memory_space<vmem>> -> memref<1x32x128xf32, #tpu.memory_space<vmem>>
      %dma_wait3A_1633 = tpu.memref_squeeze %dma_wait3A_1632 : memref<1x32x128xf32, #tpu.memory_space<vmem>> -> memref<32x128xf32, #tpu.memory_space<vmem>>
      %dma_wait3A_1634 = arith.constant 0 : i32
      %dma_wait3A_1635 = arith.constant 0 : i32
      %dma_wait3A_1636 = tpu.memref_slice %arg5[%dma_wait3A_1634, %dma_wait3A_1635] : memref<32x1000000xf32, #tpu.memory_space<hbm>> -> memref<32x128xf32, #tpu.memory_space<hbm>>
      %dma_wait3A_1637 = arith.constant 0 : i32
      %dma_wait3A_1638 = arith.constant 0 : i32
      %dma_wait3A_1639 = tpu.memref_slice %arg13[%dma_wait3A_1629, %dma_wait3A_1637, %dma_wait3A_1638] : memref<12x32x128xf32, #tpu.memory_space<vmem>> -> memref<1x32x128xf32, #tpu.memory_space<vmem>>
      %dma_wait3A_1640 = tpu.memref_squeeze %dma_wait3A_1639 : memref<1x32x128xf32, #tpu.memory_space<vmem>> -> memref<32x128xf32, #tpu.memory_space<vmem>>
      %dma_wait3A_1641 = arith.constant 0 : i32
      %dma_wait3A_1642 = arith.constant 0 : i32
      %dma_wait3A_1643 = tpu.memref_slice %arg5[%dma_wait3A_1641, %dma_wait3A_1642] : memref<32x1000000xf32, #tpu.memory_space<hbm>> -> memref<32x128xf32, #tpu.memory_space<hbm>>
      tpu.wait_dma2 semaphore(%arg39 : memref<!tpu.dma_semaphore, #tpu.memory_space<semaphore_mem>>) src(%dma_wait3A_1643 : memref<32x128xf32, #tpu.memory_space<hbm>>) dst(%dma_wait3A_1640 : memref<32x128xf32, #tpu.memory_space<vmem>>)
      %add3A_1644 = arith.constant 1 : i32
      %add3A_1645 = arith.addi %mul3A_519, %add3A_1644 : i32
      %mul3A_1646 = arith.constant 4 : i32
      %mul3A_1647 = arith.muli %add3A_1645, %mul3A_1646 : i32
      %get3A_1648 = arith.index_cast %mul3A_1647 : i32 to index
      %get3A_1649 = tpu.vector_load %arg9[%get3A_1648] {strides = array<i32>} : memref<528xi32, #tpu.memory_space<vmem>>, vector<16xi32>,
      %mul3A_1650 = arith.constant 4 : i32
      %mul3A_1651 = arith.muli %add3A_1645, %mul3A_1650 : i32
      %get3A_1652 = arith.index_cast %mul3A_1651 : i32 to index
      %get3A_1653 = tpu.vector_load %arg10[%get3A_1652] {strides = array<i32>} : memref<528xi32, #tpu.memory_space<vmem>>, vector<16xi32>,
      %mul3A_1654 = arith.constant 4 : i32
      %mul3A_1655 = arith.muli %add3A_1645, %mul3A_1654 : i32
      %get3A_1656 = arith.index_cast %mul3A_1655 : i32 to index
      %get3A_1657 = tpu.vector_load %arg11[%get3A_1656] {strides = array<i32>} : memref<528xi32, #tpu.memory_space<vmem>>, vector<16xi32>,
      %slice3A_1658 = vector.extract_strided_slice %get3A_1649 {offsets = [0], sizes = [1], strides = [1]} : vector<16xi32> to vector<1xi32>
      %squeeze3A_1659 = vector.extract %slice3A_1658[0] : i32 from vector<1xi32>
      %rem3A_1660 = arith.constant 128 : i32
      %rem3A_1661 = arith.remsi %squeeze3A_1659, %rem3A_1660 : i32
      %broadcast_in_dim3A_1662 = vector.broadcast %rem3A_1661 : i32 to vector<16xi32>
      %broadcast_in_dim3A_1663 = arith.constant 0 : i32
      %broadcast_in_dim3A_1664 = vector.broadcast %broadcast_in_dim3A_1663 : i32 to vector<16xi32>
      %gather3A_1665 = tpu.vector_load_idx %arg13[%broadcast_in_dim3A_1664, %iota3A, %broadcast_in_dim3A_1662] : memref<12x32x128xf32, #tpu.memory_space<vmem>>[vector<16xi32>, vector<16xi32>, vector<16xi32>], vector<16xf32>,
      %gather3A_1666 = tpu.vector_load_idx %arg13[%broadcast_in_dim3A_1664, %add3A_9, %broadcast_in_dim3A_1662] : memref<12x32x128xf32, #tpu.memory_space<vmem>>[vector<16xi32>, vector<16xi32>, vector<16xi32>], vector<16xf32>,
      %slice3A_1667 = vector.extract_strided_slice %get3A_1653 {offsets = [0], sizes = [1], strides = [1]} : vector<16xi32> to vector<1xi32>
      %squeeze3A_1668 = vector.extract %slice3A_1667[0] : i32 from vector<1xi32>
      %rem3A_1669 = arith.constant 128 : i32
      %rem3A_1670 = arith.remsi %squeeze3A_1668, %rem3A_1669 : i32
      %broadcast_in_dim3A_1671 = vector.broadcast %rem3A_1670 : i32 to vector<16xi32>
      %broadcast_in_dim3A_1672 = arith.constant 4 : i32
      %broadcast_in_dim3A_1673 = vector.broadcast %broadcast_in_dim3A_1672 : i32 to vector<16xi32>
      %gather3A_1674 = tpu.vector_load_idx %arg13[%broadcast_in_dim3A_1673, %iota3A, %broadcast_in_dim3A_1671] : memref<12x32x128xf32, #tpu.memory_space<vmem>>[vector<16xi32>, vector<16xi32>, vector<16xi32>], vector<16xf32>,
      %gather3A_1675 = tpu.vector_load_idx %arg13[%broadcast_in_dim3A_1673, %add3A_9, %broadcast_in_dim3A_1671] : memref<12x32x128xf32, #tpu.memory_space<vmem>>[vector<16xi32>, vector<16xi32>, vector<16xi32>], vector<16xf32>,
      %slice3A_1676 = vector.extract_strided_slice %get3A_1657 {offsets = [0], sizes = [1], strides = [1]} : vector<16xi32> to vector<1xi32>
      %squeeze3A_1677 = vector.extract %slice3A_1676[0] : i32 from vector<1xi32>
      %rem3A_1678 = arith.constant 128 : i32
      %rem3A_1679 = arith.remsi %squeeze3A_1677, %rem3A_1678 : i32
      %broadcast_in_dim3A_1680 = vector.broadcast %rem3A_1679 : i32 to vector<16xi32>
      %broadcast_in_dim3A_1681 = arith.constant 8 : i32
      %broadcast_in_dim3A_1682 = vector.broadcast %broadcast_in_dim3A_1681 : i32 to vector<16xi32>
      %gather3A_1683 = tpu.vector_load_idx %arg13[%broadcast_in_dim3A_1682, %iota3A, %broadcast_in_dim3A_1680] : memref<12x32x128xf32, #tpu.memory_space<vmem>>[vector<16xi32>, vector<16xi32>, vector<16xi32>], vector<16xf32>,
      %gather3A_1684 = tpu.vector_load_idx %arg13[%broadcast_in_dim3A_1682, %add3A_9, %broadcast_in_dim3A_1680] : memref<12x32x128xf32, #tpu.memory_space<vmem>>[vector<16xi32>, vector<16xi32>, vector<16xi32>], vector<16xf32>,
      %rem3A_1685 = arith.constant 4 : i32
      %rem3A_1686 = arith.remsi %add3A_1645, %rem3A_1685 : i32
      %mul3A_1687 = arith.constant 4 : i32
      %mul3A_1688 = arith.muli %rem3A_1686, %mul3A_1687 : i32
      %add3A_1689 = arith.constant 0 : i32
      %add3A_1690 = arith.addi %mul3A_1688, %add3A_1689 : i32
      %eq3A_1691 = vector.broadcast %add3A_1690 : i32 to vector<16xi32>
      %eq3A_1692 = arith.cmpi eq, %iota3A, %eq3A_1691 : vector<16xi32>
      %mul3A_1693 = arith.mulf %gather3A_1665, %gather3A_1674 : vector<16xf32>
      %mul3A_1694 = arith.mulf %gather3A_1666, %gather3A_1675 : vector<16xf32>
      %add3A_1695 = arith.addf %mul3A_1693, %mul3A_1694 : vector<16xf32>
      %reduce_sum3A_1696 = arith.constant true
      %reduce_sum3A_1697 = vector.broadcast %reduce_sum3A_1696 : i1 to vector<16xi1>
      %reduce_sum3A_1698 = tpu.scan <sum>, %add3A_1695 masked %reduce_sum3A_1697 : vector<16xf32>, vector<16xi1> -> vector<16xf32>
      %reduce_sum3A_1699 = vector.extract %reduce_sum3A_1698[15] : f32 from vector<16xf32>
      %broadcast_in_dim3A_1700 = vector.broadcast %reduce_sum3A_1699 : f32 to vector<16xf32>
      %select_n3A_1701 = arith.select %eq3A_1692, %broadcast_in_dim3A_1700, %mul3A_1455 : vector<16xi1>, vector<16xf32>
      %eq3A_1702 = vector.broadcast %add3A_1690 : i32 to vector<16xi32>
      %eq3A_1703 = arith.cmpi eq, %iota3A, %eq3A_1702 : vector<16xi32>
      %mul3A_1704 = arith.mulf %gather3A_1665, %gather3A_1683 : vector<16xf32>
      %mul3A_1705 = arith.mulf %gather3A_1666, %gather3A_1684 : vector<16xf32>
      %add3A_1706 = arith.addf %mul3A_1704, %mul3A_1705 : vector<16xf32>
      %reduce_sum3A_1707 = arith.constant true
      %reduce_sum3A_1708 = vector.broadcast %reduce_sum3A_1707 : i1 to vector<16xi1>
      %reduce_sum3A_1709 = tpu.scan <sum>, %add3A_1706 masked %reduce_sum3A_1708 : vector<16xf32>, vector<16xi1> -> vector<16xf32>
      %reduce_sum3A_1710 = vector.extract %reduce_sum3A_1709[15] : f32 from vector<16xf32>
      %broadcast_in_dim3A_1711 = vector.broadcast %reduce_sum3A_1710 : f32 to vector<16xf32>
      %select_n3A_1712 = arith.select %eq3A_1703, %broadcast_in_dim3A_1711, %mul3A_1457 : vector<16xi1>, vector<16xf32>
      %slice3A_1713 = vector.extract_strided_slice %get3A_1649 {offsets = [1], sizes = [1], strides = [1]} : vector<16xi32> to vector<1xi32>
      %squeeze3A_1714 = vector.extract %slice3A_1713[0] : i32 from vector<1xi32>
      %rem3A_1715 = arith.constant 128 : i32
      %rem3A_1716 = arith.remsi %squeeze3A_1714, %rem3A_1715 : i32
      %broadcast_in_dim3A_1717 = vector.broadcast %rem3A_1716 : i32 to vector<16xi32>
      %broadcast_in_dim3A_1718 = arith.constant 1 : i32
      %broadcast_in_dim3A_1719 = vector.broadcast %broadcast_in_dim3A_1718 : i32 to vector<16xi32>
      %gather3A_1720 = tpu.vector_load_idx %arg13[%broadcast_in_dim3A_1719, %iota3A, %broadcast_in_dim3A_1717] : memref<12x32x128xf32, #tpu.memory_space<vmem>>[vector<16xi32>, vector<16xi32>, vector<16xi32>], vector<16xf32>,
      %gather3A_1721 = tpu.vector_load_idx %arg13[%broadcast_in_dim3A_1719, %add3A_9, %broadcast_in_dim3A_1717] : memref<12x32x128xf32, #tpu.memory_space<vmem>>[vector<16xi32>, vector<16xi32>, vector<16xi32>], vector<16xf32>,
      %slice3A_1722 = vector.extract_strided_slice %get3A_1653 {offsets = [1], sizes = [1], strides = [1]} : vector<16xi32> to vector<1xi32>
      %squeeze3A_1723 = vector.extract %slice3A_1722[0] : i32 from vector<1xi32>
      %rem3A_1724 = arith.constant 128 : i32
      %rem3A_1725 = arith.remsi %squeeze3A_1723, %rem3A_1724 : i32
      %broadcast_in_dim3A_1726 = vector.broadcast %rem3A_1725 : i32 to vector<16xi32>
      %broadcast_in_dim3A_1727 = arith.constant 5 : i32
      %broadcast_in_dim3A_1728 = vector.broadcast %broadcast_in_dim3A_1727 : i32 to vector<16xi32>
      %gather3A_1729 = tpu.vector_load_idx %arg13[%broadcast_in_dim3A_1728, %iota3A, %broadcast_in_dim3A_1726] : memref<12x32x128xf32, #tpu.memory_space<vmem>>[vector<16xi32>, vector<16xi32>, vector<16xi32>], vector<16xf32>,
      %gather3A_1730 = tpu.vector_load_idx %arg13[%broadcast_in_dim3A_1728, %add3A_9, %broadcast_in_dim3A_1726] : memref<12x32x128xf32, #tpu.memory_space<vmem>>[vector<16xi32>, vector<16xi32>, vector<16xi32>], vector<16xf32>,
      %slice3A_1731 = vector.extract_strided_slice %get3A_1657 {offsets = [1], sizes = [1], strides = [1]} : vector<16xi32> to vector<1xi32>
      %squeeze3A_1732 = vector.extract %slice3A_1731[0] : i32 from vector<1xi32>
      %rem3A_1733 = arith.constant 128 : i32
      %rem3A_1734 = arith.remsi %squeeze3A_1732, %rem3A_1733 : i32
      %broadcast_in_dim3A_1735 = vector.broadcast %rem3A_1734 : i32 to vector<16xi32>
      %broadcast_in_dim3A_1736 = arith.constant 9 : i32
      %broadcast_in_dim3A_1737 = vector.broadcast %broadcast_in_dim3A_1736 : i32 to vector<16xi32>
      %gather3A_1738 = tpu.vector_load_idx %arg13[%broadcast_in_dim3A_1737, %iota3A, %broadcast_in_dim3A_1735] : memref<12x32x128xf32, #tpu.memory_space<vmem>>[vector<16xi32>, vector<16xi32>, vector<16xi32>], vector<16xf32>,
      %gather3A_1739 = tpu.vector_load_idx %arg13[%broadcast_in_dim3A_1737, %add3A_9, %broadcast_in_dim3A_1735] : memref<12x32x128xf32, #tpu.memory_space<vmem>>[vector<16xi32>, vector<16xi32>, vector<16xi32>], vector<16xf32>,
      %rem3A_1740 = arith.constant 4 : i32
      %rem3A_1741 = arith.remsi %add3A_1645, %rem3A_1740 : i32
      %mul3A_1742 = arith.constant 4 : i32
      %mul3A_1743 = arith.muli %rem3A_1741, %mul3A_1742 : i32
      %add3A_1744 = arith.constant 1 : i32
      %add3A_1745 = arith.addi %mul3A_1743, %add3A_1744 : i32
      %eq3A_1746 = vector.broadcast %add3A_1745 : i32 to vector<16xi32>
      %eq3A_1747 = arith.cmpi eq, %iota3A, %eq3A_1746 : vector<16xi32>
      %mul3A_1748 = arith.mulf %gather3A_1720, %gather3A_1729 : vector<16xf32>
      %mul3A_1749 = arith.mulf %gather3A_1721, %gather3A_1730 : vector<16xf32>
      %add3A_1750 = arith.addf %mul3A_1748, %mul3A_1749 : vector<16xf32>
      %reduce_sum3A_1751 = arith.constant true
      %reduce_sum3A_1752 = vector.broadcast %reduce_sum3A_1751 : i1 to vector<16xi1>
      %reduce_sum3A_1753 = tpu.scan <sum>, %add3A_1750 masked %reduce_sum3A_1752 : vector<16xf32>, vector<16xi1> -> vector<16xf32>
      %reduce_sum3A_1754 = vector.extract %reduce_sum3A_1753[15] : f32 from vector<16xf32>
      %broadcast_in_dim3A_1755 = vector.broadcast %reduce_sum3A_1754 : f32 to vector<16xf32>
      %select_n3A_1756 = arith.select %eq3A_1747, %broadcast_in_dim3A_1755, %select_n3A_1701 : vector<16xi1>, vector<16xf32>
      %eq3A_1757 = vector.broadcast %add3A_1745 : i32 to vector<16xi32>
      %eq3A_1758 = arith.cmpi eq, %iota3A, %eq3A_1757 : vector<16xi32>
      %mul3A_1759 = arith.mulf %gather3A_1720, %gather3A_1738 : vector<16xf32>
      %mul3A_1760 = arith.mulf %gather3A_1721, %gather3A_1739 : vector<16xf32>
      %add3A_1761 = arith.addf %mul3A_1759, %mul3A_1760 : vector<16xf32>
      %reduce_sum3A_1762 = arith.constant true
      %reduce_sum3A_1763 = vector.broadcast %reduce_sum3A_1762 : i1 to vector<16xi1>
      %reduce_sum3A_1764 = tpu.scan <sum>, %add3A_1761 masked %reduce_sum3A_1763 : vector<16xf32>, vector<16xi1> -> vector<16xf32>
      %reduce_sum3A_1765 = vector.extract %reduce_sum3A_1764[15] : f32 from vector<16xf32>
      %broadcast_in_dim3A_1766 = vector.broadcast %reduce_sum3A_1765 : f32 to vector<16xf32>
      %select_n3A_1767 = arith.select %eq3A_1758, %broadcast_in_dim3A_1766, %select_n3A_1712 : vector<16xi1>, vector<16xf32>
      %slice3A_1768 = vector.extract_strided_slice %get3A_1649 {offsets = [2], sizes = [1], strides = [1]} : vector<16xi32> to vector<1xi32>
      %squeeze3A_1769 = vector.extract %slice3A_1768[0] : i32 from vector<1xi32>
      %rem3A_1770 = arith.constant 128 : i32
      %rem3A_1771 = arith.remsi %squeeze3A_1769, %rem3A_1770 : i32
      %broadcast_in_dim3A_1772 = vector.broadcast %rem3A_1771 : i32 to vector<16xi32>
      %broadcast_in_dim3A_1773 = arith.constant 2 : i32
      %broadcast_in_dim3A_1774 = vector.broadcast %broadcast_in_dim3A_1773 : i32 to vector<16xi32>
      %gather3A_1775 = tpu.vector_load_idx %arg13[%broadcast_in_dim3A_1774, %iota3A, %broadcast_in_dim3A_1772] : memref<12x32x128xf32, #tpu.memory_space<vmem>>[vector<16xi32>, vector<16xi32>, vector<16xi32>], vector<16xf32>,
      %gather3A_1776 = tpu.vector_load_idx %arg13[%broadcast_in_dim3A_1774, %add3A_9, %broadcast_in_dim3A_1772] : memref<12x32x128xf32, #tpu.memory_space<vmem>>[vector<16xi32>, vector<16xi32>, vector<16xi32>], vector<16xf32>,
      %slice3A_1777 = vector.extract_strided_slice %get3A_1653 {offsets = [2], sizes = [1], strides = [1]} : vector<16xi32> to vector<1xi32>
      %squeeze3A_1778 = vector.extract %slice3A_1777[0] : i32 from vector<1xi32>
      %rem3A_1779 = arith.constant 128 : i32
      %rem3A_1780 = arith.remsi %squeeze3A_1778, %rem3A_1779 : i32
      %broadcast_in_dim3A_1781 = vector.broadcast %rem3A_1780 : i32 to vector<16xi32>
      %broadcast_in_dim3A_1782 = arith.constant 6 : i32
      %broadcast_in_dim3A_1783 = vector.broadcast %broadcast_in_dim3A_1782 : i32 to vector<16xi32>
      %gather3A_1784 = tpu.vector_load_idx %arg13[%broadcast_in_dim3A_1783, %iota3A, %broadcast_in_dim3A_1781] : memref<12x32x128xf32, #tpu.memory_space<vmem>>[vector<16xi32>, vector<16xi32>, vector<16xi32>], vector<16xf32>,
      %gather3A_1785 = tpu.vector_load_idx %arg13[%broadcast_in_dim3A_1783, %add3A_9, %broadcast_in_dim3A_1781] : memref<12x32x128xf32, #tpu.memory_space<vmem>>[vector<16xi32>, vector<16xi32>, vector<16xi32>], vector<16xf32>,
      %slice3A_1786 = vector.extract_strided_slice %get3A_1657 {offsets = [2], sizes = [1], strides = [1]} : vector<16xi32> to vector<1xi32>
      %squeeze3A_1787 = vector.extract %slice3A_1786[0] : i32 from vector<1xi32>
      %rem3A_1788 = arith.constant 128 : i32
      %rem3A_1789 = arith.remsi %squeeze3A_1787, %rem3A_1788 : i32
      %broadcast_in_dim3A_1790 = vector.broadcast %rem3A_1789 : i32 to vector<16xi32>
      %broadcast_in_dim3A_1791 = arith.constant 10 : i32
      %broadcast_in_dim3A_1792 = vector.broadcast %broadcast_in_dim3A_1791 : i32 to vector<16xi32>
      %gather3A_1793 = tpu.vector_load_idx %arg13[%broadcast_in_dim3A_1792, %iota3A, %broadcast_in_dim3A_1790] : memref<12x32x128xf32, #tpu.memory_space<vmem>>[vector<16xi32>, vector<16xi32>, vector<16xi32>], vector<16xf32>,
      %gather3A_1794 = tpu.vector_load_idx %arg13[%broadcast_in_dim3A_1792, %add3A_9, %broadcast_in_dim3A_1790] : memref<12x32x128xf32, #tpu.memory_space<vmem>>[vector<16xi32>, vector<16xi32>, vector<16xi32>], vector<16xf32>,
      %rem3A_1795 = arith.constant 4 : i32
      %rem3A_1796 = arith.remsi %add3A_1645, %rem3A_1795 : i32
      %mul3A_1797 = arith.constant 4 : i32
      %mul3A_1798 = arith.muli %rem3A_1796, %mul3A_1797 : i32
      %add3A_1799 = arith.constant 2 : i32
      %add3A_1800 = arith.addi %mul3A_1798, %add3A_1799 : i32
      %eq3A_1801 = vector.broadcast %add3A_1800 : i32 to vector<16xi32>
      %eq3A_1802 = arith.cmpi eq, %iota3A, %eq3A_1801 : vector<16xi32>
      %mul3A_1803 = arith.mulf %gather3A_1775, %gather3A_1784 : vector<16xf32>
      %mul3A_1804 = arith.mulf %gather3A_1776, %gather3A_1785 : vector<16xf32>
      %add3A_1805 = arith.addf %mul3A_1803, %mul3A_1804 : vector<16xf32>
      %reduce_sum3A_1806 = arith.constant true
      %reduce_sum3A_1807 = vector.broadcast %reduce_sum3A_1806 : i1 to vector<16xi1>
      %reduce_sum3A_1808 = tpu.scan <sum>, %add3A_1805 masked %reduce_sum3A_1807 : vector<16xf32>, vector<16xi1> -> vector<16xf32>
      %reduce_sum3A_1809 = vector.extract %reduce_sum3A_1808[15] : f32 from vector<16xf32>
      %broadcast_in_dim3A_1810 = vector.broadcast %reduce_sum3A_1809 : f32 to vector<16xf32>
      %select_n3A_1811 = arith.select %eq3A_1802, %broadcast_in_dim3A_1810, %select_n3A_1756 : vector<16xi1>, vector<16xf32>
      %eq3A_1812 = vector.broadcast %add3A_1800 : i32 to vector<16xi32>
      %eq3A_1813 = arith.cmpi eq, %iota3A, %eq3A_1812 : vector<16xi32>
      %mul3A_1814 = arith.mulf %gather3A_1775, %gather3A_1793 : vector<16xf32>
      %mul3A_1815 = arith.mulf %gather3A_1776, %gather3A_1794 : vector<16xf32>
      %add3A_1816 = arith.addf %mul3A_1814, %mul3A_1815 : vector<16xf32>
      %reduce_sum3A_1817 = arith.constant true
      %reduce_sum3A_1818 = vector.broadcast %reduce_sum3A_1817 : i1 to vector<16xi1>
      %reduce_sum3A_1819 = tpu.scan <sum>, %add3A_1816 masked %reduce_sum3A_1818 : vector<16xf32>, vector<16xi1> -> vector<16xf32>
      %reduce_sum3A_1820 = vector.extract %reduce_sum3A_1819[15] : f32 from vector<16xf32>
      %broadcast_in_dim3A_1821 = vector.broadcast %reduce_sum3A_1820 : f32 to vector<16xf32>
      %select_n3A_1822 = arith.select %eq3A_1813, %broadcast_in_dim3A_1821, %select_n3A_1767 : vector<16xi1>, vector<16xf32>
      %slice3A_1823 = vector.extract_strided_slice %get3A_1649 {offsets = [3], sizes = [1], strides = [1]} : vector<16xi32> to vector<1xi32>
      %squeeze3A_1824 = vector.extract %slice3A_1823[0] : i32 from vector<1xi32>
      %rem3A_1825 = arith.constant 128 : i32
      %rem3A_1826 = arith.remsi %squeeze3A_1824, %rem3A_1825 : i32
      %broadcast_in_dim3A_1827 = vector.broadcast %rem3A_1826 : i32 to vector<16xi32>
      %broadcast_in_dim3A_1828 = arith.constant 3 : i32
      %broadcast_in_dim3A_1829 = vector.broadcast %broadcast_in_dim3A_1828 : i32 to vector<16xi32>
      %gather3A_1830 = tpu.vector_load_idx %arg13[%broadcast_in_dim3A_1829, %iota3A, %broadcast_in_dim3A_1827] : memref<12x32x128xf32, #tpu.memory_space<vmem>>[vector<16xi32>, vector<16xi32>, vector<16xi32>], vector<16xf32>,
      %gather3A_1831 = tpu.vector_load_idx %arg13[%broadcast_in_dim3A_1829, %add3A_9, %broadcast_in_dim3A_1827] : memref<12x32x128xf32, #tpu.memory_space<vmem>>[vector<16xi32>, vector<16xi32>, vector<16xi32>], vector<16xf32>,
      %slice3A_1832 = vector.extract_strided_slice %get3A_1653 {offsets = [3], sizes = [1], strides = [1]} : vector<16xi32> to vector<1xi32>
      %squeeze3A_1833 = vector.extract %slice3A_1832[0] : i32 from vector<1xi32>
      %rem3A_1834 = arith.constant 128 : i32
      %rem3A_1835 = arith.remsi %squeeze3A_1833, %rem3A_1834 : i32
      %broadcast_in_dim3A_1836 = vector.broadcast %rem3A_1835 : i32 to vector<16xi32>
      %broadcast_in_dim3A_1837 = arith.constant 7 : i32
      %broadcast_in_dim3A_1838 = vector.broadcast %broadcast_in_dim3A_1837 : i32 to vector<16xi32>
      %gather3A_1839 = tpu.vector_load_idx %arg13[%broadcast_in_dim3A_1838, %iota3A, %broadcast_in_dim3A_1836] : memref<12x32x128xf32, #tpu.memory_space<vmem>>[vector<16xi32>, vector<16xi32>, vector<16xi32>], vector<16xf32>,
      %gather3A_1840 = tpu.vector_load_idx %arg13[%broadcast_in_dim3A_1838, %add3A_9, %broadcast_in_dim3A_1836] : memref<12x32x128xf32, #tpu.memory_space<vmem>>[vector<16xi32>, vector<16xi32>, vector<16xi32>], vector<16xf32>,
      %slice3A_1841 = vector.extract_strided_slice %get3A_1657 {offsets = [3], sizes = [1], strides = [1]} : vector<16xi32> to vector<1xi32>
      %squeeze3A_1842 = vector.extract %slice3A_1841[0] : i32 from vector<1xi32>
      %rem3A_1843 = arith.constant 128 : i32
      %rem3A_1844 = arith.remsi %squeeze3A_1842, %rem3A_1843 : i32
      %broadcast_in_dim3A_1845 = vector.broadcast %rem3A_1844 : i32 to vector<16xi32>
      %broadcast_in_dim3A_1846 = arith.constant 11 : i32
      %broadcast_in_dim3A_1847 = vector.broadcast %broadcast_in_dim3A_1846 : i32 to vector<16xi32>
      %gather3A_1848 = tpu.vector_load_idx %arg13[%broadcast_in_dim3A_1847, %iota3A, %broadcast_in_dim3A_1845] : memref<12x32x128xf32, #tpu.memory_space<vmem>>[vector<16xi32>, vector<16xi32>, vector<16xi32>], vector<16xf32>,
      %gather3A_1849 = tpu.vector_load_idx %arg13[%broadcast_in_dim3A_1847, %add3A_9, %broadcast_in_dim3A_1845] : memref<12x32x128xf32, #tpu.memory_space<vmem>>[vector<16xi32>, vector<16xi32>, vector<16xi32>], vector<16xf32>,
      %rem3A_1850 = arith.constant 4 : i32
      %rem3A_1851 = arith.remsi %add3A_1645, %rem3A_1850 : i32
      %mul3A_1852 = arith.constant 4 : i32
      %mul3A_1853 = arith.muli %rem3A_1851, %mul3A_1852 : i32
      %add3A_1854 = arith.constant 3 : i32
      %add3A_1855 = arith.addi %mul3A_1853, %add3A_1854 : i32
      %eq3A_1856 = vector.broadcast %add3A_1855 : i32 to vector<16xi32>
      %eq3A_1857 = arith.cmpi eq, %iota3A, %eq3A_1856 : vector<16xi32>
      %mul3A_1858 = arith.mulf %gather3A_1830, %gather3A_1839 : vector<16xf32>
      %mul3A_1859 = arith.mulf %gather3A_1831, %gather3A_1840 : vector<16xf32>
      %add3A_1860 = arith.addf %mul3A_1858, %mul3A_1859 : vector<16xf32>
      %reduce_sum3A_1861 = arith.constant true
      %reduce_sum3A_1862 = vector.broadcast %reduce_sum3A_1861 : i1 to vector<16xi1>
      %reduce_sum3A_1863 = tpu.scan <sum>, %add3A_1860 masked %reduce_sum3A_1862 : vector<16xf32>, vector<16xi1> -> vector<16xf32>
      %reduce_sum3A_1864 = vector.extract %reduce_sum3A_1863[15] : f32 from vector<16xf32>
      %broadcast_in_dim3A_1865 = vector.broadcast %reduce_sum3A_1864 : f32 to vector<16xf32>
      %select_n3A_1866 = arith.select %eq3A_1857, %broadcast_in_dim3A_1865, %select_n3A_1811 : vector<16xi1>, vector<16xf32>
      %eq3A_1867 = vector.broadcast %add3A_1855 : i32 to vector<16xi32>
      %eq3A_1868 = arith.cmpi eq, %iota3A, %eq3A_1867 : vector<16xi32>
      %mul3A_1869 = arith.mulf %gather3A_1830, %gather3A_1848 : vector<16xf32>
      %mul3A_1870 = arith.mulf %gather3A_1831, %gather3A_1849 : vector<16xf32>
      %add3A_1871 = arith.addf %mul3A_1869, %mul3A_1870 : vector<16xf32>
      %reduce_sum3A_1872 = arith.constant true
      %reduce_sum3A_1873 = vector.broadcast %reduce_sum3A_1872 : i1 to vector<16xi1>
      %reduce_sum3A_1874 = tpu.scan <sum>, %add3A_1871 masked %reduce_sum3A_1873 : vector<16xf32>, vector<16xi1> -> vector<16xf32>
      %reduce_sum3A_1875 = vector.extract %reduce_sum3A_1874[15] : f32 from vector<16xf32>
      %broadcast_in_dim3A_1876 = vector.broadcast %reduce_sum3A_1875 : f32 to vector<16xf32>
      %select_n3A_1877 = arith.select %eq3A_1868, %broadcast_in_dim3A_1876, %select_n3A_1822 : vector<16xi1>, vector<16xf32>
      %rem3A_1878 = arith.constant 4 : i32
      %rem3A_1879 = arith.remsi %add3A_1645, %rem3A_1878 : i32
      %eq3A_1880 = arith.constant 3 : i32
      %eq3A_1881 = arith.cmpi eq, %rem3A_1879, %eq3A_1880 : i32
      %convert_element_type3A_1882 = arith.extui %eq3A_1881 : i1 to i32
      %cond3A_1883 = arith.constant 0 : i32
      %cond3A_1884 = arith.cmpi ne, %convert_element_type3A_1882, %cond3A_1883 : i32
      scf.if %cond3A_1884 {
        %jit3A_1892 = arith.constant 4 : i32
        %div3A_1893 = arith.divsi %add3A_1645, %jit3A_1892 : i32
        %sign3A_1894 = arith.constant 0 : i32
        %sign3A_1895 = arith.cmpi sgt, %add3A_1645, %sign3A_1894 : i32
        %sign3A_1896 = arith.extui %sign3A_1895 : i1 to i32
        %sign3A_1897 = arith.constant 0 : i32
        %sign3A_1898 = arith.cmpi slt, %add3A_1645, %sign3A_1897 : i32
        %sign3A_1899 = arith.extui %sign3A_1898 : i1 to i32
        %sign3A_1900 = arith.subi %sign3A_1896, %sign3A_1899 : i32
        %sign3A_1901 = arith.constant 0 : i32
        %sign3A_1902 = arith.cmpi sgt, %jit3A_1892, %sign3A_1901 : i32
        %sign3A_1903 = arith.extui %sign3A_1902 : i1 to i32
        %sign3A_1904 = arith.constant 0 : i32
        %sign3A_1905 = arith.cmpi slt, %jit3A_1892, %sign3A_1904 : i32
        %sign3A_1906 = arith.extui %sign3A_1905 : i1 to i32
        %sign3A_1907 = arith.subi %sign3A_1903, %sign3A_1906 : i32
        %ne3A_1908 = arith.cmpi ne, %sign3A_1900, %sign3A_1907 : i32
        %rem3A_1909 = arith.remsi %add3A_1645, %jit3A_1892 : i32
        %ne3A_1910 = arith.constant 0 : i32
        %ne3A_1911 = arith.cmpi ne, %rem3A_1909, %ne3A_1910 : i32
        %and3A_1912 = arith.andi %ne3A_1908, %ne3A_1911 : i1
        %sub3A_1913 = arith.constant 1 : i32
        %sub3A_1914 = arith.subi %div3A_1893, %sub3A_1913 : i32
        %select_n3A_1915 = arith.select %and3A_1912, %sub3A_1914, %div3A_1893 : i32
        %mul3A_1916 = arith.constant 16 : i32
        %mul3A_1917 = arith.muli %select_n3A_1915, %mul3A_1916 : i32
        %swap3A = arith.index_cast %mul3A_1917 : i32 to index
        %swap3A_1918 = tpu.vector_load %arg14[%swap3A] {strides = array<i32>} : memref<512xf32, #tpu.memory_space<vmem>>, vector<16xf32>,
        tpu.vector_store %arg14[%swap3A], %select_n3A_1866 {strides = array<i32>} : memref<512xf32, #tpu.memory_space<vmem>>, vector<16xf32>,
        %swap3A_1919 = arith.index_cast %mul3A_1917 : i32 to index
        %swap3A_1920 = tpu.vector_load %arg15[%swap3A_1919] {strides = array<i32>} : memref<512xf32, #tpu.memory_space<vmem>>, vector<16xf32>,
        tpu.vector_store %arg15[%swap3A_1919], %select_n3A_1877 {strides = array<i32>} : memref<512xf32, #tpu.memory_space<vmem>>, vector<16xf32>,
      } else {
      }
      %jit3A_1885 = arith.constant 0.000000e+00 : f32
      %jit3A_1886 = arith.constant 1.000000e+00 : f32
      %select_n3A_1887 = arith.select %eq3A_1881, %jit3A_1885, %jit3A_1886 : f32
      %mul3A_1888 = vector.broadcast %select_n3A_1887 : f32 to vector<16xf32>
      %mul3A_1889 = arith.mulf %select_n3A_1866, %mul3A_1888 : vector<16xf32>
      %mul3A_1890 = vector.broadcast %select_n3A_1887 : f32 to vector<16xf32>
      %mul3A_1891 = arith.mulf %select_n3A_1877, %mul3A_1890 : vector<16xf32>
      scf.yield %mul3A_1889, %mul3A_1891 : vector<16xf32>, vector<16xf32>
    }
    %scan3A_512 = arith.constant 64 : i32
    %mul3A_513 = arith.constant 512 : i32
    %mul3A_514 = arith.muli %add3A, %mul3A_513 : i32
    "tpu.region"() ({
      %run_scoped3A = tpu.sem_alloc : memref<!tpu.dma_semaphore, #tpu.memory_space<semaphore_mem>>
      %dma_start3A_515 = tpu.memref_slice %arg7[%mul3A_514] : memref<16384xf32, #tpu.memory_space<hbm>> -> memref<512xf32, #tpu.memory_space<hbm>>
      %dma_start3A_516 = tpu.memref_slice %arg7[%mul3A_514] : memref<16384xf32, #tpu.memory_space<hbm>> -> memref<512xf32, #tpu.memory_space<hbm>>
      tpu.enqueue_dma source(%arg14 : memref<512xf32, #tpu.memory_space<vmem>>) target(%dma_start3A_516 : memref<512xf32, #tpu.memory_space<hbm>>) target_semaphore(%run_scoped3A : memref<!tpu.dma_semaphore, #tpu.memory_space<semaphore_mem>>)
      %dma_wait3A = tpu.memref_slice %arg7[%mul3A_514] : memref<16384xf32, #tpu.memory_space<hbm>> -> memref<512xf32, #tpu.memory_space<hbm>>
      %dma_wait3A_517 = tpu.memref_slice %arg7[%mul3A_514] : memref<16384xf32, #tpu.memory_space<hbm>> -> memref<512xf32, #tpu.memory_space<hbm>>
      tpu.wait_dma2 semaphore(%run_scoped3A : memref<!tpu.dma_semaphore, #tpu.memory_space<semaphore_mem>>) src(%arg14 : memref<512xf32, #tpu.memory_space<vmem>>) dst(%dma_wait3A_517 : memref<512xf32, #tpu.memory_space<hbm>>)
      tpu.yield
    }) : () -> ()
    "tpu.region"() ({
      %run_scoped3A = tpu.sem_alloc : memref<!tpu.dma_semaphore, #tpu.memory_space<semaphore_mem>>
      %dma_start3A_515 = tpu.memref_slice %arg8[%mul3A_514] : memref<16384xf32, #tpu.memory_space<hbm>> -> memref<512xf32, #tpu.memory_space<hbm>>
      %dma_start3A_516 = tpu.memref_slice %arg8[%mul3A_514] : memref<16384xf32, #tpu.memory_space<hbm>> -> memref<512xf32, #tpu.memory_space<hbm>>
      tpu.enqueue_dma source(%arg15 : memref<512xf32, #tpu.memory_space<vmem>>) target(%dma_start3A_516 : memref<512xf32, #tpu.memory_space<hbm>>) target_semaphore(%run_scoped3A : memref<!tpu.dma_semaphore, #tpu.memory_space<semaphore_mem>>)
      %dma_wait3A = tpu.memref_slice %arg8[%mul3A_514] : memref<16384xf32, #tpu.memory_space<hbm>> -> memref<512xf32, #tpu.memory_space<hbm>>
      %dma_wait3A_517 = tpu.memref_slice %arg8[%mul3A_514] : memref<16384xf32, #tpu.memory_space<hbm>> -> memref<512xf32, #tpu.memory_space<hbm>>
      tpu.wait_dma2 semaphore(%run_scoped3A : memref<!tpu.dma_semaphore, #tpu.memory_space<semaphore_mem>>) src(%arg15 : memref<512xf32, #tpu.memory_space<vmem>>) dst(%dma_wait3A_517 : memref<512xf32, #tpu.memory_space<hbm>>)
      tpu.yield
    }) : () -> ()
    return
  }
}

</mosaic_0001>

<sc_bundles>
// kernel: kernel.3.cloned.1.call-start
scs
__scs_entry_jumppad:
0x0: {  	(pc) =	sbr.rel $0x88, $3  }
0x1: {  	(tag) =	ssettag $0x0;
	lr =	simm.s32 $0x1  }
0x2: {  	[smem:$0x3F9C] =	sst lr;
	_ =	strace $0xD0000000  }
0x3: {  	_ = 	snop  }
0x4: {  	_ = 	snop  }
0x5: {  	_ = 	snop  }
0x6: {  	_ = 	snop  }
0x7: {  	_ = 	snop  }
__scs_overlays_trampoline_lowered:
0x8: {  	[smem:$0x3FAB] =	sst s0  }
0x9: {  	[smem:$0x3FAC] =	sst s1  }
0xa: {  	[smem:$0x3FAD] =	sst s2  }
0xb: {  	[smem:$0x3FAE] =	sst s3  }
0xc: {  	[smem:$0x3FAF] =	sst s4  }
0xd: {  	[smem:$0x3FB0] =	sst s5  }
0xe: {  	[smem:$0x3FB1] =	sst s6  }
0xf: {  	[smem:$0x3FB2] =	sst s7  }
0x10: {  	[smem:$0x3FB3] =	sst s8  }
0x11: {  	[smem:$0x3FB4] =	sst s9;
	s0 =	simm.s32 @!p0 $0x0  }
0x12: {  	s1 =	sld [smem:$0x3F9A];
	s0 =	simm.s32 @p0 $0x1  }
0x13: {  	[smem:$0x3FB5] =	sst s0;
	s0 =	simm.s32 @!p1 $0x0  }
0x14: {  	s2 =	sld [smem:$0x3F99];
	s0 =	simm.s32 @p1 $0x1  }
0x15: {  	[smem:$0x3FB6] =	sst s0;
	s0 =	simm.s32 @!p2 $0x0  }
0x16: {  	s3 =	sld [smem:$0x3FDB];
	s0 =	simm.s32 @p2 $0x1  }
0x17: {  	s4 =	simm.s32 $0x1BF5;
	[smem:$0x3FB8] =	sst s0  }
0x18: {  	s0 =	sld [smem:$0x3F9B];
	_ =	swait.ge [sflag:s4], $0x0  }
0x19: {  	s7 =	sld [smem:$0x3F9C]  }
0x1a: {  	s8 =	sadd.s32 $0xFFFFE003, lr  }
0x1b: {  	s9 =	sadd.s32 $0xFFFFFEF7, lr;
	s5 =	simm.s32 $0xFFFFFFFF;
	p2 =	slt.u32 s8, $0xFFFFF086  }
0x1c: {  	p1 =	slt.u32 s9, $0xF7A;
	s5 =	simm.s32 @!p2 $0x0  }
0x1d: {  	s5 =	simm.s32 @p1 $0x1;
	p0 =	seq.s32 s7, s2  }
0x1e: {  	s7 =	smul.u32 @!p0 $0xF7A, s2;
	p2 =	seq.s32 @!p0 s5, $0x0  }
0x1f: {  	s9 =	smul.u32 $0xF7A, s1;
	s8 =	simm.s32 @!p0 $0x1BF5;
	p2 =	por !p2, p0  }
0x20: {  	[sflag:s8] =	ssyncset.s32 @!p0 $0xFFFFF086;
	s6 =	sadd.s32 @!p0 s3, s7;
	s7 =	simm.s32 @!p0 $0x108  }
0x21: {  	s3 =	sadd.s32 s3, s9;
	s6 =	sadd.s32 @!p0 $0x88, s6;
	s7 =	simm.s32 @p2 $0x1082  }
0x22: {  	[simem:s7], [sflag:s8] =	dma.local @!p0 [hbm:s6], $0xF7A  }
0x23: {  	s9 =	sor.u32 $0xD0000000, s2;
	s6 =	simm.s32 $0x108;
	_ =	swait.ge @!p0 [sflag:s8], $0x0  }
0x24: {  	s3 =	sadd.s32 $0x88, s3;
	s6 =	simm.s32 @!p1 $0x1082;
	[sflag:s4] =	ssyncset.s32 $0xFFFFF086  }
0x25: {  	[simem:s6], [sflag:s4] =	dma.local [hbm:s3], $0xF7A  }
0x26: {  	[smem:$0x3F9C] =	sst s1;
	(tag) =	ssettag s2;
	_ =	strace s9  }
0x27: {  	s1 =	sld [smem:$0x3FAC]  }
0x28: {  	s2 =	sld [smem:$0x3FAD]  }
0x29: {  	s4 =	sld [smem:$0x3FAF]  }
0x2a: {  	p0 =	seq.s32 s5, $0x0;
	s5 =	sld [smem:$0x3FB0]  }
0x2b: {  	s6 =	sld [smem:$0x3FB1]  }
0x2c: {  	s7 =	sld [smem:$0x3FB2]  }
0x2d: {  	s3 =	simm.s32 $0x108;
	s8 =	sld [smem:$0x3FB3]  }
0x2e: {  	s3 =	simm.s32 @!p0 $0x1082;
	s9 =	sld [smem:$0x3FB4]  }
0x2f: {  	lr =	sadd.s32 s0, s3;
	s0 =	sld [smem:$0x3FAB]  }
0x30: {  	s3 =	sld [smem:$0x3FAE]  }
0x31: {  	[smem:$0x3FB7] =	sst s10  }
0x32: {  	s10 =	sld [smem:$0x3FB5];
	_ =	sdelay $0x3  }
0x33: {  	p0 =	seq.s32 s10, $0x1;
	s10 =	sld [smem:$0x3FB7];
	_ =	sdelay $0x3  }
0x34: {  	[smem:$0x3FB7] =	sst s10  }
0x35: {  	s10 =	sld [smem:$0x3FB6];
	_ =	sdelay $0x3  }
0x36: {  	p1 =	seq.s32 s10, $0x1;
	s10 =	sld [smem:$0x3FB7];
	_ =	sdelay $0x3  }
0x37: {  	[smem:$0x3FB7] =	sst s10  }
0x38: {  	s10 =	sld [smem:$0x3FB8]  }
0x39: {  	_ = 	snop;
	(pc) =	sbr.ind lr, $3  }
0x3a: {  	_ = 	snop  }
0x3b: {  	_ = 	snop  }
0x3c: {  	p2 =	seq.s32 s10, $0x1;
	s10 =	sld [smem:$0x3FB7]  }
0x3d: {  	_ =	shalt  }
0x3e: {  	_ =	shalt  }
0x3f: {  	_ =	shalt  }
0x40: {  	_ =	shalt  }
0x41: {  	_ =	shalt  }
0x42: {  	_ =	shalt  }
0x43: {  	_ =	shalt  }
0x44: {  	_ =	shalt  }
0x45: {  	_ =	shalt  }
0x46: {  	_ =	shalt  }
0x47: {  	_ =	shalt  }
0x48: {  	_ =	shalt  }
0x49: {  	_ =	shalt  }
0x4a: {  	_ =	shalt  }
0x4b: {  	_ =	shalt  }
0x4c: {  	_ =	shalt  }
0x4d: {  	_ =	shalt  }
0x4e: {  	_ =	shalt  }
0x4f: {  	_ =	shalt  }
0x50: {  	_ =	shalt  }
0x51: {  	_ =	shalt  }
0x52: {  	_ =	shalt  }
0x53: {  	_ =	shalt  }
0x54: {  	_ =	shalt  }
0x55: {  	_ =	shalt  }
0x56: {  	_ =	shalt  }
0x57: {  	_ =	shalt  }
0x58: {  	_ =	shalt  }
0x59: {  	_ =	shalt  }
0x5a: {  	_ =	shalt  }
0x5b: {  	_ =	shalt  }
0x5c: {  	_ =	shalt  }
0x5d: {  	_ =	shalt  }
0x5e: {  	_ =	shalt  }
0x5f: {  	_ =	shalt  }
0x60: {  	_ =	shalt  }
0x61: {  	_ =	shalt  }
0x62: {  	_ =	shalt  }
0x63: {  	_ =	shalt  }
0x64: {  	_ =	shalt  }
0x65: {  	_ =	shalt  }
0x66: {  	_ =	shalt  }
0x67: {  	_ =	shalt  }
0x68: {  	_ =	shalt  }
0x69: {  	_ =	shalt  }
0x6a: {  	_ =	shalt  }
0x6b: {  	_ =	shalt  }
0x6c: {  	_ =	shalt  }
0x6d: {  	_ =	shalt  }
0x6e: {  	_ =	shalt  }
0x6f: {  	_ =	shalt  }
0x70: {  	_ =	shalt  }
0x71: {  	_ =	shalt  }
0x72: {  	_ =	shalt  }
0x73: {  	_ =	shalt  }
0x74: {  	_ =	shalt  }
0x75: {  	_ =	shalt  }
0x76: {  	_ =	shalt  }
0x77: {  	_ =	shalt  }
0x78: {  	_ =	shalt  }
0x79: {  	_ =	shalt  }
0x7a: {  	_ =	shalt  }
0x7b: {  	_ =	shalt  }
0x7c: {  	_ =	shalt  }
0x7d: {  	_ =	shalt  }
0x7e: {  	_ =	shalt  }
0x7f: {  	_ =	shalt  }
0x80: {  	_ =	shalt  }
0x81: {  	_ =	shalt  }
0x82: {  	_ =	shalt  }
0x83: {  	_ =	shalt  }
0x84: {  	_ =	shalt  }
0x85: {  	_ =	shalt  }
0x86: {  	_ =	shalt  }
0x87: {  	_ =	shalt  }
.Lfunc_end0:
.L_simem_size_0:
called_computation_lowered:
.L_overlay_start_0:
0x88: {  	s2 =	sld [smem:$0x3FD9]  }
0x89: {  	s3 =	sld [smem:$0x3FFE];
	_ =	sdelay $0x1  }
0x8a: {  	s1 =	srdreg.scid  }
0x8b: {  	s0 =	sand.u32 $0x1, s1  }
0x8c: {  	s15 =	sshll.u32 s0, $0xA;
	s2 =	sadd.s32 s3, s2  }
0x8d: {  	s2 =	sadd.s32 s2, s15  }
0x8e: {  	[smem:$0x3FC3] =	sst s2  }
0x8f: {  	_ = 	snop  }
0x90: {  	s2 =	sld [smem:$0x3FC9]  }
0x91: {  	s16 =	sld [smem:$0x3FC8]  }
0x92: {  	s4 =	sld [smem:$0x3FD0]  }
0x93: {  	s5 =	sld [smem:$0x3FC7]  }
0x94: {  	s6 =	sld [smem:$0x3FC6]  }
0x95: {  	s8 =	simm.s32 $0xA;
	s9 =	simm.s32 $0x10;
	s7 =	sld [smem:$0x3FC5]  }
0x96: {  	[smem:s9], [sflag:s8] =	dma.local [hbm:s4], $0x1  }
0x97: {  	_ =	swait.eq [sflag:s8], $0x1  }
0x98: {  	[sflag:s8] =	ssyncset.done $0x0  }
0x99: {  	s17 =	sld [smem:$0x10];
	[sflag:s8] =	ssyncadd.s32 $0xFFFFFFFF  }
0x9a: {  	s18 =	sld [smem:$0x11];
	(tm) =	ssettm $0x1  }
0x9b: {  	s19 =	sld [smem:$0x3FFB];
	_ =	sdelay $0x3  }
0x9c: {  	_ =	strace s19  }
0x9d: {  	s9 =	sld [smem:$0x3FFC];
	_ =	sdelay $0x3  }
0x9e: {  	_ =	strace s9  }
0x9f: {  	s9 =	sld [smem:$0x3FFD];
	_ =	sdelay $0x3  }
0xa0: {  	_ =	strace s9  }
0xa1: {  	_ =	strace $0x8FFFFFFF  }
0xa2: {  	s20 =	sld [smem:$0x3FDB];
	_ =	sdelay $0x1  }
0xa3: {  	s10 =	simm.s32 $_scs_section_size  }
0xa4: {  	s11 =	simm.s32 $_size__tile_overlayer_lowered;
	s12 =	simm.s32 $_tile_overlayer_lowered  }
0xa5: {  	s23 =	simm.s32 $0x1BFF;
	s22 =	sshll.u32 s12, $0x1;
	s9 =	sadd.s32 s10, s20  }
0xa6: {  	s13 =	simm.s32 $0x0;
	s21 =	sshll.u32 s11, $0x1;
	s11 =	sadd.s32 s22, s9  }
0xa7: {  	[timem:s13], [sflag:s23] =	dma.local [hbm:s11], s21  }
0xa8: {  	_ =	swait.ge [sflag:s23], s21  }
0xa9: {  	s10 =	ssub.s32 $0x0, s21;
	[sflag:s23] =	ssyncset.done $0x0  }
0xaa: {  	[sflag:s23] =	ssyncadd.s32 s10;
	_ =	sdelay $0x1  }
0xab: {  	s24 =	simm.s32 $0x1B8B  }
0xac: {  	_ =	swait.ge [sflag:s24], $0x1  }
0xad: {  	[sflag:s24] =	ssyncset.done $0x0  }
0xae: {  	s25 =	simm.s32 $0x1B8E;
	[sflag:s24] =	ssyncadd.s32 $0xFFFFFFFF  }
0xaf: {  	s26 =	simm.s32 $execute0_lowered;
	[smem:$0x3FD2] =	sst s25  }
0xb0: {  	s10 =	sshll.u32 s26, $0x1;
	_ =	strace $0x80000046;
	[dreg:$0x1] =	wrdreg $0xFFFFFFFF  }
0xb1: {  	s28 =	simm.s32 $_size_execute0_lowered;
	s9 =	sadd.s32 s9, s10;
	[dreg:$0x0] =	wrdreg $0x0  }
0xb2: {  	s10 =	sshll.u32 s28, $0x1;
	[dreg:$0x2] =	wrdreg s9  }
0xb3: {  	[dreg:$0x3] =	wrdreg s10  }
0xb4: {  	[dreg:$0x4] =	wrdreg $0xC0  }
0xb5: {  	_ =	task [dreg:s13], $0x5FFFF  }
0xb6: {  	[dreg:$0x1] =	wrdreg $0xFFFFFFFF  }
0xb7: {  	[dreg:$0x0] =	wrdreg $0x60  }
0xb8: {  	[dreg:$0x2] =	wrdreg s2  }
0xb9: {  	[dreg:$0x3] =	wrdreg s16  }
0xba: {  	[dreg:$0x4] =	wrdreg s5  }
0xbb: {  	[dreg:$0x5] =	wrdreg s6  }
0xbc: {  	[dreg:$0x6] =	wrdreg s7  }
0xbd: {  	[dreg:$0x7] =	wrdreg s17  }
0xbe: {  	[dreg:$0x8] =	wrdreg s18  }
0xbf: {  	[dreg:$0x9] =	wrdreg $0x9  }
0xc0: {  	_ =	task.clear_ibuf [dreg:s13], $0xAFFFF;
	_ =	strace $0x90000046  }
0xc1: {  	s29 =	simm.s32 $0x9;
	_ =	strace $0x80000048  }
0xc2: {  	_ =	swait.ge [sflag:s29], $0x1  }
0xc3: {  	[sflag:s29] =	ssyncadd.s32 $0xFFFFFFFF  }
0xc4: {  	_ =	strace $0x90000048  }
0xc5: {  	_ =	sfence  }
0xc6: {  	s30 =	sld [smem:$0x0];
	_ =	sdelay $0x2  }
0xc7: {  	s31 =	sshll.u32 s1, $0xD;
	s1 =	sshrl.u32 s1, $0x2  }
0xc8: {  	s3 =	sand.u32 $0x4000, s31;
	s1 =	sadd.s32 s1, s30  }
0xc9: {  	s0 =	sor.u32 s3, s0;
	s1 =	sshll.u32 s1, $0x11  }
0xca: {  	s0 =	sor.u32 s1, s0  }
0xcb: {  	s0 =	sadd.s32 $0x8F2B, s0  }
0xcc: {  	[sflag:s0] =	ssyncadd.remote.s32 $0x1  }
0xcd: {  	_ =	sfence.sel $0xFFFF  }
0xce: {  	[dreg:$0x0] =	wrdreg $0xFFFFFFFF;
	(pc) =	sbr.abs _section_cstart, $3  }
0xcf: {  	[dreg:$0x1] =	wrdreg $0xFFFFFFFF  }
0xd0: {  	_ =	task.clear_ibuf [dreg:s13], $0x2FFFF;
	_ =	strace $0x9FFFFFFF  }
0xd1: {  	(tm) =	ssettm $0x7FFFFFFF  }
tec
execute0_lowered:
.L_overlay_start_1:
0x0: {  	(tag) =	ssettag $0x1  }
0x1: {  	s0 =	rddreg [dreg:$0x0]  }
0x2: {  	s3 =	rddreg [dreg:$0x1]  }
0x3: {  	s4 =	rddreg [dreg:$0x2]  }
0x4: {  	s1 =	rddreg [dreg:$0x3]  }
0x5: {  	s2 =	rddreg [dreg:$0x4]  }
0x6: {  	s5 =	rddreg [dreg:$0x5]  }
0x7: {  	s6 =	rddreg [dreg:$0x6];
	s11 =	simm.s32 $0x0  }
0x8: {  	s7 =	srdreg.scid;
	s9 =	stileid.u32;
	s15 =	simm.s32 $0x400  }
0x9: {  	s16 =	simm.s32 $0x7A1400;
	s17 =	simm.s32 $0x780;
	s30 =	simm.s32 $0xC780  }
0xa: {  	s28 =	simm.s32 $0xD;
	s29 =	simm.s32 $0xE;
	s31 =	simm.s32 $0xF  }
0xb: {  	s12 =	simm.s32 $0x12;
	s13 =	simm.s32 $0x13;
	s14 =	simm.s32 $0x0  }
0xc: {  	v0 =	vlaneseq.u32;
	[smem:$0x7FF] =	sst s11;
	s7 =	sand.u32 $0x1, s7;
	s9 =	sshll.u32 s9, $0x7  }
0xd: {  	v1 =	vmul.u32 $0x80, v0;
	s8 =	ssub.s32 $0x2, s7;
	s7 =	sshll.u32 s7, $0x6;
	_ =	strace $0x80000047  }
0xe: {  	s10 =	sshrl.u32 s8, $0x1;
	s7 =	sor.u32 s7, s9;
	s9 =	simm.s32 $0x18  }
0xf: {  	v2 =	vor.u32 $0x800, v1;
	v3 =	vor.u32 $0x4000, v1;
	s8 =	ssub.s32 s8, s10;
	s0 =	sadd.s32 s0, s7;
	s22 =	sadd.s32 s3, s7  }
0x10: {  	v4 =	vor.u32 $0x4800, v1;
	v5 =	vor.u32 $0x8000, v1;
	v6 =	vor.u32 $0x8800, v1;
	s23 =	sadd.s32 s4, s7;
	s24 =	sadd.s32 s5, s7;
	[dreg:$0x8] =	wrdreg s0  }
0x11: {  	v7 =	vor.u32 $0x1000, v1;
	v8 =	vor.u32 $0x1800, v1;
	v9 =	vor.u32 $0x5000, v1;
	s25 =	sadd.s32 s6, s7;
	s10 =	simm.s32 $0x19;
	[dreg:$0x9] =	wrdreg s22  }
.Ltmp0:
0x12: {  	v10 =	vor.u32 $0x5800, v1;
	v11 =	vor.u32 $0x9000, v1;
	v12 =	vor.u32 $0x9800, v1;
	s3 =	simm.s32 $0x11;
	[dreg:$0xa] =	wrdreg s23;
	(pc) =	sbr.rel .LBB2_1-.Ltmp0, $4  }
0x13: {  	v13 =	vor.u32 $0x2000, v1;
	v14 =	vor.u32 $0x2800, v1;
	v15 =	vor.u32 $0x6000, v1;
	s5 =	simm.s32 $0x14;
	s6 =	simm.s32 $0x15;
	[dreg:$0xb] =	wrdreg s24  }
0x14: {  	v16 =	vor.u32 $0x6800, v1;
	v17 =	vor.u32 $0xA000, v1;
	v18 =	vor.u32 $0xA800, v1;
	s7 =	simm.s32 $0x16;
	[dreg:$0xc] =	wrdreg s25;
	s26 =	smax.u32 s8, $0x1  }
0x15: {  	v19 =	vor.u32 $0x3000, v1;
	v20 =	vor.u32 $0x3800, v1;
	v21 =	vor.u32 $0x7000, v1;
	s24 =	simm.s32 $0xA;
	s25 =	simm.s32 $0xB;
	s0 =	simm.s32 $0x10  }
0x16: {  	v22 =	vor.u32 $0x7800, v1;
	v23 =	vor.u32 $0xB000, v1;
	v24 =	vor.u32 $0xB800, v1;
	s8 =	simm.s32 $0x17;
	[dreg:$0xd] =	wrdreg s26;
	s26 =	simm.s32 $0xC  }
.LBB2_5:
0x17: {  	s11 =	simm.s32 $0x0;
	s4 =	rddreg [dreg:$0xb];
	s10 =	simm.s32 $0x18780  }
0x18: {  	[hbm4b:s4+s11] =	stream.linear.scatter [tilespmem:s10], [sflag:$0x19], $0x200, $0x38;
	[tilespmem:$0x18B80] =	vst v63  }
0x19: {  	s10 =	simm.s32 $0x19  }
0x1a: {  	_ =	swait.ge [sflag:s10], $0x200  }
0x1b: {  	[sflag:s10] =	ssyncset.done $0x0  }
0x1c: {  	s14 =	simm.s32 $0x18980;
	s21 =	rddreg [dreg:$0xc];
	[sflag:s10] =	ssyncadd.s32 $0xFFFFFE00  }
0x1d: {  	[hbm4b:s21+s11] =	stream.linear.scatter [tilespmem:s14], [sflag:$0x19], $0x200, $0x38;
	[tilespmem:$0x18B80] =	vst v63  }
0x1e: {  	_ =	swait.ge [sflag:s10], $0x200  }
0x1f: {  	s22 =	rddreg [dreg:$0xe]  }
0x20: {  	s23 =	rddreg [dreg:$0xd];
	s14 =	sadd.s32 $0x1, s22  }
0x21: {  	p0 =	sne.s32 s14, s23  }
.Ltmp1:
0x22: {  	_ = 	snop;
	(pc) =	sbr.rel @!p0 .LBB2_6-.Ltmp1, $3  }
0x23: {  	_ =	sdelay $0x1  }
0x24: {  	[sflag:s10] =	ssyncset.done $0x0  }
0x25: {  	[sflag:s10] =	ssyncadd.s32 $0xFFFFFE00  }
.LBB2_1:
0x26: {  	[dreg:$0xe] =	wrdreg s14  }
0x27: {  	s4 =	rddreg [dreg:$0x8]  }
0x28: {  	[tilespmem:s11], [sflag:$0x19] =	stream.linear.gather [hbm4b:s4+s11], $0x200, $0x38;
	[tilespmem:$0x18B80] =	vst v63  }
0x29: {  	_ =	swait.ge [sflag:s10], $0x200  }
0x2a: {  	[sflag:s10] =	ssyncset.done $0x0  }
0x2b: {  	s21 =	simm.s32 $0x280;
	s20 =	rddreg [dreg:$0x9];
	[sflag:s10] =	ssyncadd.s32 $0xFFFFFE00  }
0x2c: {  	[tilespmem:s21], [sflag:$0x19] =	stream.linear.gather [hbm4b:s20+s11], $0x200, $0x38;
	[tilespmem:$0x18B80] =	vst v63  }
0x2d: {  	_ =	swait.ge [sflag:s10], $0x200  }
0x2e: {  	[sflag:s10] =	ssyncset.done $0x0  }
0x2f: {  	s23 =	simm.s32 $0x500;
	s22 =	rddreg [dreg:$0xa];
	[sflag:s10] =	ssyncadd.s32 $0xFFFFFE00  }
0x30: {  	[tilespmem:s23], [sflag:$0x19] =	stream.linear.gather [hbm4b:s22+s11], $0x200, $0x38;
	[tilespmem:$0x18B80] =	vst v63  }
0x31: {  	_ =	swait.ge [sflag:s10], $0x200  }
0x32: {  	[sflag:s10] =	ssyncset.done $0x0  }
0x33: {  	[sflag:s10] =	ssyncadd.s32 $0xFFFFFE00  }
0x34: {  	v26 =	vld [tilespmem:$0x0];
	_ =	sdelay $0x4  }
0x35: {  	(v2sf) =	vpush v26, $0x0;
	_ =	sdelay $0x5  }
0x36: {  	(v2sf) =	vpush v26, $0x1;
	_ =	sdelay $0x8  }
0x37: {  	s14 =	spop (v2sf)  }
0x38: {  	(v2sf) =	vpush v26, $0x2;
	s18 =	sand.u32 $0x7F, s14  }
0x39: {  	s19 =	sshra.s32 s14, $0x1F;
	p0 =	slt.s32 s14, $0x1;
	p1 =	sne.s32 s18, $0x0  }
0x3a: {  	s20 =	sshrl.u32 s19, $0x19;
	p0 =	por !p0, !p1  }
0x3b: {  	s10 =	simm.s32 $0x1;
	s4 =	sadd.s32 s20, s14;
	p0 =	por !p0, !p0  }
0x3c: {  	s4 =	sshrl.u32 s4, $0x7;
	s10 =	simm.s32 @!p0 $0x0  }
0x3d: {  	s21 =	spop (v2sf);
	s4 =	ssub.s32 s4, s10  }
0x3e: {  	s22 =	sand.u32 $0x7F, s21;
	s23 =	sshra.s32 s21, $0x1F;
	s4 =	sshll.u32 s4, $0x7  }
0x3f: {  	(v2sf) =	vpush v26, $0x3;
	p3 =	slt.s32 s21, $0x1;
	p4 =	sne.s32 s22, $0x0;
	s4 =	sand.u32 $0x1FFFFF80, s4  }
0x40: {  	v27 =	vld [tilespmem:$0x280];
	s11 =	sshrl.u32 s23, $0x19;
	p0 =	por !p3, !p4;
	s4 =	sadd.s32 s1, s4  }
0x41: {  	v25 =	vld [tilespmem:$0x500];
	[tilespmem:s17], [sflag:$0x1] =	stream.strided.gather [hbm4b:s4+s15], $0x1000, s16, s15, $0x38  }
0x42: {  	p0 =	por !p0, !p0;
	s10 =	simm.s32 $0x1;
	s4 =	sadd.s32 s11, s21  }
0x43: {  	s10 =	simm.s32 @!p0 $0x0;
	s4 =	sshrl.u32 s4, $0x7  }
0x44: {  	s4 =	ssub.s32 s4, s10  }
0x45: {  	s4 =	sshll.u32 s4, $0x7  }
0x46: {  	s4 =	sand.u32 $0x1FFFFF80, s4  }
0x47: {  	s14 =	simm.s32 $0x1780;
	s4 =	sadd.s32 s1, s4;
	s18 =	spop (v2sf)  }
0x48: {  	[tilespmem:s14], [sflag:$0x2] =	stream.strided.gather [hbm4b:s4+s15], $0x1000, s16, s15, $0x38;
	[tilespmem:$0x18B80] =	vst v63  }
0x49: {  	(v2sf) =	vpush v27, $0x0;
	s19 =	sand.u32 $0x7F, s18  }
0x4a: {  	s20 =	sshra.s32 s18, $0x1F;
	p5 =	slt.s32 s18, $0x1;
	p6 =	sne.s32 s19, $0x0  }
0x4b: {  	s21 =	sshrl.u32 s20, $0x19;
	p0 =	por !p5, !p6  }
0x4c: {  	s10 =	simm.s32 $0x1;
	s4 =	sadd.s32 s21, s18;
	p0 =	por !p0, !p0  }
0x4d: {  	s4 =	sshrl.u32 s4, $0x7;
	s10 =	simm.s32 @!p0 $0x0  }
0x4e: {  	s22 =	simm.s32 $0x2780;
	s23 =	spop (v2sf);
	s4 =	ssub.s32 s4, s10  }
0x4f: {  	s14 =	sand.u32 $0x7F, s23;
	p1 =	slt.s32 s23, $0x1;
	s4 =	sshll.u32 s4, $0x7  }
0x50: {  	(v2sf) =	vpush v27, $0x1;
	s18 =	sshra.s32 s23, $0x1F;
	p2 =	sne.s32 s14, $0x0;
	s4 =	sand.u32 $0x1FFFFF80, s4  }
0x51: {  	s19 =	sshrl.u32 s18, $0x19;
	p0 =	por !p1, !p2;
	s4 =	sadd.s32 s1, s4  }
0x52: {  	[tilespmem:s22], [sflag:$0x3] =	stream.strided.gather [hbm4b:s4+s15], $0x1000, s16, s15, $0x38;
	[tilespmem:$0x18B80] =	vst v63  }
0x53: {  	p0 =	por !p0, !p0;
	s10 =	simm.s32 $0x1;
	s4 =	sadd.s32 s19, s23  }
0x54: {  	s10 =	simm.s32 @!p0 $0x0;
	s4 =	sshrl.u32 s4, $0x7  }
0x55: {  	s4 =	ssub.s32 s4, s10  }
0x56: {  	s4 =	sshll.u32 s4, $0x7  }
0x57: {  	s4 =	sand.u32 $0x1FFFFF80, s4  }
0x58: {  	s20 =	simm.s32 $0x3780;
	s4 =	sadd.s32 s1, s4;
	s21 =	spop (v2sf)  }
0x59: {  	[tilespmem:s20], [sflag:$0x4] =	stream.strided.gather [hbm4b:s4+s15], $0x1000, s16, s15, $0x38;
	[tilespmem:$0x18B80] =	vst v63  }
0x5a: {  	(v2sf) =	vpush v27, $0x2;
	s22 =	sand.u32 $0x7F, s21  }
0x5b: {  	s23 =	sshra.s32 s21, $0x1F;
	p3 =	slt.s32 s21, $0x1;
	p4 =	sne.s32 s22, $0x0  }
0x5c: {  	s11 =	sshrl.u32 s23, $0x19;
	p0 =	por !p3, !p4  }
0x5d: {  	s10 =	simm.s32 $0x1;
	s4 =	sadd.s32 s11, s21;
	p0 =	por !p0, !p0  }
0x5e: {  	s4 =	sshrl.u32 s4, $0x7;
	s10 =	simm.s32 @!p0 $0x0  }
0x5f: {  	s14 =	simm.s32 $0x4780;
	s18 =	spop (v2sf);
	s4 =	ssub.s32 s4, s10  }
0x60: {  	s19 =	sand.u32 $0x7F, s18;
	s20 =	sshra.s32 s18, $0x1F;
	s4 =	sshll.u32 s4, $0x7  }
0x61: {  	(v2sf) =	vpush v27, $0x3;
	p5 =	slt.s32 s18, $0x1;
	p6 =	sne.s32 s19, $0x0;
	s4 =	sand.u32 $0x1FFFFF80, s4  }
0x62: {  	s21 =	sshrl.u32 s20, $0x19;
	p0 =	por !p5, !p6;
	s4 =	sadd.s32 s2, s4  }
0x63: {  	[tilespmem:s14], [sflag:$0x5] =	stream.strided.gather [hbm4b:s4+s15], $0x1000, s16, s15, $0x38;
	[tilespmem:$0x18B80] =	vst v63  }
0x64: {  	p0 =	por !p0, !p0;
	s10 =	simm.s32 $0x1;
	s4 =	sadd.s32 s21, s18  }
0x65: {  	s10 =	simm.s32 @!p0 $0x0;
	s4 =	sshrl.u32 s4, $0x7  }
0x66: {  	s4 =	ssub.s32 s4, s10  }
0x67: {  	s4 =	sshll.u32 s4, $0x7  }
0x68: {  	s4 =	sand.u32 $0x1FFFFF80, s4  }
0x69: {  	s22 =	simm.s32 $0x5780;
	s4 =	sadd.s32 s2, s4;
	s23 =	spop (v2sf)  }
0x6a: {  	[tilespmem:s22], [sflag:$0x6] =	stream.strided.gather [hbm4b:s4+s15], $0x1000, s16, s15, $0x38;
	[tilespmem:$0x18B80] =	vst v63  }
0x6b: {  	(v2sf) =	vpush v25, $0x0;
	s14 =	sand.u32 $0x7F, s23  }
0x6c: {  	s18 =	sshra.s32 s23, $0x1F;
	p1 =	slt.s32 s23, $0x1;
	p2 =	sne.s32 s14, $0x0  }
0x6d: {  	s19 =	sshrl.u32 s18, $0x19;
	p0 =	por !p1, !p2  }
0x6e: {  	s10 =	simm.s32 $0x1;
	s4 =	sadd.s32 s19, s23;
	p0 =	por !p0, !p0  }
0x6f: {  	s4 =	sshrl.u32 s4, $0x7;
	s10 =	simm.s32 @!p0 $0x0  }
0x70: {  	s20 =	simm.s32 $0x6780;
	s21 =	spop (v2sf);
	s4 =	ssub.s32 s4, s10  }
0x71: {  	s22 =	sand.u32 $0x7F, s21;
	p3 =	slt.s32 s21, $0x1;
	s4 =	sshll.u32 s4, $0x7  }
0x72: {  	(v2sf) =	vpush v25, $0x1;
	s23 =	sshra.s32 s21, $0x1F;
	p4 =	sne.s32 s22, $0x0;
	s4 =	sand.u32 $0x1FFFFF80, s4  }
0x73: {  	s11 =	sshrl.u32 s23, $0x19;
	p0 =	por !p3, !p4;
	s4 =	sadd.s32 s2, s4  }
0x74: {  	[tilespmem:s20], [sflag:$0x7] =	stream.strided.gather [hbm4b:s4+s15], $0x1000, s16, s15, $0x38;
	[tilespmem:$0x18B80] =	vst v63  }
0x75: {  	p0 =	por !p0, !p0;
	s10 =	simm.s32 $0x1;
	s4 =	sadd.s32 s11, s21  }
0x76: {  	s10 =	simm.s32 @!p0 $0x0;
	s4 =	sshrl.u32 s4, $0x7  }
0x77: {  	s4 =	ssub.s32 s4, s10  }
0x78: {  	s4 =	sshll.u32 s4, $0x7  }
0x79: {  	s4 =	sand.u32 $0x1FFFFF80, s4  }
0x7a: {  	s14 =	simm.s32 $0x7780;
	s4 =	sadd.s32 s2, s4;
	s18 =	spop (v2sf)  }
0x7b: {  	[tilespmem:s14], [sflag:$0x8] =	stream.strided.gather [hbm4b:s4+s15], $0x1000, s16, s15, $0x38;
	[tilespmem:$0x18B80] =	vst v63  }
0x7c: {  	(v2sf) =	vpush v25, $0x2;
	s19 =	sand.u32 $0x7F, s18  }
0x7d: {  	s20 =	sshra.s32 s18, $0x1F;
	p5 =	slt.s32 s18, $0x1;
	p6 =	sne.s32 s19, $0x0  }
0x7e: {  	s21 =	sshrl.u32 s20, $0x19;
	p0 =	por !p5, !p6  }
0x7f: {  	s10 =	simm.s32 $0x1;
	s4 =	sadd.s32 s21, s18;
	p0 =	por !p0, !p0  }
0x80: {  	s4 =	sshrl.u32 s4, $0x7;
	s10 =	simm.s32 @!p0 $0x0  }
0x81: {  	s22 =	simm.s32 $0x8780;
	s23 =	spop (v2sf);
	s4 =	ssub.s32 s4, s10  }
0x82: {  	s14 =	sand.u32 $0x7F, s23;
	p1 =	slt.s32 s23, $0x1;
	s4 =	sshll.u32 s4, $0x7  }
0x83: {  	(v2sf) =	vpush v25, $0x3;
	s18 =	sshra.s32 s23, $0x1F;
	p2 =	sne.s32 s14, $0x0;
	s4 =	sand.u32 $0x1FFFFF80, s4  }
0x84: {  	s19 =	sshrl.u32 s18, $0x19;
	p0 =	por !p1, !p2;
	s4 =	sadd.s32 s2, s4  }
0x85: {  	[tilespmem:s22], [sflag:$0x9] =	stream.strided.gather [hbm4b:s4+s15], $0x1000, s16, s15, $0x38;
	[tilespmem:$0x18B80] =	vst v63  }
0x86: {  	p0 =	por !p0, !p0;
	s10 =	simm.s32 $0x1;
	s4 =	sadd.s32 s19, s23  }
0x87: {  	s10 =	simm.s32 @!p0 $0x0;
	s4 =	sshrl.u32 s4, $0x7  }
0x88: {  	s4 =	ssub.s32 s4, s10  }
0x89: {  	s4 =	sshll.u32 s4, $0x7  }
0x8a: {  	s4 =	sand.u32 $0x1FFFFF80, s4  }
0x8b: {  	s21 =	simm.s32 $0x9780;
	s20 =	spop (v2sf);
	s4 =	sadd.s32 s2, s4  }
0x8c: {  	[tilespmem:s21], [sflag:$0xA] =	stream.strided.gather [hbm4b:s4+s15], $0x1000, s16, s15, $0x38;
	[tilespmem:$0x18B80] =	vst v63  }
0x8d: {  	s22 =	sand.u32 $0x7F, s20  }
0x8e: {  	s23 =	sshra.s32 s20, $0x1F;
	p3 =	slt.s32 s20, $0x1;
	p4 =	sne.s32 s22, $0x0  }
0x8f: {  	s14 =	sshrl.u32 s23, $0x19;
	p0 =	por !p3, !p4  }
0x90: {  	s10 =	simm.s32 $0x1;
	s4 =	sadd.s32 s14, s20;
	p0 =	por !p0, !p0  }
0x91: {  	s4 =	sshrl.u32 s4, $0x7;
	s10 =	simm.s32 @!p0 $0x0  }
0x92: {  	s18 =	simm.s32 $0xA780;
	s19 =	spop (v2sf);
	s4 =	ssub.s32 s4, s10  }
0x93: {  	s21 =	sshra.s32 s19, $0x1F;
	s20 =	sand.u32 $0x7F, s19;
	s4 =	sshll.u32 s4, $0x7  }
0x94: {  	p5 =	slt.s32 s19, $0x1;
	p6 =	sne.s32 s20, $0x0;
	s4 =	sand.u32 $0x1FFFFF80, s4  }
0x95: {  	s22 =	sshrl.u32 s21, $0x19;
	p0 =	por !p5, !p6;
	s4 =	sadd.s32 s2, s4  }
0x96: {  	[tilespmem:s18], [sflag:$0xB] =	stream.strided.gather [hbm4b:s4+s15], $0x1000, s16, s15, $0x38;
	[tilespmem:$0x18B80] =	vst v63  }
0x97: {  	p0 =	por !p0, !p0;
	s10 =	simm.s32 $0x1;
	s4 =	sadd.s32 s22, s19  }
0x98: {  	s10 =	simm.s32 @!p0 $0x0;
	s4 =	sshrl.u32 s4, $0x7  }
0x99: {  	s4 =	ssub.s32 s4, s10  }
.Ltmp2:
0x9a: {  	s4 =	sshll.u32 s4, $0x7;
	(pc) =	sbr.rel .LBB2_2-.Ltmp2, $4  }
0x9b: {  	s4 =	sand.u32 $0x1FFFFF80, s4  }
0x9c: {  	s23 =	simm.s32 $0xB780;
	s4 =	sadd.s32 s2, s4  }
0x9d: {  	[tilespmem:s23], [sflag:$0xC] =	stream.strided.gather [hbm4b:s4+s15], $0x1000, s16, s15, $0x38;
	[tilespmem:$0x18B80] =	vst v63  }
0x9e: {  	v26 =	vimm.f32 $0.0e+00;
	v25 =	vimm.f32 $0.0e+00;
	s14 =	simm.s32 $0x1;
	s10 =	simm.s32 $0x0;
	s4 =	simm.s32 $0x0  }
.LBB2_4:
0x9f: {  	_ =	swait.ge [sflag:s28], $0x1000  }
0xa0: {  	[sflag:s28] =	ssyncset.done $0x0  }
0xa1: {  	[sflag:s28] =	ssyncadd.s32 $0xFFFFF000  }
0xa2: {  	_ =	swait.ge [sflag:s29], $0x1000  }
0xa3: {  	[sflag:s29] =	ssyncset.done $0x0  }
0xa4: {  	[sflag:s29] =	ssyncadd.s32 $0xFFFFF000  }
0xa5: {  	_ =	swait.ge [sflag:s31], $0x1000  }
0xa6: {  	[sflag:s31] =	ssyncset.done $0x0  }
0xa7: {  	[sflag:s31] =	ssyncadd.s32 $0xFFFFF000  }
0xa8: {  	_ =	swait.ge [sflag:s0], $0x1000  }
0xa9: {  	[sflag:s0] =	ssyncset.done $0x0  }
0xaa: {  	[sflag:s0] =	ssyncadd.s32 $0xFFFFF000  }
0xab: {  	_ =	swait.ge [sflag:s3], $0x1000  }
0xac: {  	[sflag:s3] =	ssyncset.done $0x0  }
0xad: {  	[sflag:s3] =	ssyncadd.s32 $0xFFFFF000  }
0xae: {  	_ =	swait.ge [sflag:s12], $0x1000  }
0xaf: {  	[sflag:s12] =	ssyncset.done $0x0  }
0xb0: {  	[sflag:s12] =	ssyncadd.s32 $0xFFFFF000  }
0xb1: {  	_ =	swait.ge [sflag:s13], $0x1000  }
0xb2: {  	[sflag:s13] =	ssyncset.done $0x0  }
0xb3: {  	[sflag:s13] =	ssyncadd.s32 $0xFFFFF000  }
0xb4: {  	_ =	swait.ge [sflag:s5], $0x1000  }
0xb5: {  	[sflag:s5] =	ssyncset.done $0x0  }
0xb6: {  	[sflag:s5] =	ssyncadd.s32 $0xFFFFF000  }
0xb7: {  	_ =	swait.ge [sflag:s6], $0x1000  }
0xb8: {  	[sflag:s6] =	ssyncset.done $0x0  }
0xb9: {  	[sflag:s6] =	ssyncadd.s32 $0xFFFFF000  }
0xba: {  	_ =	swait.ge [sflag:s7], $0x1000  }
0xbb: {  	[sflag:s7] =	ssyncset.done $0x0  }
0xbc: {  	[sflag:s7] =	ssyncadd.s32 $0xFFFFF000  }
0xbd: {  	_ =	swait.ge [sflag:s8], $0x1000  }
0xbe: {  	[sflag:s8] =	ssyncset.done $0x0  }
0xbf: {  	[sflag:s8] =	ssyncadd.s32 $0xFFFFF000  }
0xc0: {  	_ =	swait.ge [sflag:s9], $0x1000  }
0xc1: {  	[sflag:s9] =	ssyncset.done $0x0  }
0xc2: {  	[sflag:s9] =	ssyncadd.s32 $0xFFFFF000  }
0xc3: {  	v35 =	vld [tilespmem:s11+$0x4];
	_ =	sdelay $0x1  }
0xc4: {  	v36 =	vld [tilespmem:s11+$0x284];
	_ =	sdelay $0x1  }
0xc5: {  	v37 =	vld [tilespmem:s11+$0x504]  }
0xc6: {  	(v2sf) =	vpush v35, $0x0;
	_ =	sdelay $0x1  }
0xc7: {  	(v2sf) =	vpush v36, $0x0;
	_ =	sdelay $0x1  }
0xc8: {  	(v2sf) =	vpush v37, $0x0;
	_ =	sdelay $0x1  }
0xc9: {  	(v2sf) =	vpush v35, $0x1;
	_ =	sdelay $0x1  }
0xca: {  	(v2sf) =	vpush v36, $0x1;
	_ =	sdelay $0x1  }
0xcb: {  	(v2sf) =	vpush v37, $0x1;
	_ =	sdelay $0x1  }
0xcc: {  	(v2sf) =	vpush v35, $0x2;
	_ =	sdelay $0x1  }
0xcd: {  	(v2sf) =	vpush v36, $0x2  }
0xce: {  	s23 =	spop (v2sf)  }
0xcf: {  	(v2sf) =	vpush v37, $0x2;
	s18 =	sshra.s32 s23, $0x1F  }
0xd0: {  	s19 =	spop (v2sf);
	s18 =	sshrl.u32 s18, $0x19  }
0xd1: {  	(v2sf) =	vpush v35, $0x3;
	s20 =	sshra.s32 s19, $0x1F;
	s18 =	sadd.s32 s18, s23  }
0xd2: {  	s21 =	spop (v2sf);
	s20 =	sshrl.u32 s20, $0x19;
	s18 =	sand.u32 $0xFFFFFF80, s18  }
0xd3: {  	(v2sf) =	vpush v36, $0x3;
	s22 =	sadd.s32 s20, s19;
	s11 =	ssub.s32 s23, s18;
	s23 =	sshra.s32 s21, $0x1F  }
0xd4: {  	s18 =	sand.u32 $0xFFFFFF80, s22;
	s22 =	spop (v2sf);
	v59 =	vadd.s32 s11, v1;
	s20 =	sshrl.u32 s23, $0x19  }
0xd5: {  	(v2sf) =	vpush v37, $0x3;
	v60 =	vadd.s32 s11, v2;
	s11 =	ssub.s32 s19, s18;
	s23 =	sshra.s32 s22, $0x1F;
	s19 =	sadd.s32 s20, s21  }
0xd6: {  	s20 =	spop (v2sf);
	v61 =	vadd.s32 s11, v3;
	s18 =	sand.u32 $0xFFFFFF80, s19;
	s19 =	sshrl.u32 s23, $0x19  }
0xd7: {  	v38 =	vadd.s32 s11, v4;
	s23 =	sshra.s32 s20, $0x1F;
	s11 =	ssub.s32 s21, s18;
	s19 =	sadd.s32 s19, s22  }
0xd8: {  	s21 =	spop (v2sf);
	v39 =	vadd.s32 s11, v5;
	s18 =	sand.u32 $0xFFFFFF80, s19;
	s19 =	sshrl.u32 s23, $0x19  }
0xd9: {  	v40 =	vadd.s32 s11, v6;
	s23 =	sshra.s32 s21, $0x1F;
	v35 =	vld.idx.msk [tilespmem:v59+s30+$0x0], $0xffff;
	s11 =	ssub.s32 s22, s18;
	s19 =	sadd.s32 s19, s20  }
0xda: {  	s22 =	spop (v2sf);
	v36 =	vld.idx.msk [tilespmem:v60+s30+$0x0], $0xffff;
	v41 =	vadd.s32 s11, v7;
	s18 =	sand.u32 $0xFFFFFF80, s19;
	s19 =	sshrl.u32 s23, $0x19  }
0xdb: {  	v37 =	vld.idx.msk [tilespmem:v61+s30+$0x0], $0xffff;
	v42 =	vadd.s32 s11, v8;
	s23 =	sshra.s32 s22, $0x1F;
	s11 =	ssub.s32 s20, s18;
	s19 =	sadd.s32 s19, s21  }
0xdc: {  	v38 =	vld.idx.msk [tilespmem:v38+s30+$0x0], $0xffff;
	s20 =	spop (v2sf);
	v43 =	vadd.s32 s11, v9;
	s18 =	sand.u32 $0xFFFFFF80, s19;
	s19 =	sshrl.u32 s23, $0x19  }
0xdd: {  	v44 =	vadd.s32 s11, v10;
	s23 =	sshra.s32 s20, $0x1F;
	v39 =	vld.idx.msk [tilespmem:v39+s30+$0x0], $0xffff;
	s11 =	ssub.s32 s21, s18;
	s19 =	sadd.s32 s19, s22  }
0xde: {  	s21 =	spop (v2sf);
	v40 =	vld.idx.msk [tilespmem:v40+s30+$0x0], $0xffff;
	v45 =	vadd.s32 s11, v11;
	s18 =	sand.u32 $0xFFFFFF80, s19;
	s19 =	sshrl.u32 s23, $0x19  }
0xdf: {  	v46 =	vadd.s32 s11, v12;
	s23 =	sshra.s32 s21, $0x1F;
	v41 =	vld.idx.msk [tilespmem:v41+s30+$0x0], $0xffff;
	s11 =	ssub.s32 s22, s18;
	s19 =	sadd.s32 s19, s20  }
0xe0: {  	s22 =	spop (v2sf);
	v42 =	vld.idx.msk [tilespmem:v42+s30+$0x0], $0xffff;
	v47 =	vadd.s32 s11, v13;
	s18 =	sand.u32 $0xFFFFFF80, s19;
	s19 =	sshrl.u32 s23, $0x19  }
0xe1: {  	v48 =	vadd.s32 s11, v14;
	s23 =	sshra.s32 s22, $0x1F;
	v43 =	vld.idx.msk [tilespmem:v43+s30+$0x0], $0xffff;
	s11 =	ssub.s32 s20, s18;
	s19 =	sadd.s32 s19, s21  }
0xe2: {  	s20 =	spop (v2sf);
	v44 =	vld.idx.msk [tilespmem:v44+s30+$0x0], $0xffff;
	v49 =	vadd.s32 s11, v15;
	s18 =	sand.u32 $0xFFFFFF80, s19;
	s19 =	sshrl.u32 s23, $0x19  }
0xe3: {  	v50 =	vadd.s32 s11, v16;
	v45 =	vld.idx.msk [tilespmem:v45+s30+$0x0], $0xffff;
	s23 =	ssub.s32 s21, s18;
	s19 =	sadd.s32 s19, s22;
	s21 =	sshra.s32 s20, $0x1F  }
0xe4: {  	v46 =	vld.idx.msk [tilespmem:v46+s30+$0x0], $0xffff;
	v51 =	vadd.s32 s23, v17;
	s18 =	sand.u32 $0xFFFFFF80, s19;
	s19 =	sshrl.u32 s21, $0x19;
	s21 =	spop (v2sf)  }
0xe5: {  	v52 =	vadd.s32 s23, v18;
	v47 =	vld.idx.msk [tilespmem:v47+s30+$0x0], $0xffff;
	s23 =	ssub.s32 s22, s18;
	s19 =	sadd.s32 s19, s20;
	s22 =	sshra.s32 s21, $0x1F  }
0xe6: {  	v48 =	vld.idx.msk [tilespmem:v48+s30+$0x0], $0xffff;
	v53 =	vadd.s32 s23, v19;
	s18 =	sand.u32 $0xFFFFFF80, s19;
	s19 =	sshrl.u32 s22, $0x19  }
0xe7: {  	v54 =	vadd.s32 s23, v20;
	v49 =	vld.idx.msk [tilespmem:v49+s30+$0x0], $0xffff;
	s23 =	ssub.s32 s20, s18;
	s20 =	sadd.s32 s19, s21  }
0xe8: {  	v50 =	vld.idx.msk [tilespmem:v50+s30+$0x0], $0xffff;
	v55 =	vadd.s32 s23, v21;
	s18 =	sand.u32 $0xFFFFFF80, s20  }
0xe9: {  	v56 =	vadd.s32 s23, v22;
	v51 =	vld.idx.msk [tilespmem:v51+s30+$0x0], $0xffff;
	s21 =	ssub.s32 s21, s18  }
0xea: {  	v52 =	vld.idx.msk [tilespmem:v52+s30+$0x0], $0xffff;
	v57 =	vadd.s32 s21, v23  }
0xeb: {  	v58 =	vadd.s32 s21, v24;
	v53 =	vld.idx.msk [tilespmem:v53+s30+$0x0], $0xffff  }
0xec: {  	v37 =	vmul.f32 v37, v35;
	v38 =	vmul.f32 v38, v36;
	v54 =	vld.idx.msk [tilespmem:v54+s30+$0x0], $0xffff  }
0xed: {  	v35 =	vmul.f32 v39, v35;
	v36 =	vmul.f32 v40, v36;
	v55 =	vld.idx.msk [tilespmem:v55+s30+$0x0], $0xffff  }
0xee: {  	v56 =	vld.idx.msk [tilespmem:v56+s30+$0x0], $0xffff  }
0xef: {  	v33 =	vbroadcast v33, $0xF;
	v37 =	vadd.f32 v38, v37;
	v35 =	vadd.f32 v36, v35;
	s22 =	sand.u32 $0x8, s10;
	v39 =	vld.idx.msk [tilespmem:v57+s30+$0x0], $0xffff  }
0xf0: {  	v62 =	vmul.f32 v43, v41;
	v63 =	vmul.f32 v44, v42;
	v59 =	vmov s22;
	v43 =	vld.idx.msk [tilespmem:v58+s30+$0x0], $0xffff  }
0xf1: {  	vm0 =	veq.s32 v59, v0;
	v44 =	vmul.f32 v45, v41;
	v45 =	vmul.f32 v46, v42  }
0xf2: {  	(xrf2) =	vadd.scan.msk.f32 $0xffff, v37;
	v46 =	vadd.f32 v63, v62;
	v49 =	vmul.f32 v49, v47;
	v57 =	vmul.f32 v50, v48  }
0xf3: {  	(xrf2) =	vadd.scan.msk.f32 $0xffff, v35;
	v59 =	vmul.f32 v51, v47;
	v60 =	vmul.f32 v52, v48;
	v58 =	vadd.f32 v45, v44  }
0xf4: {  	(xrf2) =	vadd.scan.msk.f32 $0xffff, v46;
	v61 =	vadd.f32 v57, v49;
	v62 =	vmul.f32 v55, v53;
	v63 =	vmul.f32 v56, v54  }
0xf5: {  	v44 =	vadd.f32 v60, v59;
	(xrf2) =	vadd.scan.msk.f32 $0xffff, v58;
	v45 =	vmul.f32 v39, v53;
	v46 =	vmul.f32 v43, v54  }
0xf6: {  	v34 =	vbroadcast v34, $0xF;
	v32 =	vbroadcast v32, $0xF;
	(xrf2) =	vadd.scan.msk.f32 $0xffff, v61;
	v47 =	vadd.f32 v63, v62  }
0xf7: {  	v31 =	vbroadcast v31, $0xF;
	v30 =	vbroadcast v30, $0xF;
	(xrf2) =	vadd.scan.msk.f32 $0xffff, v44;
	v48 =	vadd.f32 v46, v45  }
0xf8: {  	v29 =	vbroadcast v29, $0xF;
	v28 =	vbroadcast v28, $0xF;
	s19 =	sor.u32 $0x2, s22;
	(xrf2) =	vadd.scan.msk.f32 $0xffff, v47  }
0xf9: {  	v27 =	vbroadcast v27, $0xF;
	s11 =	sor.u32 $0x3, s22;
	s23 =	sor.u32 $0x1, s22;
	s20 =	sand.u32 $0x3, s14;
	v26 =	vsel vm0, v33, v26;
	v25 =	vsel vm0, v34, v25;
	(xrf2) =	vadd.scan.msk.f32 $0xffff, v48  }
0xfa: {  	s21 =	sshll.u32 s20, $0x2;
	v51 =	vmov s11;
	v50 =	vmov s19;
	v49 =	vmov s23  }
0xfb: {  	s18 =	sor.u32 $0x2, s21;
	vm11 =	veq.s32 v51, v0;
	vm10 =	veq.s32 v50, v0;
	vm1 =	veq.s32 v49, v0  }
0xfc: {  	s22 =	sor.u32 $0x1, s21;
	v52, _, _ =	vpop (xrf2);
	v60 =	vmov s18;
	v26 =	vsel vm1, v32, v26;
	v25 =	vsel vm1, v31, v25  }
0xfd: {  	v57 =	vmov s22;
	v26 =	vsel vm10, v30, v26;
	v53, _, _ =	vpop (xrf2);
	v25 =	vsel vm10, v29, v25  }
0xfe: {  	v54 =	vmov s21;
	v55, _, _ =	vpop (xrf2);
	v25 =	vsel vm11, v27, v25;
	v27 =	vbroadcast v52, $0xF  }
0xff: {  	v26 =	vsel vm11, v28, v26;
	vm12 =	veq.s32 v54, v0;
	v30 =	vbroadcast v53, $0xF;
	v56, _, _ =	vpop (xrf2)  }
0x100: {  	vm14 =	veq.s32 v60, v0;
	v26 =	vsel vm12, v27, v26;
	v27 =	vbroadcast v56, $0xF;
	v58, _, _ =	vpop (xrf2)  }
0x101: {  	s4 =	sadd.s32 $0x20, s4;
	s23 =	sshllo.u32 s20, $0x2;
	vm13 =	veq.s32 v57, v0;
	v29 =	vbroadcast v55, $0xF;
	v25 =	vsel vm12, v30, v25;
	v59, _, _ =	vpop (xrf2)  }
0x102: {  	p1 =	sne.s32 s4, $0x800;
	v62 =	vmov s23;
	v25 =	vsel vm13, v27, v25;
	v27 =	vbroadcast v58, $0xF;
	v61, _, _ =	vpop (xrf2)  }
.Ltmp3:
0x103: {  	v26 =	vsel vm13, v29, v26;
	v28 =	vbroadcast v59, $0xF;
	v30 =	vbroadcast v61, $0xF;
	v63, _, _ =	vpop (xrf2);
	(pc) =	sbr.rel @!p1 .LBB2_5-.Ltmp3, $4  }
0x104: {  	p0 =	sne.s32 s20, $0x3;
	vm15 =	veq.s32 v62, v0;
	v26 =	vsel vm14, v27, v26;
	v27 =	vbroadcast v63, $0xF  }
0x105: {  	s11 =	sand.u32 @!p0 $0x1F0, s10;
	s18 =	simm.f32 @!p0 $0.0e+00;
	v25 =	vsel vm14, v28, v25;
	v26 =	vsel vm15, v30, v26  }
0x106: {  	s18 =	simm.f32 @p0 $1.000000000e+00;
	[tilespmem:s11+$0x18780] =	vst @!p0 v26;
	v25 =	vsel vm15, v27, v25  }
0x107: {  	s14 =	sadd.s32 $0x2, s14;
	s10 =	sadd.s32 $0x8, s10;
	v26 =	vmul.f32 s18, v26;
	[tilespmem:s11+$0x18980] =	vst @!p0 v25;
	v25 =	vmul.f32 s18, v25  }
.LBB2_2:
0x108: {  	s11 =	sshra.s32 s4, $0x2  }
0x109: {  	v28 =	vld [tilespmem:s11+$0x4];
	_ =	sdelay $0x4  }
0x10a: {  	(v2sf) =	vpush v28, $0x0;
	_ =	sdelay $0xa  }
0x10b: {  	(v2sf) =	vpush v28, $0x1;
	_ =	sdelay $0x3  }
0x10c: {  	s18 =	spop (v2sf)  }
0x10d: {  	s19 =	sand.u32 $0x7F, s18  }
0x10e: {  	s20 =	sshra.s32 s18, $0x1F;
	p0 =	slt.s32 s18, $0x1;
	p1 =	sne.s32 s19, $0x0  }
0x10f: {  	s20 =	sshrl.u32 s20, $0x19;
	p0 =	por !p0, !p1  }
0x110: {  	s19 =	simm.s32 $0x1;
	s18 =	sadd.s32 s20, s18;
	p0 =	por !p0, !p0  }
0x111: {  	s18 =	sshrl.u32 s18, $0x7;
	s19 =	simm.s32 @!p0 $0x0  }
0x112: {  	s18 =	ssub.s32 s18, s19  }
0x113: {  	(v2sf) =	vpush v28, $0x2;
	s18 =	sshll.u32 s18, $0x7  }
0x114: {  	s18 =	sand.u32 $0x1FFFFF80, s18  }
0x115: {  	v29 =	vld [tilespmem:s11+$0x284];
	s18 =	sadd.s32 s1, s18  }
0x116: {  	v27 =	vld [tilespmem:s11+$0x504];
	[tilespmem:s30], [sflag:$0xD] =	stream.strided.gather [hbm4b:s18+s15], $0x1000, s16, s15, $0x38  }
0x117: {  	s18 =	spop (v2sf)  }
0x118: {  	s21 =	sand.u32 $0x7F, s18  }
0x119: {  	s22 =	sshra.s32 s18, $0x1F;
	p3 =	slt.s32 s18, $0x1;
	p4 =	sne.s32 s21, $0x0  }
0x11a: {  	s23 =	sshrl.u32 s22, $0x19;
	p0 =	por !p3, !p4  }
0x11b: {  	s19 =	simm.s32 $0x1;
	s18 =	sadd.s32 s23, s18;
	p0 =	por !p0, !p0  }
0x11c: {  	s18 =	sshrl.u32 s18, $0x7;
	s19 =	simm.s32 @!p0 $0x0  }
0x11d: {  	s18 =	ssub.s32 s18, s19  }
0x11e: {  	(v2sf) =	vpush v28, $0x3;
	s18 =	sshll.u32 s18, $0x7  }
0x11f: {  	s18 =	sand.u32 $0x1FFFFF80, s18  }
0x120: {  	s20 =	simm.s32 $0xD780;
	s18 =	sadd.s32 s1, s18  }
0x121: {  	[tilespmem:s20], [sflag:$0xE] =	stream.strided.gather [hbm4b:s18+s15], $0x1000, s16, s15, $0x38;
	[tilespmem:$0x18B80] =	vst v63  }
0x122: {  	s18 =	spop (v2sf)  }
0x123: {  	s21 =	sand.u32 $0x7F, s18  }
0x124: {  	s22 =	sshra.s32 s18, $0x1F;
	p5 =	slt.s32 s18, $0x1;
	p6 =	sne.s32 s21, $0x0  }
0x125: {  	s23 =	sshrl.u32 s22, $0x19;
	p0 =	por !p5, !p6  }
0x126: {  	s19 =	simm.s32 $0x1;
	s18 =	sadd.s32 s23, s18;
	p0 =	por !p0, !p0  }
0x127: {  	s18 =	sshrl.u32 s18, $0x7;
	s19 =	simm.s32 @!p0 $0x0  }
0x128: {  	s18 =	ssub.s32 s18, s19  }
0x129: {  	(v2sf) =	vpush v29, $0x0;
	s18 =	sshll.u32 s18, $0x7  }
0x12a: {  	s18 =	sand.u32 $0x1FFFFF80, s18  }
0x12b: {  	s20 =	simm.s32 $0xE780;
	s18 =	sadd.s32 s1, s18  }
0x12c: {  	[tilespmem:s20], [sflag:$0xF] =	stream.strided.gather [hbm4b:s18+s15], $0x1000, s16, s15, $0x38;
	[tilespmem:$0x18B80] =	vst v63  }
0x12d: {  	s18 =	spop (v2sf)  }
0x12e: {  	s21 =	sand.u32 $0x7F, s18  }
0x12f: {  	s22 =	sshra.s32 s18, $0x1F;
	p1 =	slt.s32 s18, $0x1;
	p2 =	sne.s32 s21, $0x0  }
0x130: {  	s23 =	sshrl.u32 s22, $0x19;
	p0 =	por !p1, !p2  }
0x131: {  	s19 =	simm.s32 $0x1;
	s18 =	sadd.s32 s23, s18;
	p0 =	por !p0, !p0  }
0x132: {  	s18 =	sshrl.u32 s18, $0x7;
	s19 =	simm.s32 @!p0 $0x0  }
0x133: {  	s18 =	ssub.s32 s18, s19  }
0x134: {  	(v2sf) =	vpush v29, $0x1;
	s18 =	sshll.u32 s18, $0x7  }
0x135: {  	s18 =	sand.u32 $0x1FFFFF80, s18  }
0x136: {  	s20 =	simm.s32 $0xF780;
	s18 =	sadd.s32 s1, s18  }
0x137: {  	[tilespmem:s20], [sflag:$0x10] =	stream.strided.gather [hbm4b:s18+s15], $0x1000, s16, s15, $0x38;
	[tilespmem:$0x18B80] =	vst v63  }
0x138: {  	s18 =	spop (v2sf)  }
0x139: {  	s21 =	sand.u32 $0x7F, s18  }
0x13a: {  	s22 =	sshra.s32 s18, $0x1F;
	p3 =	slt.s32 s18, $0x1;
	p4 =	sne.s32 s21, $0x0  }
0x13b: {  	s23 =	sshrl.u32 s22, $0x19;
	p0 =	por !p3, !p4  }
0x13c: {  	s19 =	simm.s32 $0x1;
	s18 =	sadd.s32 s23, s18;
	p0 =	por !p0, !p0  }
0x13d: {  	s18 =	sshrl.u32 s18, $0x7;
	s19 =	simm.s32 @!p0 $0x0  }
0x13e: {  	s18 =	ssub.s32 s18, s19  }
0x13f: {  	(v2sf) =	vpush v29, $0x2;
	s18 =	sshll.u32 s18, $0x7  }
0x140: {  	s18 =	sand.u32 $0x1FFFFF80, s18  }
0x141: {  	s20 =	simm.s32 $0x10780;
	s18 =	sadd.s32 s2, s18  }
0x142: {  	[tilespmem:s20], [sflag:$0x11] =	stream.strided.gather [hbm4b:s18+s15], $0x1000, s16, s15, $0x38;
	[tilespmem:$0x18B80] =	vst v63  }
0x143: {  	s18 =	spop (v2sf)  }
0x144: {  	s21 =	sand.u32 $0x7F, s18  }
0x145: {  	s22 =	sshra.s32 s18, $0x1F;
	p5 =	slt.s32 s18, $0x1;
	p6 =	sne.s32 s21, $0x0  }
0x146: {  	s23 =	sshrl.u32 s22, $0x19;
	p0 =	por !p5, !p6  }
0x147: {  	s19 =	simm.s32 $0x1;
	s18 =	sadd.s32 s23, s18;
	p0 =	por !p0, !p0  }
0x148: {  	s18 =	sshrl.u32 s18, $0x7;
	s19 =	simm.s32 @!p0 $0x0  }
0x149: {  	s18 =	ssub.s32 s18, s19  }
0x14a: {  	(v2sf) =	vpush v29, $0x3;
	s18 =	sshll.u32 s18, $0x7  }
0x14b: {  	s18 =	sand.u32 $0x1FFFFF80, s18  }
0x14c: {  	s20 =	simm.s32 $0x11780;
	s18 =	sadd.s32 s2, s18  }
0x14d: {  	[tilespmem:s20], [sflag:$0x12] =	stream.strided.gather [hbm4b:s18+s15], $0x1000, s16, s15, $0x38;
	[tilespmem:$0x18B80] =	vst v63  }
0x14e: {  	s18 =	spop (v2sf)  }
0x14f: {  	s21 =	sand.u32 $0x7F, s18  }
0x150: {  	s22 =	sshra.s32 s18, $0x1F;
	p1 =	slt.s32 s18, $0x1;
	p2 =	sne.s32 s21, $0x0  }
0x151: {  	s23 =	sshrl.u32 s22, $0x19;
	p0 =	por !p1, !p2  }
0x152: {  	s19 =	simm.s32 $0x1;
	s18 =	sadd.s32 s23, s18;
	p0 =	por !p0, !p0  }
0x153: {  	s18 =	sshrl.u32 s18, $0x7;
	s19 =	simm.s32 @!p0 $0x0  }
0x154: {  	s18 =	ssub.s32 s18, s19  }
0x155: {  	(v2sf) =	vpush v27, $0x0;
	s18 =	sshll.u32 s18, $0x7  }
0x156: {  	s18 =	sand.u32 $0x1FFFFF80, s18  }
0x157: {  	s20 =	simm.s32 $0x12780;
	s18 =	sadd.s32 s2, s18  }
0x158: {  	[tilespmem:s20], [sflag:$0x13] =	stream.strided.gather [hbm4b:s18+s15], $0x1000, s16, s15, $0x38;
	[tilespmem:$0x18B80] =	vst v63  }
0x159: {  	s18 =	spop (v2sf)  }
0x15a: {  	s21 =	sand.u32 $0x7F, s18  }
0x15b: {  	s22 =	sshra.s32 s18, $0x1F;
	p3 =	slt.s32 s18, $0x1;
	p4 =	sne.s32 s21, $0x0  }
0x15c: {  	(v2sf) =	vpush v27, $0x1;
	s23 =	sshrl.u32 s22, $0x19;
	p0 =	por !p3, !p4  }
0x15d: {  	s19 =	simm.s32 $0x1;
	s18 =	sadd.s32 s23, s18;
	p0 =	por !p0, !p0  }
0x15e: {  	s18 =	sshrl.u32 s18, $0x7;
	s19 =	simm.s32 @!p0 $0x0  }
0x15f: {  	s18 =	ssub.s32 s18, s19  }
0x160: {  	s18 =	sshll.u32 s18, $0x7  }
0x161: {  	s18 =	sand.u32 $0x1FFFFF80, s18  }
0x162: {  	s20 =	simm.s32 $0x13780;
	s18 =	sadd.s32 s2, s18  }
0x163: {  	[tilespmem:s20], [sflag:$0x14] =	stream.strided.gather [hbm4b:s18+s15], $0x1000, s16, s15, $0x38;
	[tilespmem:$0x18B80] =	vst v63  }
0x164: {  	s18 =	spop (v2sf)  }
0x165: {  	s21 =	sand.u32 $0x7F, s18  }
0x166: {  	s22 =	sshra.s32 s18, $0x1F;
	p5 =	slt.s32 s18, $0x1;
	p6 =	sne.s32 s21, $0x0  }
0x167: {  	s23 =	sshrl.u32 s22, $0x19;
	p0 =	por !p5, !p6  }
0x168: {  	(v2sf) =	vpush v27, $0x2;
	s19 =	simm.s32 $0x1;
	s18 =	sadd.s32 s23, s18;
	p0 =	por !p0, !p0  }
0x169: {  	s18 =	sshrl.u32 s18, $0x7;
	s19 =	simm.s32 @!p0 $0x0  }
0x16a: {  	s18 =	ssub.s32 s18, s19  }
0x16b: {  	s20 =	simm.s32 $0x14780;
	s21 =	spop (v2sf);
	s18 =	sshll.u32 s18, $0x7  }
0x16c: {  	s22 =	sand.u32 $0x7F, s21;
	s23 =	sshra.s32 s21, $0x1F;
	s18 =	sand.u32 $0x1FFFFF80, s18  }
0x16d: {  	p1 =	slt.s32 s21, $0x1;
	p2 =	sne.s32 s22, $0x0;
	s18 =	sadd.s32 s2, s18  }
0x16e: {  	[tilespmem:s20], [sflag:$0x15] =	stream.strided.gather [hbm4b:s18+s15], $0x1000, s16, s15, $0x38;
	[tilespmem:$0x18B80] =	vst v63  }
0x16f: {  	(v2sf) =	vpush v27, $0x3;
	p0 =	por !p1, !p2;
	s20 =	sshrl.u32 s23, $0x19  }
0x170: {  	p0 =	por !p0, !p0;
	s19 =	simm.s32 $0x1;
	s18 =	sadd.s32 s20, s21  }
0x171: {  	s19 =	simm.s32 @!p0 $0x0;
	s18 =	sshrl.u32 s18, $0x7  }
0x172: {  	s18 =	ssub.s32 s18, s19  }
0x173: {  	s18 =	sshll.u32 s18, $0x7  }
0x174: {  	s18 =	sand.u32 $0x1FFFFF80, s18  }
0x175: {  	s21 =	simm.s32 $0x15780;
	s18 =	sadd.s32 s2, s18  }
0x176: {  	[tilespmem:s21], [sflag:$0x16] =	stream.strided.gather [hbm4b:s18+s15], $0x1000, s16, s15, $0x38;
	[tilespmem:$0x18B80] =	vst v63  }
0x177: {  	s18 =	spop (v2sf)  }
0x178: {  	s22 =	sand.u32 $0x7F, s18  }
0x179: {  	s23 =	sshra.s32 s18, $0x1F;
	p3 =	slt.s32 s18, $0x1;
	p4 =	sne.s32 s22, $0x0  }
0x17a: {  	s21 =	sshrl.u32 s23, $0x19;
	p0 =	por !p3, !p4  }
0x17b: {  	s19 =	simm.s32 $0x1;
	s18 =	sadd.s32 s21, s18;
	p0 =	por !p0, !p0  }
0x17c: {  	s18 =	sshrl.u32 s18, $0x7;
	s19 =	simm.s32 @!p0 $0x0  }
0x17d: {  	s18 =	ssub.s32 s18, s19  }
0x17e: {  	s22 =	simm.s32 $0x16780;
	s23 =	spop (v2sf);
	s18 =	sshll.u32 s18, $0x7  }
0x17f: {  	s20 =	sand.u32 $0x7F, s23;
	s21 =	sshra.s32 s23, $0x1F;
	s18 =	sand.u32 $0x1FFFFF80, s18  }
0x180: {  	p5 =	slt.s32 s23, $0x1;
	p6 =	sne.s32 s20, $0x0;
	s18 =	sadd.s32 s2, s18  }
0x181: {  	[tilespmem:s22], [sflag:$0x17] =	stream.strided.gather [hbm4b:s18+s15], $0x1000, s16, s15, $0x38;
	[tilespmem:$0x18B80] =	vst v63  }
0x182: {  	p0 =	por !p5, !p6;
	s22 =	sshrl.u32 s21, $0x19  }
0x183: {  	p0 =	por !p0, !p0;
	s19 =	simm.s32 $0x1;
	s18 =	sadd.s32 s22, s23  }
0x184: {  	s19 =	simm.s32 @!p0 $0x0;
	s18 =	sshrl.u32 s18, $0x7  }
0x185: {  	s18 =	ssub.s32 s18, s19  }
0x186: {  	s18 =	sshll.u32 s18, $0x7  }
0x187: {  	s18 =	sand.u32 $0x1FFFFF80, s18  }
0x188: {  	s23 =	simm.s32 $0x17780;
	s19 =	simm.s32 $0x1;
	s18 =	sadd.s32 s2, s18  }
0x189: {  	[tilespmem:s23], [sflag:$0x18] =	stream.strided.gather [hbm4b:s18+s15], $0x1000, s16, s15, $0x38;
	[tilespmem:$0x18B80] =	vst v63  }
0x18a: {  	_ =	swait.ge [sflag:s19], $0x1000  }
0x18b: {  	[sflag:s19] =	ssyncset.done $0x0  }
0x18c: {  	s20 =	simm.s32 $0x2;
	[sflag:s19] =	ssyncadd.s32 $0xFFFFF000  }
0x18d: {  	_ =	swait.ge [sflag:s20], $0x1000  }
0x18e: {  	[sflag:s20] =	ssyncset.done $0x0  }
0x18f: {  	s21 =	simm.s32 $0x3;
	[sflag:s20] =	ssyncadd.s32 $0xFFFFF000  }
0x190: {  	_ =	swait.ge [sflag:s21], $0x1000  }
0x191: {  	[sflag:s21] =	ssyncset.done $0x0  }
0x192: {  	s22 =	simm.s32 $0x4;
	[sflag:s21] =	ssyncadd.s32 $0xFFFFF000  }
0x193: {  	_ =	swait.ge [sflag:s22], $0x1000  }
0x194: {  	[sflag:s22] =	ssyncset.done $0x0  }
0x195: {  	s23 =	simm.s32 $0x5;
	[sflag:s22] =	ssyncadd.s32 $0xFFFFF000  }
0x196: {  	_ =	swait.ge [sflag:s23], $0x1000  }
0x197: {  	[sflag:s23] =	ssyncset.done $0x0  }
0x198: {  	s19 =	simm.s32 $0x6;
	[sflag:s23] =	ssyncadd.s32 $0xFFFFF000  }
0x199: {  	_ =	swait.ge [sflag:s19], $0x1000  }
0x19a: {  	[sflag:s19] =	ssyncset.done $0x0  }
0x19b: {  	s20 =	simm.s32 $0x7;
	[sflag:s19] =	ssyncadd.s32 $0xFFFFF000  }
0x19c: {  	_ =	swait.ge [sflag:s20], $0x1000  }
0x19d: {  	[sflag:s20] =	ssyncset.done $0x0  }
0x19e: {  	s21 =	simm.s32 $0x8;
	[sflag:s20] =	ssyncadd.s32 $0xFFFFF000  }
0x19f: {  	_ =	swait.ge [sflag:s21], $0x1000  }
0x1a0: {  	[sflag:s21] =	ssyncset.done $0x0  }
0x1a1: {  	s22 =	simm.s32 $0x9;
	[sflag:s21] =	ssyncadd.s32 $0xFFFFF000  }
0x1a2: {  	_ =	swait.ge [sflag:s22], $0x1000  }
0x1a3: {  	[sflag:s22] =	ssyncset.done $0x0  }
0x1a4: {  	[sflag:s22] =	ssyncadd.s32 $0xFFFFF000  }
0x1a5: {  	_ =	swait.ge [sflag:s24], $0x1000  }
0x1a6: {  	[sflag:s24] =	ssyncset.done $0x0  }
0x1a7: {  	[sflag:s24] =	ssyncadd.s32 $0xFFFFF000  }
0x1a8: {  	_ =	swait.ge [sflag:s25], $0x1000  }
0x1a9: {  	[sflag:s25] =	ssyncset.done $0x0  }
0x1aa: {  	[sflag:s25] =	ssyncadd.s32 $0xFFFFF000  }
0x1ab: {  	_ =	swait.ge [sflag:s26], $0x1000  }
0x1ac: {  	[sflag:s26] =	ssyncset.done $0x0  }
0x1ad: {  	[sflag:s26] =	ssyncadd.s32 $0xFFFFF000  }
0x1ae: {  	v27 =	vld [tilespmem:s11+$0x0];
	_ =	sdelay $0x1  }
0x1af: {  	v28 =	vld [tilespmem:s11+$0x280];
	_ =	sdelay $0x1  }
0x1b0: {  	v29 =	vld [tilespmem:s11+$0x500]  }
0x1b1: {  	(v2sf) =	vpush v27, $0x0;
	_ =	sdelay $0x1  }
0x1b2: {  	(v2sf) =	vpush v28, $0x0;
	_ =	sdelay $0x1  }
0x1b3: {  	(v2sf) =	vpush v29, $0x0;
	_ =	sdelay $0x1  }
0x1b4: {  	(v2sf) =	vpush v27, $0x1;
	_ =	sdelay $0x1  }
0x1b5: {  	(v2sf) =	vpush v28, $0x1;
	_ =	sdelay $0x1  }
0x1b6: {  	(v2sf) =	vpush v29, $0x1;
	_ =	sdelay $0x1  }
0x1b7: {  	(v2sf) =	vpush v27, $0x2;
	_ =	sdelay $0x1  }
0x1b8: {  	(v2sf) =	vpush v28, $0x2  }
0x1b9: {  	s23 =	spop (v2sf)  }
0x1ba: {  	(v2sf) =	vpush v29, $0x2;
	s20 =	sshra.s32 s23, $0x1F  }
0x1bb: {  	s19 =	sshrl.u32 s20, $0x19;
	s20 =	spop (v2sf)  }
0x1bc: {  	(v2sf) =	vpush v27, $0x3;
	s19 =	sadd.s32 s19, s23;
	s21 =	sshra.s32 s20, $0x1F  }
0x1bd: {  	s22 =	spop (v2sf);
	s19 =	sand.u32 $0xFFFFFF80, s19;
	s21 =	sshrl.u32 s21, $0x19  }
0x1be: {  	(v2sf) =	vpush v28, $0x3;
	s18 =	ssub.s32 s23, s19;
	s21 =	sadd.s32 s21, s20;
	s23 =	sshra.s32 s22, $0x1F  }
0x1bf: {  	v27 =	vadd.s32 s18, v1;
	s19 =	sand.u32 $0xFFFFFF80, s21;
	s21 =	sshrl.u32 s23, $0x19;
	s23 =	spop (v2sf)  }
0x1c0: {  	v28 =	vadd.s32 s18, v2;
	(v2sf) =	vpush v29, $0x3;
	s18 =	ssub.s32 s20, s19;
	s19 =	sadd.s32 s21, s22;
	s20 =	sshra.s32 s23, $0x1F  }
0x1c1: {  	s21 =	spop (v2sf);
	v29 =	vadd.s32 s18, v3;
	s19 =	sand.u32 $0xFFFFFF80, s19;
	s20 =	sshrl.u32 s20, $0x19  }
0x1c2: {  	v30 =	vadd.s32 s18, v4;
	s18 =	ssub.s32 s22, s19;
	s19 =	sadd.s32 s20, s23;
	s20 =	sshra.s32 s21, $0x1F  }
0x1c3: {  	s22 =	spop (v2sf);
	v31 =	vadd.s32 s18, v5;
	s19 =	sand.u32 $0xFFFFFF80, s19;
	s20 =	sshrl.u32 s20, $0x19  }
0x1c4: {  	v32 =	vadd.s32 s18, v6;
	v27 =	vld.idx.msk [tilespmem:v27+s17+$0x0], $0xffff;
	s18 =	ssub.s32 s23, s19;
	s19 =	sadd.s32 s20, s21;
	s20 =	sshra.s32 s22, $0x1F  }
0x1c5: {  	s23 =	spop (v2sf);
	v28 =	vld.idx.msk [tilespmem:v28+s17+$0x0], $0xffff;
	v33 =	vadd.s32 s18, v7;
	s19 =	sand.u32 $0xFFFFFF80, s19;
	s20 =	sshrl.u32 s20, $0x19  }
0x1c6: {  	v34 =	vadd.s32 s18, v8;
	v29 =	vld.idx.msk [tilespmem:v29+s17+$0x0], $0xffff;
	s18 =	ssub.s32 s21, s19;
	s19 =	sadd.s32 s20, s22;
	s20 =	sshra.s32 s23, $0x1F  }
0x1c7: {  	s21 =	spop (v2sf);
	v30 =	vld.idx.msk [tilespmem:v30+s17+$0x0], $0xffff;
	v35 =	vadd.s32 s18, v9;
	s19 =	sand.u32 $0xFFFFFF80, s19;
	s20 =	sshrl.u32 s20, $0x19  }
0x1c8: {  	v36 =	vadd.s32 s18, v10;
	v31 =	vld.idx.msk [tilespmem:v31+s17+$0x0], $0xffff;
	s18 =	ssub.s32 s22, s19;
	s19 =	sadd.s32 s20, s23;
	s20 =	sshra.s32 s21, $0x1F  }
0x1c9: {  	s22 =	spop (v2sf);
	v32 =	vld.idx.msk [tilespmem:v32+s17+$0x0], $0xffff;
	v37 =	vadd.s32 s18, v11;
	s19 =	sand.u32 $0xFFFFFF80, s19;
	s20 =	sshrl.u32 s20, $0x19  }
0x1ca: {  	v38 =	vadd.s32 s18, v12;
	v33 =	vld.idx.msk [tilespmem:v33+s17+$0x0], $0xffff;
	s18 =	ssub.s32 s23, s19;
	s19 =	sadd.s32 s20, s21;
	s20 =	sshra.s32 s22, $0x1F  }
0x1cb: {  	s23 =	spop (v2sf);
	v34 =	vld.idx.msk [tilespmem:v34+s17+$0x0], $0xffff;
	v39 =	vadd.s32 s18, v13;
	s19 =	sand.u32 $0xFFFFFF80, s19;
	s20 =	sshrl.u32 s20, $0x19  }
0x1cc: {  	v40 =	vadd.s32 s18, v14;
	v35 =	vld.idx.msk [tilespmem:v35+s17+$0x0], $0xffff;
	s18 =	ssub.s32 s21, s19;
	s19 =	sadd.s32 s20, s22;
	s20 =	sshra.s32 s23, $0x1F  }
0x1cd: {  	s21 =	spop (v2sf);
	v36 =	vld.idx.msk [tilespmem:v36+s17+$0x0], $0xffff;
	v41 =	vadd.s32 s18, v15;
	s19 =	sand.u32 $0xFFFFFF80, s19;
	s20 =	sshrl.u32 s20, $0x19  }
0x1ce: {  	v42 =	vadd.s32 s18, v16;
	v37 =	vld.idx.msk [tilespmem:v37+s17+$0x0], $0xffff;
	s18 =	ssub.s32 s22, s19;
	s20 =	sadd.s32 s20, s23;
	s22 =	sshra.s32 s21, $0x1F  }
0x1cf: {  	v38 =	vld.idx.msk [tilespmem:v38+s17+$0x0], $0xffff;
	v43 =	vadd.s32 s18, v17;
	s19 =	sand.u32 $0xFFFFFF80, s20;
	s20 =	sshrl.u32 s22, $0x19;
	s22 =	spop (v2sf)  }
0x1d0: {  	v44 =	vadd.s32 s18, v18;
	v39 =	vld.idx.msk [tilespmem:v39+s17+$0x0], $0xffff;
	s18 =	ssub.s32 s23, s19;
	s20 =	sadd.s32 s20, s21;
	s23 =	sshra.s32 s22, $0x1F  }
0x1d1: {  	v40 =	vld.idx.msk [tilespmem:v40+s17+$0x0], $0xffff;
	v45 =	vadd.s32 s18, v19;
	s19 =	sand.u32 $0xFFFFFF80, s20;
	s20 =	sshrl.u32 s23, $0x19  }
0x1d2: {  	v46 =	vadd.s32 s18, v20;
	s23 =	ssub.s32 s21, s19;
	v41 =	vld.idx.msk [tilespmem:v41+s17+$0x0], $0xffff;
	s21 =	sadd.s32 s20, s22  }
0x1d3: {  	v42 =	vld.idx.msk [tilespmem:v42+s17+$0x0], $0xffff;
	v47 =	vadd.s32 s23, v21;
	s19 =	sand.u32 $0xFFFFFF80, s21  }
0x1d4: {  	v48 =	vadd.s32 s23, v22;
	s23 =	ssub.s32 s22, s19;
	v43 =	vld.idx.msk [tilespmem:v43+s17+$0x0], $0xffff  }
0x1d5: {  	v44 =	vld.idx.msk [tilespmem:v44+s17+$0x0], $0xffff;
	v49 =	vadd.s32 s23, v23  }
0x1d6: {  	v50 =	vadd.s32 s23, v24;
	v45 =	vld.idx.msk [tilespmem:v45+s17+$0x0], $0xffff  }
0x1d7: {  	v46 =	vld.idx.msk [tilespmem:v46+s17+$0x0], $0xffff  }
0x1d8: {  	v47 =	vld.idx.msk [tilespmem:v47+s17+$0x0], $0xffff  }
0x1d9: {  	v29 =	vmul.f32 v29, v27;
	v30 =	vmul.f32 v30, v28;
	v48 =	vld.idx.msk [tilespmem:v48+s17+$0x0], $0xffff  }
0x1da: {  	v27 =	vmul.f32 v31, v27;
	v28 =	vmul.f32 v32, v28;
	v31 =	vld.idx.msk [tilespmem:v49+s17+$0x0], $0xffff  }
0x1db: {  	v29 =	vadd.f32 v30, v29;
	v30 =	vmul.f32 v35, v33;
	v58 =	vmul.f32 v36, v34;
	v59 =	vld.idx.msk [tilespmem:v50+s17+$0x0], $0xffff  }
0x1dc: {  	v27 =	vadd.f32 v28, v27;
	v28 =	vmul.f32 v37, v33;
	v60 =	vmul.f32 v38, v34  }
0x1dd: {  	(xrf2) =	vadd.scan.msk.f32 $0xffff, v29;
	v29 =	vadd.f32 v58, v30;
	v30 =	vmul.f32 v41, v39;
	v61 =	vmul.f32 v42, v40  }
0x1de: {  	(xrf2) =	vadd.scan.msk.f32 $0xffff, v27;
	v27 =	vadd.f32 v60, v28;
	v28 =	vmul.f32 v43, v39;
	v62 =	vmul.f32 v44, v40  }
0x1df: {  	(xrf2) =	vadd.scan.msk.f32 $0xffff, v29;
	v29 =	vadd.f32 v61, v30;
	v30 =	vmul.f32 v47, v45;
	v63 =	vmul.f32 v48, v46  }
0x1e0: {  	(xrf2) =	vadd.scan.msk.f32 $0xffff, v27;
	v27 =	vadd.f32 v62, v28;
	v28 =	vmul.f32 v31, v45;
	v31 =	vmul.f32 v59, v46  }
0x1e1: {  	(xrf2) =	vadd.scan.msk.f32 $0xffff, v29;
	v29 =	vadd.f32 v63, v30  }
0x1e2: {  	(xrf2) =	vadd.scan.msk.f32 $0xffff, v27;
	v27 =	vadd.f32 v31, v28  }
0x1e3: {  	(xrf2) =	vadd.scan.msk.f32 $0xffff, v29  }
0x1e4: {  	(xrf2) =	vadd.scan.msk.f32 $0xffff, v27;
	_ =	sdelay $0x2  }
0x1e5: {  	v33, _, _ =	vpop (xrf2)  }
0x1e6: {  	v34, _, _ =	vpop (xrf2)  }
0x1e7: {  	p0 =	seq.s32 s4, $0x7E0;
	v32, _, _ =	vpop (xrf2)  }
.Ltmp4:
0x1e8: {  	v31, _, _ =	vpop (xrf2);
	(pc) =	sbr.rel @p0 .LBB2_4-.Ltmp4, $4  }
0x1e9: {  	v30, _, _ =	vpop (xrf2)  }
0x1ea: {  	v29, _, _ =	vpop (xrf2)  }
0x1eb: {  	v28, _, _ =	vpop (xrf2)  }
0x1ec: {  	v27, _, _ =	vpop (xrf2)  }
0x1ed: {  	v36 =	vld [tilespmem:s11+$0x8];
	_ =	sdelay $0x4  }
0x1ee: {  	(v2sf) =	vpush v36, $0x0;
	_ =	sdelay $0x5  }
0x1ef: {  	(v2sf) =	vpush v36, $0x1;
	_ =	sdelay $0x8  }
0x1f0: {  	s18 =	spop (v2sf)  }
0x1f1: {  	(v2sf) =	vpush v36, $0x2;
	s19 =	sand.u32 $0x7F, s18  }
0x1f2: {  	s23 =	sshra.s32 s18, $0x1F;
	p1 =	slt.s32 s18, $0x1;
	p0 =	sne.s32 s19, $0x0  }
0x1f3: {  	s19 =	sshrl.u32 s23, $0x19;
	p0 =	por !p1, !p0  }
0x1f4: {  	s18 =	sadd.s32 s19, s18;
	s19 =	simm.s32 $0x1;
	p0 =	por !p0, !p0  }
0x1f5: {  	s18 =	sshrl.u32 s18, $0x7;
	s19 =	simm.s32 @!p0 $0x0  }
0x1f6: {  	s20 =	spop (v2sf);
	s18 =	ssub.s32 s18, s19  }
0x1f7: {  	s21 =	sand.u32 $0x7F, s20;
	s22 =	sshra.s32 s20, $0x1F;
	s18 =	sshll.u32 s18, $0x7  }
0x1f8: {  	(v2sf) =	vpush v36, $0x3;
	p4 =	slt.s32 s20, $0x1;
	p3 =	sne.s32 s21, $0x0;
	s18 =	sand.u32 $0x1FFFFF80, s18  }
0x1f9: {  	v37 =	vld [tilespmem:s11+$0x288];
	p0 =	por !p4, !p3;
	s19 =	sshrl.u32 s22, $0x19;
	s18 =	sadd.s32 s1, s18  }
0x1fa: {  	v35 =	vld [tilespmem:s11+$0x508];
	[tilespmem:s17], [sflag:$0x1] =	stream.strided.gather [hbm4b:s18+s15], $0x1000, s16, s15, $0x38  }
0x1fb: {  	p0 =	por !p0, !p0;
	s18 =	sadd.s32 s19, s20;
	s19 =	simm.s32 $0x1  }
0x1fc: {  	s18 =	sshrl.u32 s18, $0x7;
	s19 =	simm.s32 @!p0 $0x0  }
0x1fd: {  	s18 =	ssub.s32 s18, s19  }
0x1fe: {  	s18 =	sshll.u32 s18, $0x7  }
0x1ff: {  	s18 =	sand.u32 $0x1FFFFF80, s18  }
0x200: {  	s23 =	simm.s32 $0x1780;
	s18 =	sadd.s32 s1, s18;
	s20 =	spop (v2sf)  }
0x201: {  	[tilespmem:s23], [sflag:$0x2] =	stream.strided.gather [hbm4b:s18+s15], $0x1000, s16, s15, $0x38;
	[tilespmem:$0x18B80] =	vst v63  }
0x202: {  	(v2sf) =	vpush v37, $0x0;
	s21 =	sand.u32 $0x7F, s20  }
0x203: {  	s22 =	sshra.s32 s20, $0x1F;
	p6 =	slt.s32 s20, $0x1;
	p5 =	sne.s32 s21, $0x0  }
0x204: {  	s19 =	sshrl.u32 s22, $0x19;
	p0 =	por !p6, !p5  }
0x205: {  	s18 =	sadd.s32 s19, s20;
	s19 =	simm.s32 $0x1;
	p0 =	por !p0, !p0  }
0x206: {  	s18 =	sshrl.u32 s18, $0x7;
	s19 =	simm.s32 @!p0 $0x0  }
0x207: {  	s23 =	simm.s32 $0x2780;
	s20 =	spop (v2sf);
	s18 =	ssub.s32 s18, s19  }
0x208: {  	s21 =	sand.u32 $0x7F, s20;
	s22 =	sshra.s32 s20, $0x1F;
	s18 =	sshll.u32 s18, $0x7  }
0x209: {  	(v2sf) =	vpush v37, $0x1;
	p2 =	slt.s32 s20, $0x1;
	p1 =	sne.s32 s21, $0x0;
	s18 =	sand.u32 $0x1FFFFF80, s18  }
0x20a: {  	s19 =	sshrl.u32 s22, $0x19;
	p0 =	por !p2, !p1;
	s18 =	sadd.s32 s1, s18  }
0x20b: {  	[tilespmem:s23], [sflag:$0x3] =	stream.strided.gather [hbm4b:s18+s15], $0x1000, s16, s15, $0x38;
	[tilespmem:$0x18B80] =	vst v63  }
0x20c: {  	p0 =	por !p0, !p0;
	s18 =	sadd.s32 s19, s20;
	s19 =	simm.s32 $0x1  }
0x20d: {  	s18 =	sshrl.u32 s18, $0x7;
	s19 =	simm.s32 @!p0 $0x0  }
0x20e: {  	s18 =	ssub.s32 s18, s19  }
0x20f: {  	s18 =	sshll.u32 s18, $0x7  }
0x210: {  	s18 =	sand.u32 $0x1FFFFF80, s18  }
0x211: {  	s23 =	simm.s32 $0x3780;
	s18 =	sadd.s32 s1, s18;
	s20 =	spop (v2sf)  }
0x212: {  	[tilespmem:s23], [sflag:$0x4] =	stream.strided.gather [hbm4b:s18+s15], $0x1000, s16, s15, $0x38;
	[tilespmem:$0x18B80] =	vst v63  }
0x213: {  	(v2sf) =	vpush v37, $0x2;
	s21 =	sand.u32 $0x7F, s20  }
0x214: {  	s22 =	sshra.s32 s20, $0x1F;
	p4 =	slt.s32 s20, $0x1;
	p3 =	sne.s32 s21, $0x0  }
0x215: {  	s19 =	sshrl.u32 s22, $0x19;
	p0 =	por !p4, !p3  }
0x216: {  	s18 =	sadd.s32 s19, s20;
	s19 =	simm.s32 $0x1;
	p0 =	por !p0, !p0  }
0x217: {  	s18 =	sshrl.u32 s18, $0x7;
	s19 =	simm.s32 @!p0 $0x0  }
0x218: {  	s23 =	simm.s32 $0x4780;
	s20 =	spop (v2sf);
	s18 =	ssub.s32 s18, s19  }
0x219: {  	s21 =	sand.u32 $0x7F, s20;
	s22 =	sshra.s32 s20, $0x1F;
	s18 =	sshll.u32 s18, $0x7  }
0x21a: {  	(v2sf) =	vpush v37, $0x3;
	p6 =	slt.s32 s20, $0x1;
	p5 =	sne.s32 s21, $0x0;
	s18 =	sand.u32 $0x1FFFFF80, s18  }
0x21b: {  	s19 =	sshrl.u32 s22, $0x19;
	p0 =	por !p6, !p5;
	s18 =	sadd.s32 s2, s18  }
0x21c: {  	[tilespmem:s23], [sflag:$0x5] =	stream.strided.gather [hbm4b:s18+s15], $0x1000, s16, s15, $0x38;
	[tilespmem:$0x18B80] =	vst v63  }
0x21d: {  	p0 =	por !p0, !p0;
	s18 =	sadd.s32 s19, s20;
	s19 =	simm.s32 $0x1  }
0x21e: {  	s18 =	sshrl.u32 s18, $0x7;
	s19 =	simm.s32 @!p0 $0x0  }
0x21f: {  	s18 =	ssub.s32 s18, s19  }
0x220: {  	s18 =	sshll.u32 s18, $0x7  }
0x221: {  	s18 =	sand.u32 $0x1FFFFF80, s18  }
0x222: {  	s23 =	simm.s32 $0x5780;
	s18 =	sadd.s32 s2, s18;
	s20 =	spop (v2sf)  }
0x223: {  	[tilespmem:s23], [sflag:$0x6] =	stream.strided.gather [hbm4b:s18+s15], $0x1000, s16, s15, $0x38;
	[tilespmem:$0x18B80] =	vst v63  }
0x224: {  	(v2sf) =	vpush v35, $0x0;
	s21 =	sand.u32 $0x7F, s20  }
0x225: {  	s22 =	sshra.s32 s20, $0x1F;
	p2 =	slt.s32 s20, $0x1;
	p1 =	sne.s32 s21, $0x0  }
0x226: {  	s19 =	sshrl.u32 s22, $0x19;
	p0 =	por !p2, !p1  }
0x227: {  	s18 =	sadd.s32 s19, s20;
	s19 =	simm.s32 $0x1;
	p0 =	por !p0, !p0  }
0x228: {  	s18 =	sshrl.u32 s18, $0x7;
	s19 =	simm.s32 @!p0 $0x0  }
0x229: {  	s23 =	simm.s32 $0x6780;
	s20 =	spop (v2sf);
	s18 =	ssub.s32 s18, s19  }
0x22a: {  	s21 =	sand.u32 $0x7F, s20;
	s22 =	sshra.s32 s20, $0x1F;
	s18 =	sshll.u32 s18, $0x7  }
0x22b: {  	(v2sf) =	vpush v35, $0x1;
	p4 =	slt.s32 s20, $0x1;
	p3 =	sne.s32 s21, $0x0;
	s18 =	sand.u32 $0x1FFFFF80, s18  }
0x22c: {  	s19 =	sshrl.u32 s22, $0x19;
	p0 =	por !p4, !p3;
	s18 =	sadd.s32 s2, s18  }
0x22d: {  	[tilespmem:s23], [sflag:$0x7] =	stream.strided.gather [hbm4b:s18+s15], $0x1000, s16, s15, $0x38;
	[tilespmem:$0x18B80] =	vst v63  }
0x22e: {  	p0 =	por !p0, !p0;
	s18 =	sadd.s32 s19, s20;
	s19 =	simm.s32 $0x1  }
0x22f: {  	s18 =	sshrl.u32 s18, $0x7;
	s19 =	simm.s32 @!p0 $0x0  }
0x230: {  	s18 =	ssub.s32 s18, s19  }
0x231: {  	s18 =	sshll.u32 s18, $0x7  }
0x232: {  	s18 =	sand.u32 $0x1FFFFF80, s18  }
0x233: {  	s23 =	simm.s32 $0x7780;
	s18 =	sadd.s32 s2, s18;
	s20 =	spop (v2sf)  }
0x234: {  	[tilespmem:s23], [sflag:$0x8] =	stream.strided.gather [hbm4b:s18+s15], $0x1000, s16, s15, $0x38;
	[tilespmem:$0x18B80] =	vst v63  }
0x235: {  	(v2sf) =	vpush v35, $0x2;
	s21 =	sand.u32 $0x7F, s20  }
0x236: {  	s22 =	sshra.s32 s20, $0x1F;
	p6 =	slt.s32 s20, $0x1;
	p5 =	sne.s32 s21, $0x0  }
0x237: {  	s19 =	sshrl.u32 s22, $0x19;
	p0 =	por !p6, !p5  }
0x238: {  	s18 =	sadd.s32 s19, s20;
	s19 =	simm.s32 $0x1;
	p0 =	por !p0, !p0  }
0x239: {  	s18 =	sshrl.u32 s18, $0x7;
	s19 =	simm.s32 @!p0 $0x0  }
0x23a: {  	s23 =	simm.s32 $0x8780;
	s20 =	spop (v2sf);
	s18 =	ssub.s32 s18, s19  }
0x23b: {  	s21 =	sand.u32 $0x7F, s20;
	s22 =	sshra.s32 s20, $0x1F;
	s18 =	sshll.u32 s18, $0x7  }
0x23c: {  	(v2sf) =	vpush v35, $0x3;
	p2 =	slt.s32 s20, $0x1;
	p1 =	sne.s32 s21, $0x0;
	s18 =	sand.u32 $0x1FFFFF80, s18  }
0x23d: {  	s19 =	sshrl.u32 s22, $0x19;
	p0 =	por !p2, !p1;
	s18 =	sadd.s32 s2, s18  }
0x23e: {  	[tilespmem:s23], [sflag:$0x9] =	stream.strided.gather [hbm4b:s18+s15], $0x1000, s16, s15, $0x38;
	[tilespmem:$0x18B80] =	vst v63  }
0x23f: {  	p0 =	por !p0, !p0;
	s18 =	sadd.s32 s19, s20;
	s19 =	simm.s32 $0x1  }
0x240: {  	s18 =	sshrl.u32 s18, $0x7;
	s19 =	simm.s32 @!p0 $0x0  }
0x241: {  	s18 =	ssub.s32 s18, s19  }
0x242: {  	s18 =	sshll.u32 s18, $0x7  }
0x243: {  	s18 =	sand.u32 $0x1FFFFF80, s18  }
0x244: {  	s20 =	simm.s32 $0x9780;
	s23 =	spop (v2sf);
	s18 =	sadd.s32 s2, s18  }
0x245: {  	[tilespmem:s20], [sflag:$0xA] =	stream.strided.gather [hbm4b:s18+s15], $0x1000, s16, s15, $0x38;
	[tilespmem:$0x18B80] =	vst v63  }
0x246: {  	s21 =	sand.u32 $0x7F, s23  }
0x247: {  	s22 =	sshra.s32 s23, $0x1F;
	p4 =	slt.s32 s23, $0x1;
	p3 =	sne.s32 s21, $0x0  }
0x248: {  	s18 =	sshrl.u32 s22, $0x19;
	p0 =	por !p4, !p3  }
0x249: {  	s19 =	simm.s32 $0x1;
	s18 =	sadd.s32 s18, s23;
	p0 =	por !p0, !p0  }
0x24a: {  	s18 =	sshrl.u32 s18, $0x7;
	s19 =	simm.s32 @!p0 $0x0  }
0x24b: {  	s23 =	simm.s32 $0xA780;
	s20 =	spop (v2sf);
	s18 =	ssub.s32 s18, s19  }
0x24c: {  	s21 =	sand.u32 $0x7F, s20;
	s22 =	sshra.s32 s20, $0x1F;
	s18 =	sshll.u32 s18, $0x7  }
0x24d: {  	p6 =	slt.s32 s20, $0x1;
	p5 =	sne.s32 s21, $0x0;
	s18 =	sand.u32 $0x1FFFFF80, s18  }
0x24e: {  	s19 =	sshrl.u32 s22, $0x19;
	p0 =	por !p6, !p5;
	s18 =	sadd.s32 s2, s18  }
0x24f: {  	[tilespmem:s23], [sflag:$0xB] =	stream.strided.gather [hbm4b:s18+s15], $0x1000, s16, s15, $0x38;
	[tilespmem:$0x18B80] =	vst v63  }
0x250: {  	p0 =	por !p0, !p0;
	s18 =	sadd.s32 s19, s20;
	s19 =	simm.s32 $0x1  }
0x251: {  	s18 =	sshrl.u32 s18, $0x7;
	s19 =	simm.s32 @!p0 $0x0  }
.Ltmp5:
0x252: {  	s18 =	ssub.s32 s18, s19;
	(pc) =	sbr.rel .LBB2_4-.Ltmp5, $4  }
0x253: {  	s18 =	sshll.u32 s18, $0x7  }
0x254: {  	s18 =	sand.u32 $0x1FFFFF80, s18  }
0x255: {  	s23 =	simm.s32 $0xB780;
	s18 =	sadd.s32 s2, s18  }
0x256: {  	[tilespmem:s23], [sflag:$0xC] =	stream.strided.gather [hbm4b:s18+s15], $0x1000, s16, s15, $0x38;
	[tilespmem:$0x18B80] =	vst v63  }
.LBB2_6:
0x257: {  	_ =	sfence.sel $0x180000  }
0x258: {  	[bflag:$0x0] =	sbarrier.arrive $0xFFFF  }
0x259: {  	_ =	strace $0x90000047  }
0x25a: {  	s0 =	stileid.u32;
	[bflag:$0x2] =	sbarrier.arrive $0xFFFF  }
0x25b: {  	p0 =	sne.s32 s0, $0x0;
	s0 =	rddreg [dreg:$0x7]  }
0x25c: {  	s0 =	sadd.s32 @!p0 $0x100000, s0  }
0x25d: {  	[sflag:s0] =	ssyncadd.tile.s32 @!p0 $0x1;
	_ =	shalt  }
.Lfunc_end2:
_tile_overlayer_lowered:
.L_overlay_start_2:
0x25e: {  	(tag) =	ssettag $0x2  }
0x25f: {  	s0 =	rddreg [dreg:$0x0];
	s2 =	stileid.u32  }
0x260: {  	s1 =	rddreg [dreg:$0x1];
	p0 =	sne.s32 s2, $0x0  }
0x261: {  	s3 =	rddreg [dreg:$0x2];
	[bflag:$0x3] =	sbarrier.arrive $0xFFFF;
	s2 =	simm.s32 @!p0 $0x1C19  }
0x262: {  	[timem:s3], [sflag:s2] =	dma.local @!p0 [hbm:s0], s1  }
0x263: {  	s0 =	simm.s32 @!p0 $0x19  }
0x264: {  	_ =	swait.ge @!p0 [sflag:s0], s1  }
0x265: {  	s1 =	ssub.s32 @!p0 $0x0, s1;
	[sflag:s0] =	ssyncset.done @!p0 $0x0  }
0x266: {  	[sflag:s0] =	ssyncadd.s32 @!p0 s1  }
0x267: {  	[bflag:$0x3] =	sbarrier.arrive $0xFFFF  }
0x268: {  	_ =	shalt  }

</sc_bundles>
